<compile_context>
chip_gen: v7x
topology: tpu7x:2x2x1
jax: 0.10.2.dev20260603
libtpu: 0.0.44.dev20260713+nightly
codegen_flags: <defaults>
</compile_context>

<pallas_src>
import functools

import jax
import jax.numpy as jnp
from jax import lax
from jax.experimental import pallas as pl
from jax.experimental.pallas import tpu as pltpu
from jax.experimental.pallas import tpu_sc as plsc

_N = 16384
_B = 512
_NB = _N // _B
_FEAT = 128
_EMB = 64
_MESH = 64
_OUT = 128
_E = 262144


def _mine_kernel(f_ref, sq_ref, wp_ref, emb_ref, idx_ref):
    f = f_ref[...]
    sq = sq_ref[...]
    G = jnp.dot(f, f.T)
    D2 = (sq + sq.T) - 2.0 * G
    D = jnp.sqrt(jnp.maximum(D2, 0.0))

    col = lax.broadcasted_iota(jnp.int32, (_B, _B), 1)
    emb_ref[...] = jnp.dot(f, wp_ref[...])
    idx_ref[...] = jnp.zeros((_B, 16), jnp.int32)
    gbase = pl.program_id(0) * _B

    work = D
    for r in range(6):
        m = jnp.min(work, axis=1, keepdims=True)
        amin = jnp.min(jnp.where(work == m, col, _B), axis=1, keepdims=True)
        if r > 0:
            idx_ref[:, r - 1:r] = amin + gbase
        work = jnp.where(col == amin, jnp.inf, work)

    work2 = D
    for r in range(5):
        m = jnp.max(work2, axis=1, keepdims=True)
        amax = jnp.max(jnp.where(work2 == m, col, -1), axis=1, keepdims=True)
        s = 5 + (4 - r)
        idx_ref[:, s:s + 1] = amax + gbase
        work2 = jnp.where(col == amax, -jnp.inf, work2)


def _head_kernel(agg_ref, deg_ref, wm_ref, wc_ref, mg_ref, logits_ref):
    agg = agg_ref[0] + agg_ref[1]
    deg = deg_ref[0] + deg_ref[1]
    mean = agg / jnp.maximum(deg, 1.0)
    mg = jax.nn.relu(jnp.dot(mean, wm_ref[...]))
    mg_ref[...] = mg
    logits_ref[...] = jnp.dot(mg, wc_ref[...])


_EPW = _E // 32
_CH = 128
_NCHUNK = _EPW // _CH
_RPT = _N // 16
_NCAND = 10 * _N
_CPW = _NCAND // 32
_CCHUNK = _CPW // _CH


_P = 4


def _sc_cand_kernel(emb_hbm, cidx_hbm, cand_hbm, cidxv, rowsb, gsems, wsems):
    c = lax.axis_index("c")
    s = lax.axis_index("s")
    wid = s * 2 + c
    rows_i = [rowsb.at[i] for i in range(_P)]
    pltpu.sync_copy(cidx_hbm.at[pl.ds(wid * _CCHUNK, _CCHUNK)], cidxv)

    cbase = wid * _CPW

    def cbody(g, carry):
        for i in range(_P):
            k = g * _P + i
            @pl.when(g > 0)
            def _():
                pltpu.make_async_copy(
                    rows_i[i], cand_hbm.at[pl.ds(cbase, _CH)],
                    wsems.at[i]).wait()
            pltpu.async_copy(emb_hbm.at[cidxv.at[k]], rows_i[i], gsems.at[i])
        for i in range(_P):
            k = g * _P + i
            pltpu.make_async_copy(emb_hbm.at[cidxv.at[k]], rows_i[i],
                                  gsems.at[i]).wait()
            pltpu.async_copy(rows_i[i],
                             cand_hbm.at[pl.ds(cbase + k * _CH, _CH)],
                             wsems.at[i])
        return carry

    lax.fori_loop(0, _CCHUNK // _P, cbody, 0)
    for i in range(_P):
        pltpu.make_async_copy(rows_i[i], cand_hbm.at[pl.ds(cbase, _CH)],
                              wsems.at[i]).wait()


def _sc_cand_gather(emb, cidx2):
    mesh = plsc.VectorSubcoreMesh(core_axis_name="c", subcore_axis_name="s")
    run = functools.partial(
        pl.kernel,
        mesh=mesh,
        compiler_params=pltpu.CompilerParams(use_tc_tiling_on_sc=False),
        out_type=jax.ShapeDtypeStruct((_NCAND, _EMB), jnp.float32),
        scratch_types=[
            pltpu.VMEM((_CCHUNK, _CH), jnp.int32),
            pltpu.VMEM((_P, _CH, _EMB), jnp.float32),
            pltpu.SemaphoreType.DMA((_P,)),
            pltpu.SemaphoreType.DMA((_P,)),
        ],
    )(_sc_cand_kernel)
    return run(emb, cidx2)


def _sc_segment_kernel(emb_hbm, src_hbm, dst_hbm, zrows_hbm,
                       zdeg_hbm, aggp_hbm, degp_hbm,
                       srcv, dstv, rowsb, onesv,
                       agg_sh, deg_sh, gsems, ssems, dsems):
    c = lax.axis_index("c")
    s = lax.axis_index("s")
    wid = s * 2 + c
    row0 = s * _RPT
    rows_i = [rowsb.at[i] for i in range(_P)]

    pltpu.sync_copy(zrows_hbm, agg_sh.at[pl.ds(row0, _RPT)])
    pltpu.sync_copy(zdeg_hbm, deg_sh.at[pl.ds(row0, _RPT)])
    for i in range(_CH // 16):
        onesv[pl.ds(i * 16, 16)] = jnp.ones((16,), jnp.float32)

    pltpu.sync_copy(src_hbm.at[pl.ds(wid * _NCHUNK, _NCHUNK)], srcv)
    pltpu.sync_copy(dst_hbm.at[pl.ds(wid * _NCHUNK, _NCHUNK)], dstv)
    plsc.subcore_barrier()

    def body(g, carry):
        for i in range(_P):
            k = g * _P + i
            @pl.when(g > 0)
            def _():
                pltpu.make_async_copy(rows_i[i], agg_sh.at[dstv.at[k]],
                                      ssems.at[i]).wait()
                pltpu.make_async_copy(onesv, deg_sh.at[dstv.at[k]],
                                      dsems.at[i]).wait()
            pltpu.async_copy(emb_hbm.at[srcv.at[k]], rows_i[i], gsems.at[i])
        for i in range(_P):
            k = g * _P + i
            pltpu.make_async_copy(emb_hbm.at[srcv.at[k]], rows_i[i],
                                  gsems.at[i]).wait()
            pltpu.async_copy(rows_i[i], agg_sh.at[dstv.at[k]], ssems.at[i],
                             add=True)
            pltpu.async_copy(onesv, deg_sh.at[dstv.at[k]], dsems.at[i],
                             add=True)
        return carry

    lax.fori_loop(0, _NCHUNK // _P, body, 0)
    for i in range(_P):
        pltpu.make_async_copy(rows_i[i], agg_sh.at[dstv.at[0]],
                              ssems.at[i]).wait()
        pltpu.make_async_copy(onesv, deg_sh.at[dstv.at[0]],
                              dsems.at[i]).wait()
    plsc.subcore_barrier()

    out0 = c * _N + row0
    pltpu.sync_copy(agg_sh.at[pl.ds(row0, _RPT)],
                    aggp_hbm.at[pl.ds(out0, _RPT)])
    pltpu.sync_copy(deg_sh.at[pl.ds(row0, _RPT)],
                    degp_hbm.at[pl.ds(out0, _RPT)])


def _sc_segment_sum(emb, src2, dst2):
    mesh = plsc.VectorSubcoreMesh(core_axis_name="c", subcore_axis_name="s")
    zrows = jnp.zeros((_RPT, _EMB), jnp.float32)
    zdeg = jnp.zeros((_RPT,), jnp.float32)
    run = functools.partial(
        pl.kernel,
        mesh=mesh,
        compiler_params=pltpu.CompilerParams(use_tc_tiling_on_sc=False),
        out_type=[
            jax.ShapeDtypeStruct((2 * _N, _EMB), jnp.float32),
            jax.ShapeDtypeStruct((2 * _N,), jnp.float32),
        ],
        scratch_types=[
            pltpu.VMEM((_NCHUNK, _CH), jnp.int32),
            pltpu.VMEM((_NCHUNK, _CH), jnp.int32),
            pltpu.VMEM((_P, _CH, _EMB), jnp.float32),
            pltpu.VMEM((_CH,), jnp.float32),
            pltpu.VMEM_SHARED((_N, _EMB), jnp.float32),
            pltpu.VMEM_SHARED((_N,), jnp.float32),
            pltpu.SemaphoreType.DMA((_P,)),
            pltpu.SemaphoreType.DMA((_P,)),
            pltpu.SemaphoreType.DMA((_P,)),
        ],
    )(_sc_segment_kernel)
    return run(emb, src2, dst2, zrows, zdeg)


def kernel(patch_feats, edge_index, W_patch, W_mesh, W_cls):
    feats3 = patch_feats.reshape(_NB, _B, _FEAT)
    sq = jax.vmap(lambda f: jnp.sum(f * f, axis=1))(feats3).reshape(_N, 1)

    emb, cand_idx = pl.pallas_call(
        _mine_kernel,
        grid=(_NB,),
        in_specs=[
            pl.BlockSpec((_B, _FEAT), lambda b: (b, 0)),
            pl.BlockSpec((_B, 1), lambda b: (b, 0)),
            pl.BlockSpec((_FEAT, _EMB), lambda b: (0, 0)),
        ],
        out_specs=[
            pl.BlockSpec((_B, _EMB), lambda b: (b, 0)),
            pl.BlockSpec((_B, 16), lambda b: (b, 0)),
        ],
        out_shape=[
            jax.ShapeDtypeStruct((_N, _EMB), jnp.float32),
            jax.ShapeDtypeStruct((_N, 16), jnp.int32),
        ],
    )(patch_feats, sq, W_patch)

    cidx2 = cand_idx[:, :10].reshape(_NCAND // _CH, _CH)
    src2 = edge_index[0].reshape(_E // _CH, _CH)
    dst2 = edge_index[1].reshape(_E // _CH, _CH)
    cand = _sc_cand_gather(emb, cidx2)
    aggp, degp = _sc_segment_sum(emb, src2, dst2)
    aggp = aggp.reshape(2, _N, _EMB)
    degp = degp.reshape(2, _N, 1)

    cand4 = cand.reshape(_NB, _B, 10, _EMB)
    posc = cand4[:, :, :5, :]
    negc = cand4[:, :, 5:, :]
    emb3 = emb.reshape(_NB, _B, 1, _EMB)
    dpos = jnp.linalg.norm(emb3 - posc + 1e-6, axis=-1)
    dneg = jnp.linalg.norm(emb3 - negc + 1e-6, axis=-1)
    hp = jnp.argmax(dpos, axis=-1)[..., None, None]
    hn = jnp.argmin(dneg, axis=-1)[..., None, None]
    sl = jnp.arange(5).reshape(1, 1, 5, 1)
    pos = jnp.sum(jnp.where(hp == sl, posc, 0.0), axis=2)
    neg = jnp.sum(jnp.where(hn == sl, negc, 0.0), axis=2)
    pos = pos.reshape(_N, _EMB)
    neg = neg.reshape(_N, _EMB)

    rows = 1024
    mg, logits = pl.pallas_call(
        _head_kernel,
        grid=(_N // rows,),
        in_specs=[
            pl.BlockSpec((2, rows, _EMB), lambda b: (0, b, 0)),
            pl.BlockSpec((2, rows, 1), lambda b: (0, b, 0)),
            pl.BlockSpec((_EMB, _MESH), lambda b: (0, 0)),
            pl.BlockSpec((_MESH, _OUT), lambda b: (0, 0)),
        ],
        out_specs=[
            pl.BlockSpec((rows, _MESH), lambda b: (b, 0)),
            pl.BlockSpec((rows, _OUT), lambda b: (b, 0)),
        ],
        out_shape=[
            jax.ShapeDtypeStruct((_N, _MESH), jnp.float32),
            jax.ShapeDtypeStruct((_N, _OUT), jnp.float32),
        ],
    )(aggp, degp, W_mesh, W_cls)

    return (logits, mg, emb, pos, neg)

# --- scband reference (transcript-rebuilt; emitter-appended) ---
"""Pipeline reference for scband-test-network-8538394984947 (READ-ONLY COPY).

The authoritative reference and input builder live on the scoring server;
editing this copy changes nothing except your own understanding.
"""

import jax, jax.numpy as jnp
import numpy as np

N = 16384
B = 512
FEAT = 128
EMB = 64
MESH = 64
OUT = 128
E = 262144


def setup_inputs(seed: int = 0) -> dict:
    key = jax.random.key(seed)
    k1, k2, k3, k4, k5 = jax.random.split(key, 5)
    patch_feats = jax.random.normal(k1, (N, FEAT), dtype=jnp.float32)
    edge_index = jax.random.randint(k2, (2, E), 0, N, dtype=jnp.int32)
    W_patch = jax.random.normal(k3, (FEAT, EMB), dtype=jnp.float32) * 0.05
    W_mesh = jax.random.normal(k4, (EMB, MESH), dtype=jnp.float32) * 0.05
    W_cls = jax.random.normal(k5, (MESH, OUT), dtype=jnp.float32) * 0.05
    return {"patch_feats": patch_feats, "edge_index": edge_index,
            "W_patch": W_patch, "W_mesh": W_mesh, "W_cls": W_cls}


def reference(patch_feats, edge_index, W_patch, W_mesh, W_cls):
    nb = N // B
    feats = patch_feats.reshape(nb, B, FEAT)

    def per_batch(f):
        # SPMatrixDistanceV1: pairwise L2 distance on aggregated feats
        sq = jnp.sum(f * f, axis=1)
        D2 = sq[:, None] + sq[None, :] - 2.0 * (f @ f.T)
        D = jnp.sqrt(jnp.maximum(D2, 0.0))
        sorted_idx = jnp.argsort(D, axis=1)
        neg_idx = sorted_idx[:, -5:]   # 5 farthest
        pos_idx = sorted_idx[:, 1:6]   # 5 nearest (excluding self)
        # patch embedder (linear stand-in)
        emb = f @ W_patch
        # hardest-negative / hardest-positive mining (pairwise_distance, eps=1e-6)
        dneg = jnp.linalg.norm(emb[:, None, :] - emb[neg_idx] + 1e-6, axis=-1)
        dpos = jnp.linalg.norm(emb[:, None, :] - emb[pos_idx] + 1e-6, axis=-1)
        hn = jnp.argmin(dneg, axis=1)
        hp = jnp.argmax(dpos, axis=1)
        ar = jnp.arange(B)
        pos_emb = emb[pos_idx][ar, hp]
        neg_emb = emb[neg_idx][ar, hn]
        return emb, pos_emb, neg_emb

    emb, pos, neg = jax.vmap(per_batch)(feats)
    SP_embeddings = emb.reshape(N, EMB)
    positive_embeddings = pos.reshape(N, EMB)
    negative_embeddings = neg.reshape(N, EMB)

    # mesh embedder: mean-aggregate SP embeddings over mesh graph, then linear
    src = edge_index[0]
    dst = edge_index[1]
    agg = jax.ops.segment_sum(SP_embeddings[src], dst, num_segments=N)
    deg = jax.ops.segment_sum(jnp.ones((E,), dtype=SP_embeddings.dtype), dst, num_segments=N)
    MG_embeddings = jax.nn.relu((agg / jnp.maximum(deg, 1.0)[:, None]) @ W_mesh)

    logits = MG_embeddings @ W_cls  # classifier, bias=False
    return (logits, MG_embeddings, SP_embeddings, positive_embeddings, negative_embeddings)

if __name__ == "__main__":
    import jax
    _d = setup_inputs()
    print(jax.jit(kernel)(*tuple(_d.values())))

</pallas_src>

<mosaic_0001>
#map = affine_map<(d0, d1) -> (0, 0)>
module attributes {stable_mosaic.version = 14 : i64} {
  func.func @_sc_cand_kernel(%arg0: i32, %arg1: i32, %arg2: memref<16384x64xf32, #tpu.memory_space<hbm>>, %arg3: memref<1280x128xi32, #tpu.memory_space<hbm>>, %arg4: memref<163840x64xf32, #tpu.memory_space<hbm>>, %arg5: memref<40x128xi32, #tpu.memory_space<vmem>>, %arg6: memref<4x128x64xf32, #tpu.memory_space<vmem>>, %arg7: memref<4x!tpu.dma_semaphore, #tpu.memory_space<semaphore_mem>>, %arg8: memref<4x!tpu.dma_semaphore, #tpu.memory_space<semaphore_mem>>) attributes {dimension_semantics = [#tpu.dimension_semantics<core_parallel>, #tpu.dimension_semantics<subcore_parallel>], iteration_bounds = array<i64: 2, 16>, scalar_prefetch = 0 : i64, scratch_operands = 4 : i64, tpu.core_type = #tpu.core_type<sc_vector_subcore>, window_params = [{transform_indices = #map}, {transform_indices = #map}, {transform_indices = #map}]} {
    %mul3A = arith.constant 2 : i32
    %mul3A_0 = arith.muli %arg1, %mul3A : i32
    %add3A = arith.addi %mul3A_0, %arg0 : i32
    %mul3A_1 = arith.constant 40 : i32
    %mul3A_2 = arith.muli %add3A, %mul3A_1 : i32
    "tpu.region"() ({
      %run_scoped3A = tpu.sem_alloc : memref<!tpu.dma_semaphore, #tpu.memory_space<semaphore_mem>>
      %dma_start3A = arith.constant 0 : i32
      %dma_start3A_77 = tpu.memref_slice %arg3[%mul3A_2, %dma_start3A] : memref<1280x128xi32, #tpu.memory_space<hbm>> -> memref<40x128xi32, #tpu.memory_space<hbm>>
      %dma_start3A_78 = arith.constant 0 : i32
      %dma_start3A_79 = tpu.memref_slice %arg3[%mul3A_2, %dma_start3A_78] : memref<1280x128xi32, #tpu.memory_space<hbm>> -> memref<40x128xi32, #tpu.memory_space<hbm>>
      tpu.enqueue_dma source(%dma_start3A_79 : memref<40x128xi32, #tpu.memory_space<hbm>>) target(%arg5 : memref<40x128xi32, #tpu.memory_space<vmem>>) target_semaphore(%run_scoped3A : memref<!tpu.dma_semaphore, #tpu.memory_space<semaphore_mem>>)
      %dma_wait3A_80 = arith.constant 0 : i32
      %dma_wait3A_81 = tpu.memref_slice %arg3[%mul3A_2, %dma_wait3A_80] : memref<1280x128xi32, #tpu.memory_space<hbm>> -> memref<40x128xi32, #tpu.memory_space<hbm>>
      %dma_wait3A_82 = arith.constant 0 : i32
      %dma_wait3A_83 = tpu.memref_slice %arg3[%mul3A_2, %dma_wait3A_82] : memref<1280x128xi32, #tpu.memory_space<hbm>> -> memref<40x128xi32, #tpu.memory_space<hbm>>
      tpu.wait_dma2 semaphore(%run_scoped3A : memref<!tpu.dma_semaphore, #tpu.memory_space<semaphore_mem>>) src(%dma_wait3A_83 : memref<40x128xi32, #tpu.memory_space<hbm>>) dst(%arg5 : memref<40x128xi32, #tpu.memory_space<vmem>>)
      tpu.yield
    }) : () -> ()
    %mul3A_3 = arith.constant 5120 : i32
    %mul3A_4 = arith.muli %add3A, %mul3A_3 : i32
    %scan3A = arith.constant 0 : i32
    %scan3A_5 = arith.constant 0 : i32
    %scan3A_6 = arith.constant 1 : i32
    %scan3A_7 = arith.constant 2 : i32
    %scan3A_8 = arith.constant 3 : i32
    %scan3A_9 = arith.constant 0 : i32
    %scan3A_10 = arith.constant 10 : i32
    %scan3A_11 = arith.addi %scan3A_9, %scan3A_10 : i32
    %scan3A_12 = arith.constant 1 : i32
    scf.for %scan3A_77 = %scan3A_9 to %scan3A_11 step %scan3A_12  : i32 {
      %mul3A_78 = arith.constant 4 : i32
      %mul3A_79 = arith.muli %scan3A_77, %mul3A_78 : i32
      %add3A_80 = arith.constant 0 : i32
      %add3A_81 = arith.addi %mul3A_79, %add3A_80 : i32
      %gt3A = arith.constant 0 : i32
      %gt3A_82 = arith.cmpi sgt, %scan3A_77, %gt3A : i32
      %convert_element_type3A = arith.extui %gt3A_82 : i1 to i32
      %cond3A = arith.constant 0 : i32
      %cond3A_83 = arith.cmpi ne, %convert_element_type3A, %cond3A : i32
      scf.if %cond3A_83 {
        %dma_wait3A_302 = arith.constant 0 : i32
        %dma_wait3A_303 = arith.constant 0 : i32
        %dma_wait3A_304 = arith.constant 0 : i32
        %dma_wait3A_305 = tpu.memref_slice %arg6[%scan3A_5, %dma_wait3A_303, %dma_wait3A_304] : memref<4x128x64xf32, #tpu.memory_space<vmem>> -> memref<1x128x64xf32, #tpu.memory_space<vmem>>
        %dma_wait3A_306 = tpu.memref_squeeze %dma_wait3A_305 : memref<1x128x64xf32, #tpu.memory_space<vmem>> -> memref<128x64xf32, #tpu.memory_space<vmem>>
        %dma_wait3A_307 = arith.constant 0 : i32
        %dma_wait3A_308 = tpu.memref_slice %arg4[%mul3A_4, %dma_wait3A_307] : memref<163840x64xf32, #tpu.memory_space<hbm>> -> memref<128x64xf32, #tpu.memory_space<hbm>>
        %dma_wait3A_309 = tpu.memref_slice %arg8[%dma_wait3A_302] : memref<4x!tpu.dma_semaphore, #tpu.memory_space<semaphore_mem>> -> memref<1x!tpu.dma_semaphore, #tpu.memory_space<semaphore_mem>>
        %dma_wait3A_310 = tpu.memref_squeeze %dma_wait3A_309 : memref<1x!tpu.dma_semaphore, #tpu.memory_space<semaphore_mem>> -> memref<!tpu.dma_semaphore, #tpu.memory_space<semaphore_mem>>
        %dma_wait3A_311 = arith.constant 0 : i32
        %dma_wait3A_312 = tpu.memref_slice %arg4[%mul3A_4, %dma_wait3A_311] : memref<163840x64xf32, #tpu.memory_space<hbm>> -> memref<128x64xf32, #tpu.memory_space<hbm>>
        %dma_wait3A_313 = arith.constant 0 : i32
        %dma_wait3A_314 = arith.constant 0 : i32
        %dma_wait3A_315 = tpu.memref_slice %arg6[%scan3A_5, %dma_wait3A_313, %dma_wait3A_314] : memref<4x128x64xf32, #tpu.memory_space<vmem>> -> memref<1x128x64xf32, #tpu.memory_space<vmem>>
        %dma_wait3A_316 = tpu.memref_squeeze %dma_wait3A_315 : memref<1x128x64xf32, #tpu.memory_space<vmem>> -> memref<128x64xf32, #tpu.memory_space<vmem>>
        tpu.wait_dma2 semaphore(%dma_wait3A_310 : memref<!tpu.dma_semaphore, #tpu.memory_space<semaphore_mem>>) src(%dma_wait3A_316 : memref<128x64xf32, #tpu.memory_space<vmem>>) dst(%dma_wait3A_312 : memref<128x64xf32, #tpu.memory_space<hbm>>)
      } else {
      }
      %dma_start3A = arith.constant 0 : i32
      %dma_start3A_84 = arith.constant 0 : i32
      %dma_start3A_85 = arith.constant 0 : i32
      %dma_start3A_86 = tpu.memref_slice %arg6[%scan3A_5, %dma_start3A_84, %dma_start3A_85] : memref<4x128x64xf32, #tpu.memory_space<vmem>> -> memref<1x128x64xf32, #tpu.memory_space<vmem>>
      %dma_start3A_87 = tpu.memref_squeeze %dma_start3A_86 : memref<1x128x64xf32, #tpu.memory_space<vmem>> -> memref<128x64xf32, #tpu.memory_space<vmem>>
      %dma_start3A_88 = arith.constant 0 : i32
      %dma_start3A_89 = tpu.memref_slice %arg5[%add3A_81, %dma_start3A_88] : memref<40x128xi32, #tpu.memory_space<vmem>> -> memref<1x128xi32, #tpu.memory_space<vmem>>
      %dma_start3A_90 = tpu.memref_squeeze %dma_start3A_89 : memref<1x128xi32, #tpu.memory_space<vmem>> -> memref<128xi32, #tpu.memory_space<vmem>>
      %dma_start3A_91 = arith.constant 0 : i32
      %dma_start3A_92 = arith.constant 0 : i32
      %dma_start3A_93 = tpu.memref_slice %arg2[%dma_start3A_91, %dma_start3A_92] : memref<16384x64xf32, #tpu.memory_space<hbm>> -> memref<16384x64xf32, #tpu.memory_space<hbm>>
      %dma_start3A_94 = tpu.memref_slice %arg7[%dma_start3A] : memref<4x!tpu.dma_semaphore, #tpu.memory_space<semaphore_mem>> -> memref<1x!tpu.dma_semaphore, #tpu.memory_space<semaphore_mem>>
      %dma_start3A_95 = tpu.memref_squeeze %dma_start3A_94 : memref<1x!tpu.dma_semaphore, #tpu.memory_space<semaphore_mem>> -> memref<!tpu.dma_semaphore, #tpu.memory_space<semaphore_mem>>
      tpu.enqueue_indirect_dma source(%dma_start3A_93 : memref<16384x64xf32, #tpu.memory_space<hbm>>) target(%dma_start3A_87 : memref<128x64xf32, #tpu.memory_space<vmem>>) offsets(%dma_start3A_90 : memref<128xi32, #tpu.memory_space<vmem>>) semaphore(%dma_start3A_95 : memref<!tpu.dma_semaphore, #tpu.memory_space<semaphore_mem>>)
      %mul3A_96 = arith.constant 4 : i32
      %mul3A_97 = arith.muli %scan3A_77, %mul3A_96 : i32
      %add3A_98 = arith.constant 1 : i32
      %add3A_99 = arith.addi %mul3A_97, %add3A_98 : i32
      %gt3A_100 = arith.constant 0 : i32
      %gt3A_101 = arith.cmpi sgt, %scan3A_77, %gt3A_100 : i32
      %convert_element_type3A_102 = arith.extui %gt3A_101 : i1 to i32
      %cond3A_103 = arith.constant 0 : i32
      %cond3A_104 = arith.cmpi ne, %convert_element_type3A_102, %cond3A_103 : i32
      scf.if %cond3A_104 {
        %dma_wait3A_302 = arith.constant 1 : i32
        %dma_wait3A_303 = arith.constant 0 : i32
        %dma_wait3A_304 = arith.constant 0 : i32
        %dma_wait3A_305 = tpu.memref_slice %arg6[%scan3A_6, %dma_wait3A_303, %dma_wait3A_304] : memref<4x128x64xf32, #tpu.memory_space<vmem>> -> memref<1x128x64xf32, #tpu.memory_space<vmem>>
        %dma_wait3A_306 = tpu.memref_squeeze %dma_wait3A_305 : memref<1x128x64xf32, #tpu.memory_space<vmem>> -> memref<128x64xf32, #tpu.memory_space<vmem>>
        %dma_wait3A_307 = arith.constant 0 : i32
        %dma_wait3A_308 = tpu.memref_slice %arg4[%mul3A_4, %dma_wait3A_307] : memref<163840x64xf32, #tpu.memory_space<hbm>> -> memref<128x64xf32, #tpu.memory_space<hbm>>
        %dma_wait3A_309 = tpu.memref_slice %arg8[%dma_wait3A_302] : memref<4x!tpu.dma_semaphore, #tpu.memory_space<semaphore_mem>> -> memref<1x!tpu.dma_semaphore, #tpu.memory_space<semaphore_mem>>
        %dma_wait3A_310 = tpu.memref_squeeze %dma_wait3A_309 : memref<1x!tpu.dma_semaphore, #tpu.memory_space<semaphore_mem>> -> memref<!tpu.dma_semaphore, #tpu.memory_space<semaphore_mem>>
        %dma_wait3A_311 = arith.constant 0 : i32
        %dma_wait3A_312 = tpu.memref_slice %arg4[%mul3A_4, %dma_wait3A_311] : memref<163840x64xf32, #tpu.memory_space<hbm>> -> memref<128x64xf32, #tpu.memory_space<hbm>>
        %dma_wait3A_313 = arith.constant 0 : i32
        %dma_wait3A_314 = arith.constant 0 : i32
        %dma_wait3A_315 = tpu.memref_slice %arg6[%scan3A_6, %dma_wait3A_313, %dma_wait3A_314] : memref<4x128x64xf32, #tpu.memory_space<vmem>> -> memref<1x128x64xf32, #tpu.memory_space<vmem>>
        %dma_wait3A_316 = tpu.memref_squeeze %dma_wait3A_315 : memref<1x128x64xf32, #tpu.memory_space<vmem>> -> memref<128x64xf32, #tpu.memory_space<vmem>>
        tpu.wait_dma2 semaphore(%dma_wait3A_310 : memref<!tpu.dma_semaphore, #tpu.memory_space<semaphore_mem>>) src(%dma_wait3A_316 : memref<128x64xf32, #tpu.memory_space<vmem>>) dst(%dma_wait3A_312 : memref<128x64xf32, #tpu.memory_space<hbm>>)
      } else {
      }
      %dma_start3A_105 = arith.constant 1 : i32
      %dma_start3A_106 = arith.constant 0 : i32
      %dma_start3A_107 = arith.constant 0 : i32
      %dma_start3A_108 = tpu.memref_slice %arg6[%scan3A_6, %dma_start3A_106, %dma_start3A_107] : memref<4x128x64xf32, #tpu.memory_space<vmem>> -> memref<1x128x64xf32, #tpu.memory_space<vmem>>
      %dma_start3A_109 = tpu.memref_squeeze %dma_start3A_108 : memref<1x128x64xf32, #tpu.memory_space<vmem>> -> memref<128x64xf32, #tpu.memory_space<vmem>>
      %dma_start3A_110 = arith.constant 0 : i32
      %dma_start3A_111 = tpu.memref_slice %arg5[%add3A_99, %dma_start3A_110] : memref<40x128xi32, #tpu.memory_space<vmem>> -> memref<1x128xi32, #tpu.memory_space<vmem>>
      %dma_start3A_112 = tpu.memref_squeeze %dma_start3A_111 : memref<1x128xi32, #tpu.memory_space<vmem>> -> memref<128xi32, #tpu.memory_space<vmem>>
      %dma_start3A_113 = arith.constant 0 : i32
      %dma_start3A_114 = arith.constant 0 : i32
      %dma_start3A_115 = tpu.memref_slice %arg2[%dma_start3A_113, %dma_start3A_114] : memref<16384x64xf32, #tpu.memory_space<hbm>> -> memref<16384x64xf32, #tpu.memory_space<hbm>>
      %dma_start3A_116 = tpu.memref_slice %arg7[%dma_start3A_105] : memref<4x!tpu.dma_semaphore, #tpu.memory_space<semaphore_mem>> -> memref<1x!tpu.dma_semaphore, #tpu.memory_space<semaphore_mem>>
      %dma_start3A_117 = tpu.memref_squeeze %dma_start3A_116 : memref<1x!tpu.dma_semaphore, #tpu.memory_space<semaphore_mem>> -> memref<!tpu.dma_semaphore, #tpu.memory_space<semaphore_mem>>
      tpu.enqueue_indirect_dma source(%dma_start3A_115 : memref<16384x64xf32, #tpu.memory_space<hbm>>) target(%dma_start3A_109 : memref<128x64xf32, #tpu.memory_space<vmem>>) offsets(%dma_start3A_112 : memref<128xi32, #tpu.memory_space<vmem>>) semaphore(%dma_start3A_117 : memref<!tpu.dma_semaphore, #tpu.memory_space<semaphore_mem>>)
      %mul3A_118 = arith.constant 4 : i32
      %mul3A_119 = arith.muli %scan3A_77, %mul3A_118 : i32
      %add3A_120 = arith.constant 2 : i32
      %add3A_121 = arith.addi %mul3A_119, %add3A_120 : i32
      %gt3A_122 = arith.constant 0 : i32
      %gt3A_123 = arith.cmpi sgt, %scan3A_77, %gt3A_122 : i32
      %convert_element_type3A_124 = arith.extui %gt3A_123 : i1 to i32
      %cond3A_125 = arith.constant 0 : i32
      %cond3A_126 = arith.cmpi ne, %convert_element_type3A_124, %cond3A_125 : i32
      scf.if %cond3A_126 {
        %dma_wait3A_302 = arith.constant 2 : i32
        %dma_wait3A_303 = arith.constant 0 : i32
        %dma_wait3A_304 = arith.constant 0 : i32
        %dma_wait3A_305 = tpu.memref_slice %arg6[%scan3A_7, %dma_wait3A_303, %dma_wait3A_304] : memref<4x128x64xf32, #tpu.memory_space<vmem>> -> memref<1x128x64xf32, #tpu.memory_space<vmem>>
        %dma_wait3A_306 = tpu.memref_squeeze %dma_wait3A_305 : memref<1x128x64xf32, #tpu.memory_space<vmem>> -> memref<128x64xf32, #tpu.memory_space<vmem>>
        %dma_wait3A_307 = arith.constant 0 : i32
        %dma_wait3A_308 = tpu.memref_slice %arg4[%mul3A_4, %dma_wait3A_307] : memref<163840x64xf32, #tpu.memory_space<hbm>> -> memref<128x64xf32, #tpu.memory_space<hbm>>
        %dma_wait3A_309 = tpu.memref_slice %arg8[%dma_wait3A_302] : memref<4x!tpu.dma_semaphore, #tpu.memory_space<semaphore_mem>> -> memref<1x!tpu.dma_semaphore, #tpu.memory_space<semaphore_mem>>
        %dma_wait3A_310 = tpu.memref_squeeze %dma_wait3A_309 : memref<1x!tpu.dma_semaphore, #tpu.memory_space<semaphore_mem>> -> memref<!tpu.dma_semaphore, #tpu.memory_space<semaphore_mem>>
        %dma_wait3A_311 = arith.constant 0 : i32
        %dma_wait3A_312 = tpu.memref_slice %arg4[%mul3A_4, %dma_wait3A_311] : memref<163840x64xf32, #tpu.memory_space<hbm>> -> memref<128x64xf32, #tpu.memory_space<hbm>>
        %dma_wait3A_313 = arith.constant 0 : i32
        %dma_wait3A_314 = arith.constant 0 : i32
        %dma_wait3A_315 = tpu.memref_slice %arg6[%scan3A_7, %dma_wait3A_313, %dma_wait3A_314] : memref<4x128x64xf32, #tpu.memory_space<vmem>> -> memref<1x128x64xf32, #tpu.memory_space<vmem>>
        %dma_wait3A_316 = tpu.memref_squeeze %dma_wait3A_315 : memref<1x128x64xf32, #tpu.memory_space<vmem>> -> memref<128x64xf32, #tpu.memory_space<vmem>>
        tpu.wait_dma2 semaphore(%dma_wait3A_310 : memref<!tpu.dma_semaphore, #tpu.memory_space<semaphore_mem>>) src(%dma_wait3A_316 : memref<128x64xf32, #tpu.memory_space<vmem>>) dst(%dma_wait3A_312 : memref<128x64xf32, #tpu.memory_space<hbm>>)
      } else {
      }
      %dma_start3A_127 = arith.constant 2 : i32
      %dma_start3A_128 = arith.constant 0 : i32
      %dma_start3A_129 = arith.constant 0 : i32
      %dma_start3A_130 = tpu.memref_slice %arg6[%scan3A_7, %dma_start3A_128, %dma_start3A_129] : memref<4x128x64xf32, #tpu.memory_space<vmem>> -> memref<1x128x64xf32, #tpu.memory_space<vmem>>
      %dma_start3A_131 = tpu.memref_squeeze %dma_start3A_130 : memref<1x128x64xf32, #tpu.memory_space<vmem>> -> memref<128x64xf32, #tpu.memory_space<vmem>>
      %dma_start3A_132 = arith.constant 0 : i32
      %dma_start3A_133 = tpu.memref_slice %arg5[%add3A_121, %dma_start3A_132] : memref<40x128xi32, #tpu.memory_space<vmem>> -> memref<1x128xi32, #tpu.memory_space<vmem>>
      %dma_start3A_134 = tpu.memref_squeeze %dma_start3A_133 : memref<1x128xi32, #tpu.memory_space<vmem>> -> memref<128xi32, #tpu.memory_space<vmem>>
      %dma_start3A_135 = arith.constant 0 : i32
      %dma_start3A_136 = arith.constant 0 : i32
      %dma_start3A_137 = tpu.memref_slice %arg2[%dma_start3A_135, %dma_start3A_136] : memref<16384x64xf32, #tpu.memory_space<hbm>> -> memref<16384x64xf32, #tpu.memory_space<hbm>>
      %dma_start3A_138 = tpu.memref_slice %arg7[%dma_start3A_127] : memref<4x!tpu.dma_semaphore, #tpu.memory_space<semaphore_mem>> -> memref<1x!tpu.dma_semaphore, #tpu.memory_space<semaphore_mem>>
      %dma_start3A_139 = tpu.memref_squeeze %dma_start3A_138 : memref<1x!tpu.dma_semaphore, #tpu.memory_space<semaphore_mem>> -> memref<!tpu.dma_semaphore, #tpu.memory_space<semaphore_mem>>
      tpu.enqueue_indirect_dma source(%dma_start3A_137 : memref<16384x64xf32, #tpu.memory_space<hbm>>) target(%dma_start3A_131 : memref<128x64xf32, #tpu.memory_space<vmem>>) offsets(%dma_start3A_134 : memref<128xi32, #tpu.memory_space<vmem>>) semaphore(%dma_start3A_139 : memref<!tpu.dma_semaphore, #tpu.memory_space<semaphore_mem>>)
      %mul3A_140 = arith.constant 4 : i32
      %mul3A_141 = arith.muli %scan3A_77, %mul3A_140 : i32
      %add3A_142 = arith.constant 3 : i32
      %add3A_143 = arith.addi %mul3A_141, %add3A_142 : i32
      %gt3A_144 = arith.constant 0 : i32
      %gt3A_145 = arith.cmpi sgt, %scan3A_77, %gt3A_144 : i32
      %convert_element_type3A_146 = arith.extui %gt3A_145 : i1 to i32
      %cond3A_147 = arith.constant 0 : i32
      %cond3A_148 = arith.cmpi ne, %convert_element_type3A_146, %cond3A_147 : i32
      scf.if %cond3A_148 {
        %dma_wait3A_302 = arith.constant 3 : i32
        %dma_wait3A_303 = arith.constant 0 : i32
        %dma_wait3A_304 = arith.constant 0 : i32
        %dma_wait3A_305 = tpu.memref_slice %arg6[%scan3A_8, %dma_wait3A_303, %dma_wait3A_304] : memref<4x128x64xf32, #tpu.memory_space<vmem>> -> memref<1x128x64xf32, #tpu.memory_space<vmem>>
        %dma_wait3A_306 = tpu.memref_squeeze %dma_wait3A_305 : memref<1x128x64xf32, #tpu.memory_space<vmem>> -> memref<128x64xf32, #tpu.memory_space<vmem>>
        %dma_wait3A_307 = arith.constant 0 : i32
        %dma_wait3A_308 = tpu.memref_slice %arg4[%mul3A_4, %dma_wait3A_307] : memref<163840x64xf32, #tpu.memory_space<hbm>> -> memref<128x64xf32, #tpu.memory_space<hbm>>
        %dma_wait3A_309 = tpu.memref_slice %arg8[%dma_wait3A_302] : memref<4x!tpu.dma_semaphore, #tpu.memory_space<semaphore_mem>> -> memref<1x!tpu.dma_semaphore, #tpu.memory_space<semaphore_mem>>
        %dma_wait3A_310 = tpu.memref_squeeze %dma_wait3A_309 : memref<1x!tpu.dma_semaphore, #tpu.memory_space<semaphore_mem>> -> memref<!tpu.dma_semaphore, #tpu.memory_space<semaphore_mem>>
        %dma_wait3A_311 = arith.constant 0 : i32
        %dma_wait3A_312 = tpu.memref_slice %arg4[%mul3A_4, %dma_wait3A_311] : memref<163840x64xf32, #tpu.memory_space<hbm>> -> memref<128x64xf32, #tpu.memory_space<hbm>>
        %dma_wait3A_313 = arith.constant 0 : i32
        %dma_wait3A_314 = arith.constant 0 : i32
        %dma_wait3A_315 = tpu.memref_slice %arg6[%scan3A_8, %dma_wait3A_313, %dma_wait3A_314] : memref<4x128x64xf32, #tpu.memory_space<vmem>> -> memref<1x128x64xf32, #tpu.memory_space<vmem>>
        %dma_wait3A_316 = tpu.memref_squeeze %dma_wait3A_315 : memref<1x128x64xf32, #tpu.memory_space<vmem>> -> memref<128x64xf32, #tpu.memory_space<vmem>>
        tpu.wait_dma2 semaphore(%dma_wait3A_310 : memref<!tpu.dma_semaphore, #tpu.memory_space<semaphore_mem>>) src(%dma_wait3A_316 : memref<128x64xf32, #tpu.memory_space<vmem>>) dst(%dma_wait3A_312 : memref<128x64xf32, #tpu.memory_space<hbm>>)
      } else {
      }
      %dma_start3A_149 = arith.constant 3 : i32
      %dma_start3A_150 = arith.constant 0 : i32
      %dma_start3A_151 = arith.constant 0 : i32
      %dma_start3A_152 = tpu.memref_slice %arg6[%scan3A_8, %dma_start3A_150, %dma_start3A_151] : memref<4x128x64xf32, #tpu.memory_space<vmem>> -> memref<1x128x64xf32, #tpu.memory_space<vmem>>
      %dma_start3A_153 = tpu.memref_squeeze %dma_start3A_152 : memref<1x128x64xf32, #tpu.memory_space<vmem>> -> memref<128x64xf32, #tpu.memory_space<vmem>>
      %dma_start3A_154 = arith.constant 0 : i32
      %dma_start3A_155 = tpu.memref_slice %arg5[%add3A_143, %dma_start3A_154] : memref<40x128xi32, #tpu.memory_space<vmem>> -> memref<1x128xi32, #tpu.memory_space<vmem>>
      %dma_start3A_156 = tpu.memref_squeeze %dma_start3A_155 : memref<1x128xi32, #tpu.memory_space<vmem>> -> memref<128xi32, #tpu.memory_space<vmem>>
      %dma_start3A_157 = arith.constant 0 : i32
      %dma_start3A_158 = arith.constant 0 : i32
      %dma_start3A_159 = tpu.memref_slice %arg2[%dma_start3A_157, %dma_start3A_158] : memref<16384x64xf32, #tpu.memory_space<hbm>> -> memref<16384x64xf32, #tpu.memory_space<hbm>>
      %dma_start3A_160 = tpu.memref_slice %arg7[%dma_start3A_149] : memref<4x!tpu.dma_semaphore, #tpu.memory_space<semaphore_mem>> -> memref<1x!tpu.dma_semaphore, #tpu.memory_space<semaphore_mem>>
      %dma_start3A_161 = tpu.memref_squeeze %dma_start3A_160 : memref<1x!tpu.dma_semaphore, #tpu.memory_space<semaphore_mem>> -> memref<!tpu.dma_semaphore, #tpu.memory_space<semaphore_mem>>
      tpu.enqueue_indirect_dma source(%dma_start3A_159 : memref<16384x64xf32, #tpu.memory_space<hbm>>) target(%dma_start3A_153 : memref<128x64xf32, #tpu.memory_space<vmem>>) offsets(%dma_start3A_156 : memref<128xi32, #tpu.memory_space<vmem>>) semaphore(%dma_start3A_161 : memref<!tpu.dma_semaphore, #tpu.memory_space<semaphore_mem>>)
      %mul3A_162 = arith.constant 4 : i32
      %mul3A_163 = arith.muli %scan3A_77, %mul3A_162 : i32
      %add3A_164 = arith.constant 0 : i32
      %add3A_165 = arith.addi %mul3A_163, %add3A_164 : i32
      %dma_wait3A_166 = arith.constant 0 : i32
      %dma_wait3A_167 = arith.constant 0 : i32
      %dma_wait3A_168 = arith.constant 0 : i32
      %dma_wait3A_169 = tpu.memref_slice %arg6[%scan3A_5, %dma_wait3A_167, %dma_wait3A_168] : memref<4x128x64xf32, #tpu.memory_space<vmem>> -> memref<1x128x64xf32, #tpu.memory_space<vmem>>
      %dma_wait3A_170 = tpu.memref_squeeze %dma_wait3A_169 : memref<1x128x64xf32, #tpu.memory_space<vmem>> -> memref<128x64xf32, #tpu.memory_space<vmem>>
      %dma_wait3A_171 = arith.constant 0 : i32
      %dma_wait3A_172 = tpu.memref_slice %arg5[%add3A_165, %dma_wait3A_171] : memref<40x128xi32, #tpu.memory_space<vmem>> -> memref<1x128xi32, #tpu.memory_space<vmem>>
      %dma_wait3A_173 = tpu.memref_squeeze %dma_wait3A_172 : memref<1x128xi32, #tpu.memory_space<vmem>> -> memref<128xi32, #tpu.memory_space<vmem>>
      %dma_wait3A_174 = arith.constant 0 : i32
      %dma_wait3A_175 = arith.constant 0 : i32
      %dma_wait3A_176 = tpu.memref_slice %arg2[%dma_wait3A_174, %dma_wait3A_175] : memref<16384x64xf32, #tpu.memory_space<hbm>> -> memref<16384x64xf32, #tpu.memory_space<hbm>>
      %dma_wait3A_177 = tpu.memref_slice %arg7[%dma_wait3A_166] : memref<4x!tpu.dma_semaphore, #tpu.memory_space<semaphore_mem>> -> memref<1x!tpu.dma_semaphore, #tpu.memory_space<semaphore_mem>>
      %dma_wait3A_178 = tpu.memref_squeeze %dma_wait3A_177 : memref<1x!tpu.dma_semaphore, #tpu.memory_space<semaphore_mem>> -> memref<!tpu.dma_semaphore, #tpu.memory_space<semaphore_mem>>
      tpu.wait_indirect_dma semaphore(%dma_wait3A_178 : memref<!tpu.dma_semaphore, #tpu.memory_space<semaphore_mem>>) src(%dma_wait3A_176 : memref<16384x64xf32, #tpu.memory_space<hbm>>) dst(%dma_wait3A_170 : memref<128x64xf32, #tpu.memory_space<vmem>>)
      %mul3A_179 = arith.constant 128 : i32
      %mul3A_180 = arith.muli %add3A_165, %mul3A_179 : i32
      %add3A_181 = arith.addi %mul3A_4, %mul3A_180 : i32
      %dma_start3A_182 = arith.constant 0 : i32
      %dma_start3A_183 = arith.constant 0 : i32
      %dma_start3A_184 = arith.constant 0 : i32
      %dma_start3A_185 = tpu.memref_slice %arg6[%scan3A_5, %dma_start3A_183, %dma_start3A_184] : memref<4x128x64xf32, #tpu.memory_space<vmem>> -> memref<1x128x64xf32, #tpu.memory_space<vmem>>
      %dma_start3A_186 = tpu.memref_squeeze %dma_start3A_185 : memref<1x128x64xf32, #tpu.memory_space<vmem>> -> memref<128x64xf32, #tpu.memory_space<vmem>>
      %dma_start3A_187 = arith.constant 0 : i32
      %dma_start3A_188 = tpu.memref_slice %arg4[%add3A_181, %dma_start3A_187] : memref<163840x64xf32, #tpu.memory_space<hbm>> -> memref<128x64xf32, #tpu.memory_space<hbm>>
      %dma_start3A_189 = tpu.memref_slice %arg8[%dma_start3A_182] : memref<4x!tpu.dma_semaphore, #tpu.memory_space<semaphore_mem>> -> memref<1x!tpu.dma_semaphore, #tpu.memory_space<semaphore_mem>>
      %dma_start3A_190 = tpu.memref_squeeze %dma_start3A_189 : memref<1x!tpu.dma_semaphore, #tpu.memory_space<semaphore_mem>> -> memref<!tpu.dma_semaphore, #tpu.memory_space<semaphore_mem>>
      %dma_start3A_191 = arith.constant 0 : i32
      %dma_start3A_192 = tpu.memref_slice %arg4[%add3A_181, %dma_start3A_191] : memref<163840x64xf32, #tpu.memory_space<hbm>> -> memref<128x64xf32, #tpu.memory_space<hbm>>
      %dma_start3A_193 = arith.constant 0 : i32
      %dma_start3A_194 = arith.constant 0 : i32
      %dma_start3A_195 = tpu.memref_slice %arg6[%scan3A_5, %dma_start3A_193, %dma_start3A_194] : memref<4x128x64xf32, #tpu.memory_space<vmem>> -> memref<1x128x64xf32, #tpu.memory_space<vmem>>
      %dma_start3A_196 = tpu.memref_squeeze %dma_start3A_195 : memref<1x128x64xf32, #tpu.memory_space<vmem>> -> memref<128x64xf32, #tpu.memory_space<vmem>>
      tpu.enqueue_dma source(%dma_start3A_196 : memref<128x64xf32, #tpu.memory_space<vmem>>) target(%dma_start3A_192 : memref<128x64xf32, #tpu.memory_space<hbm>>) target_semaphore(%dma_start3A_190 : memref<!tpu.dma_semaphore, #tpu.memory_space<semaphore_mem>>)
      %mul3A_197 = arith.constant 4 : i32
      %mul3A_198 = arith.muli %scan3A_77, %mul3A_197 : i32
      %add3A_199 = arith.constant 1 : i32
      %add3A_200 = arith.addi %mul3A_198, %add3A_199 : i32
      %dma_wait3A_201 = arith.constant 1 : i32
      %dma_wait3A_202 = arith.constant 0 : i32
      %dma_wait3A_203 = arith.constant 0 : i32
      %dma_wait3A_204 = tpu.memref_slice %arg6[%scan3A_6, %dma_wait3A_202, %dma_wait3A_203] : memref<4x128x64xf32, #tpu.memory_space<vmem>> -> memref<1x128x64xf32, #tpu.memory_space<vmem>>
      %dma_wait3A_205 = tpu.memref_squeeze %dma_wait3A_204 : memref<1x128x64xf32, #tpu.memory_space<vmem>> -> memref<128x64xf32, #tpu.memory_space<vmem>>
      %dma_wait3A_206 = arith.constant 0 : i32
      %dma_wait3A_207 = tpu.memref_slice %arg5[%add3A_200, %dma_wait3A_206] : memref<40x128xi32, #tpu.memory_space<vmem>> -> memref<1x128xi32, #tpu.memory_space<vmem>>
      %dma_wait3A_208 = tpu.memref_squeeze %dma_wait3A_207 : memref<1x128xi32, #tpu.memory_space<vmem>> -> memref<128xi32, #tpu.memory_space<vmem>>
      %dma_wait3A_209 = arith.constant 0 : i32
      %dma_wait3A_210 = arith.constant 0 : i32
      %dma_wait3A_211 = tpu.memref_slice %arg2[%dma_wait3A_209, %dma_wait3A_210] : memref<16384x64xf32, #tpu.memory_space<hbm>> -> memref<16384x64xf32, #tpu.memory_space<hbm>>
      %dma_wait3A_212 = tpu.memref_slice %arg7[%dma_wait3A_201] : memref<4x!tpu.dma_semaphore, #tpu.memory_space<semaphore_mem>> -> memref<1x!tpu.dma_semaphore, #tpu.memory_space<semaphore_mem>>
      %dma_wait3A_213 = tpu.memref_squeeze %dma_wait3A_212 : memref<1x!tpu.dma_semaphore, #tpu.memory_space<semaphore_mem>> -> memref<!tpu.dma_semaphore, #tpu.memory_space<semaphore_mem>>
      tpu.wait_indirect_dma semaphore(%dma_wait3A_213 : memref<!tpu.dma_semaphore, #tpu.memory_space<semaphore_mem>>) src(%dma_wait3A_211 : memref<16384x64xf32, #tpu.memory_space<hbm>>) dst(%dma_wait3A_205 : memref<128x64xf32, #tpu.memory_space<vmem>>)
      %mul3A_214 = arith.constant 128 : i32
      %mul3A_215 = arith.muli %add3A_200, %mul3A_214 : i32
      %add3A_216 = arith.addi %mul3A_4, %mul3A_215 : i32
      %dma_start3A_217 = arith.constant 1 : i32
      %dma_start3A_218 = arith.constant 0 : i32
      %dma_start3A_219 = arith.constant 0 : i32
      %dma_start3A_220 = tpu.memref_slice %arg6[%scan3A_6, %dma_start3A_218, %dma_start3A_219] : memref<4x128x64xf32, #tpu.memory_space<vmem>> -> memref<1x128x64xf32, #tpu.memory_space<vmem>>
      %dma_start3A_221 = tpu.memref_squeeze %dma_start3A_220 : memref<1x128x64xf32, #tpu.memory_space<vmem>> -> memref<128x64xf32, #tpu.memory_space<vmem>>
      %dma_start3A_222 = arith.constant 0 : i32
      %dma_start3A_223 = tpu.memref_slice %arg4[%add3A_216, %dma_start3A_222] : memref<163840x64xf32, #tpu.memory_space<hbm>> -> memref<128x64xf32, #tpu.memory_space<hbm>>
      %dma_start3A_224 = tpu.memref_slice %arg8[%dma_start3A_217] : memref<4x!tpu.dma_semaphore, #tpu.memory_space<semaphore_mem>> -> memref<1x!tpu.dma_semaphore, #tpu.memory_space<semaphore_mem>>
      %dma_start3A_225 = tpu.memref_squeeze %dma_start3A_224 : memref<1x!tpu.dma_semaphore, #tpu.memory_space<semaphore_mem>> -> memref<!tpu.dma_semaphore, #tpu.memory_space<semaphore_mem>>
      %dma_start3A_226 = arith.constant 0 : i32
      %dma_start3A_227 = tpu.memref_slice %arg4[%add3A_216, %dma_start3A_226] : memref<163840x64xf32, #tpu.memory_space<hbm>> -> memref<128x64xf32, #tpu.memory_space<hbm>>
      %dma_start3A_228 = arith.constant 0 : i32
      %dma_start3A_229 = arith.constant 0 : i32
      %dma_start3A_230 = tpu.memref_slice %arg6[%scan3A_6, %dma_start3A_228, %dma_start3A_229] : memref<4x128x64xf32, #tpu.memory_space<vmem>> -> memref<1x128x64xf32, #tpu.memory_space<vmem>>
      %dma_start3A_231 = tpu.memref_squeeze %dma_start3A_230 : memref<1x128x64xf32, #tpu.memory_space<vmem>> -> memref<128x64xf32, #tpu.memory_space<vmem>>
      tpu.enqueue_dma source(%dma_start3A_231 : memref<128x64xf32, #tpu.memory_space<vmem>>) target(%dma_start3A_227 : memref<128x64xf32, #tpu.memory_space<hbm>>) target_semaphore(%dma_start3A_225 : memref<!tpu.dma_semaphore, #tpu.memory_space<semaphore_mem>>)
      %mul3A_232 = arith.constant 4 : i32
      %mul3A_233 = arith.muli %scan3A_77, %mul3A_232 : i32
      %add3A_234 = arith.constant 2 : i32
      %add3A_235 = arith.addi %mul3A_233, %add3A_234 : i32
      %dma_wait3A_236 = arith.constant 2 : i32
      %dma_wait3A_237 = arith.constant 0 : i32
      %dma_wait3A_238 = arith.constant 0 : i32
      %dma_wait3A_239 = tpu.memref_slice %arg6[%scan3A_7, %dma_wait3A_237, %dma_wait3A_238] : memref<4x128x64xf32, #tpu.memory_space<vmem>> -> memref<1x128x64xf32, #tpu.memory_space<vmem>>
      %dma_wait3A_240 = tpu.memref_squeeze %dma_wait3A_239 : memref<1x128x64xf32, #tpu.memory_space<vmem>> -> memref<128x64xf32, #tpu.memory_space<vmem>>
      %dma_wait3A_241 = arith.constant 0 : i32
      %dma_wait3A_242 = tpu.memref_slice %arg5[%add3A_235, %dma_wait3A_241] : memref<40x128xi32, #tpu.memory_space<vmem>> -> memref<1x128xi32, #tpu.memory_space<vmem>>
      %dma_wait3A_243 = tpu.memref_squeeze %dma_wait3A_242 : memref<1x128xi32, #tpu.memory_space<vmem>> -> memref<128xi32, #tpu.memory_space<vmem>>
      %dma_wait3A_244 = arith.constant 0 : i32
      %dma_wait3A_245 = arith.constant 0 : i32
      %dma_wait3A_246 = tpu.memref_slice %arg2[%dma_wait3A_244, %dma_wait3A_245] : memref<16384x64xf32, #tpu.memory_space<hbm>> -> memref<16384x64xf32, #tpu.memory_space<hbm>>
      %dma_wait3A_247 = tpu.memref_slice %arg7[%dma_wait3A_236] : memref<4x!tpu.dma_semaphore, #tpu.memory_space<semaphore_mem>> -> memref<1x!tpu.dma_semaphore, #tpu.memory_space<semaphore_mem>>
      %dma_wait3A_248 = tpu.memref_squeeze %dma_wait3A_247 : memref<1x!tpu.dma_semaphore, #tpu.memory_space<semaphore_mem>> -> memref<!tpu.dma_semaphore, #tpu.memory_space<semaphore_mem>>
      tpu.wait_indirect_dma semaphore(%dma_wait3A_248 : memref<!tpu.dma_semaphore, #tpu.memory_space<semaphore_mem>>) src(%dma_wait3A_246 : memref<16384x64xf32, #tpu.memory_space<hbm>>) dst(%dma_wait3A_240 : memref<128x64xf32, #tpu.memory_space<vmem>>)
      %mul3A_249 = arith.constant 128 : i32
      %mul3A_250 = arith.muli %add3A_235, %mul3A_249 : i32
      %add3A_251 = arith.addi %mul3A_4, %mul3A_250 : i32
      %dma_start3A_252 = arith.constant 2 : i32
      %dma_start3A_253 = arith.constant 0 : i32
      %dma_start3A_254 = arith.constant 0 : i32
      %dma_start3A_255 = tpu.memref_slice %arg6[%scan3A_7, %dma_start3A_253, %dma_start3A_254] : memref<4x128x64xf32, #tpu.memory_space<vmem>> -> memref<1x128x64xf32, #tpu.memory_space<vmem>>
      %dma_start3A_256 = tpu.memref_squeeze %dma_start3A_255 : memref<1x128x64xf32, #tpu.memory_space<vmem>> -> memref<128x64xf32, #tpu.memory_space<vmem>>
      %dma_start3A_257 = arith.constant 0 : i32
      %dma_start3A_258 = tpu.memref_slice %arg4[%add3A_251, %dma_start3A_257] : memref<163840x64xf32, #tpu.memory_space<hbm>> -> memref<128x64xf32, #tpu.memory_space<hbm>>
      %dma_start3A_259 = tpu.memref_slice %arg8[%dma_start3A_252] : memref<4x!tpu.dma_semaphore, #tpu.memory_space<semaphore_mem>> -> memref<1x!tpu.dma_semaphore, #tpu.memory_space<semaphore_mem>>
      %dma_start3A_260 = tpu.memref_squeeze %dma_start3A_259 : memref<1x!tpu.dma_semaphore, #tpu.memory_space<semaphore_mem>> -> memref<!tpu.dma_semaphore, #tpu.memory_space<semaphore_mem>>
      %dma_start3A_261 = arith.constant 0 : i32
      %dma_start3A_262 = tpu.memref_slice %arg4[%add3A_251, %dma_start3A_261] : memref<163840x64xf32, #tpu.memory_space<hbm>> -> memref<128x64xf32, #tpu.memory_space<hbm>>
      %dma_start3A_263 = arith.constant 0 : i32
      %dma_start3A_264 = arith.constant 0 : i32
      %dma_start3A_265 = tpu.memref_slice %arg6[%scan3A_7, %dma_start3A_263, %dma_start3A_264] : memref<4x128x64xf32, #tpu.memory_space<vmem>> -> memref<1x128x64xf32, #tpu.memory_space<vmem>>
      %dma_start3A_266 = tpu.memref_squeeze %dma_start3A_265 : memref<1x128x64xf32, #tpu.memory_space<vmem>> -> memref<128x64xf32, #tpu.memory_space<vmem>>
      tpu.enqueue_dma source(%dma_start3A_266 : memref<128x64xf32, #tpu.memory_space<vmem>>) target(%dma_start3A_262 : memref<128x64xf32, #tpu.memory_space<hbm>>) target_semaphore(%dma_start3A_260 : memref<!tpu.dma_semaphore, #tpu.memory_space<semaphore_mem>>)
      %mul3A_267 = arith.constant 4 : i32
      %mul3A_268 = arith.muli %scan3A_77, %mul3A_267 : i32
      %add3A_269 = arith.constant 3 : i32
      %add3A_270 = arith.addi %mul3A_268, %add3A_269 : i32
      %dma_wait3A_271 = arith.constant 3 : i32
      %dma_wait3A_272 = arith.constant 0 : i32
      %dma_wait3A_273 = arith.constant 0 : i32
      %dma_wait3A_274 = tpu.memref_slice %arg6[%scan3A_8, %dma_wait3A_272, %dma_wait3A_273] : memref<4x128x64xf32, #tpu.memory_space<vmem>> -> memref<1x128x64xf32, #tpu.memory_space<vmem>>
      %dma_wait3A_275 = tpu.memref_squeeze %dma_wait3A_274 : memref<1x128x64xf32, #tpu.memory_space<vmem>> -> memref<128x64xf32, #tpu.memory_space<vmem>>
      %dma_wait3A_276 = arith.constant 0 : i32
      %dma_wait3A_277 = tpu.memref_slice %arg5[%add3A_270, %dma_wait3A_276] : memref<40x128xi32, #tpu.memory_space<vmem>> -> memref<1x128xi32, #tpu.memory_space<vmem>>
      %dma_wait3A_278 = tpu.memref_squeeze %dma_wait3A_277 : memref<1x128xi32, #tpu.memory_space<vmem>> -> memref<128xi32, #tpu.memory_space<vmem>>
      %dma_wait3A_279 = arith.constant 0 : i32
      %dma_wait3A_280 = arith.constant 0 : i32
      %dma_wait3A_281 = tpu.memref_slice %arg2[%dma_wait3A_279, %dma_wait3A_280] : memref<16384x64xf32, #tpu.memory_space<hbm>> -> memref<16384x64xf32, #tpu.memory_space<hbm>>
      %dma_wait3A_282 = tpu.memref_slice %arg7[%dma_wait3A_271] : memref<4x!tpu.dma_semaphore, #tpu.memory_space<semaphore_mem>> -> memref<1x!tpu.dma_semaphore, #tpu.memory_space<semaphore_mem>>
      %dma_wait3A_283 = tpu.memref_squeeze %dma_wait3A_282 : memref<1x!tpu.dma_semaphore, #tpu.memory_space<semaphore_mem>> -> memref<!tpu.dma_semaphore, #tpu.memory_space<semaphore_mem>>
      tpu.wait_indirect_dma semaphore(%dma_wait3A_283 : memref<!tpu.dma_semaphore, #tpu.memory_space<semaphore_mem>>) src(%dma_wait3A_281 : memref<16384x64xf32, #tpu.memory_space<hbm>>) dst(%dma_wait3A_275 : memref<128x64xf32, #tpu.memory_space<vmem>>)
      %mul3A_284 = arith.constant 128 : i32
      %mul3A_285 = arith.muli %add3A_270, %mul3A_284 : i32
      %add3A_286 = arith.addi %mul3A_4, %mul3A_285 : i32
      %dma_start3A_287 = arith.constant 3 : i32
      %dma_start3A_288 = arith.constant 0 : i32
      %dma_start3A_289 = arith.constant 0 : i32
      %dma_start3A_290 = tpu.memref_slice %arg6[%scan3A_8, %dma_start3A_288, %dma_start3A_289] : memref<4x128x64xf32, #tpu.memory_space<vmem>> -> memref<1x128x64xf32, #tpu.memory_space<vmem>>
      %dma_start3A_291 = tpu.memref_squeeze %dma_start3A_290 : memref<1x128x64xf32, #tpu.memory_space<vmem>> -> memref<128x64xf32, #tpu.memory_space<vmem>>
      %dma_start3A_292 = arith.constant 0 : i32
      %dma_start3A_293 = tpu.memref_slice %arg4[%add3A_286, %dma_start3A_292] : memref<163840x64xf32, #tpu.memory_space<hbm>> -> memref<128x64xf32, #tpu.memory_space<hbm>>
      %dma_start3A_294 = tpu.memref_slice %arg8[%dma_start3A_287] : memref<4x!tpu.dma_semaphore, #tpu.memory_space<semaphore_mem>> -> memref<1x!tpu.dma_semaphore, #tpu.memory_space<semaphore_mem>>
      %dma_start3A_295 = tpu.memref_squeeze %dma_start3A_294 : memref<1x!tpu.dma_semaphore, #tpu.memory_space<semaphore_mem>> -> memref<!tpu.dma_semaphore, #tpu.memory_space<semaphore_mem>>
      %dma_start3A_296 = arith.constant 0 : i32
      %dma_start3A_297 = tpu.memref_slice %arg4[%add3A_286, %dma_start3A_296] : memref<163840x64xf32, #tpu.memory_space<hbm>> -> memref<128x64xf32, #tpu.memory_space<hbm>>
      %dma_start3A_298 = arith.constant 0 : i32
      %dma_start3A_299 = arith.constant 0 : i32
      %dma_start3A_300 = tpu.memref_slice %arg6[%scan3A_8, %dma_start3A_298, %dma_start3A_299] : memref<4x128x64xf32, #tpu.memory_space<vmem>> -> memref<1x128x64xf32, #tpu.memory_space<vmem>>
      %dma_start3A_301 = tpu.memref_squeeze %dma_start3A_300 : memref<1x128x64xf32, #tpu.memory_space<vmem>> -> memref<128x64xf32, #tpu.memory_space<vmem>>
      tpu.enqueue_dma source(%dma_start3A_301 : memref<128x64xf32, #tpu.memory_space<vmem>>) target(%dma_start3A_297 : memref<128x64xf32, #tpu.memory_space<hbm>>) target_semaphore(%dma_start3A_295 : memref<!tpu.dma_semaphore, #tpu.memory_space<semaphore_mem>>)
    }
    %scan3A_13 = arith.constant 10 : i32
    %dma_wait3A = arith.constant 0 : i32
    %dma_wait3A_14 = arith.constant 0 : i32
    %dma_wait3A_15 = arith.constant 0 : i32
    %dma_wait3A_16 = arith.constant 0 : i32
    %dma_wait3A_17 = tpu.memref_slice %arg6[%dma_wait3A, %dma_wait3A_15, %dma_wait3A_16] : memref<4x128x64xf32, #tpu.memory_space<vmem>> -> memref<1x128x64xf32, #tpu.memory_space<vmem>>
    %dma_wait3A_18 = tpu.memref_squeeze %dma_wait3A_17 : memref<1x128x64xf32, #tpu.memory_space<vmem>> -> memref<128x64xf32, #tpu.memory_space<vmem>>
    %dma_wait3A_19 = arith.constant 0 : i32
    %dma_wait3A_20 = tpu.memref_slice %arg4[%mul3A_4, %dma_wait3A_19] : memref<163840x64xf32, #tpu.memory_space<hbm>> -> memref<128x64xf32, #tpu.memory_space<hbm>>
    %dma_wait3A_21 = tpu.memref_slice %arg8[%dma_wait3A_14] : memref<4x!tpu.dma_semaphore, #tpu.memory_space<semaphore_mem>> -> memref<1x!tpu.dma_semaphore, #tpu.memory_space<semaphore_mem>>
    %dma_wait3A_22 = tpu.memref_squeeze %dma_wait3A_21 : memref<1x!tpu.dma_semaphore, #tpu.memory_space<semaphore_mem>> -> memref<!tpu.dma_semaphore, #tpu.memory_space<semaphore_mem>>
    %dma_wait3A_23 = arith.constant 0 : i32
    %dma_wait3A_24 = tpu.memref_slice %arg4[%mul3A_4, %dma_wait3A_23] : memref<163840x64xf32, #tpu.memory_space<hbm>> -> memref<128x64xf32, #tpu.memory_space<hbm>>
    %dma_wait3A_25 = arith.constant 0 : i32
    %dma_wait3A_26 = arith.constant 0 : i32
    %dma_wait3A_27 = tpu.memref_slice %arg6[%dma_wait3A, %dma_wait3A_25, %dma_wait3A_26] : memref<4x128x64xf32, #tpu.memory_space<vmem>> -> memref<1x128x64xf32, #tpu.memory_space<vmem>>
    %dma_wait3A_28 = tpu.memref_squeeze %dma_wait3A_27 : memref<1x128x64xf32, #tpu.memory_space<vmem>> -> memref<128x64xf32, #tpu.memory_space<vmem>>
    tpu.wait_dma2 semaphore(%dma_wait3A_22 : memref<!tpu.dma_semaphore, #tpu.memory_space<semaphore_mem>>) src(%dma_wait3A_28 : memref<128x64xf32, #tpu.memory_space<vmem>>) dst(%dma_wait3A_24 : memref<128x64xf32, #tpu.memory_space<hbm>>)
    %dma_wait3A_29 = arith.constant 1 : i32
    %dma_wait3A_30 = arith.constant 1 : i32
    %dma_wait3A_31 = arith.constant 0 : i32
    %dma_wait3A_32 = arith.constant 0 : i32
    %dma_wait3A_33 = tpu.memref_slice %arg6[%dma_wait3A_29, %dma_wait3A_31, %dma_wait3A_32] : memref<4x128x64xf32, #tpu.memory_space<vmem>> -> memref<1x128x64xf32, #tpu.memory_space<vmem>>
    %dma_wait3A_34 = tpu.memref_squeeze %dma_wait3A_33 : memref<1x128x64xf32, #tpu.memory_space<vmem>> -> memref<128x64xf32, #tpu.memory_space<vmem>>
    %dma_wait3A_35 = arith.constant 0 : i32
    %dma_wait3A_36 = tpu.memref_slice %arg4[%mul3A_4, %dma_wait3A_35] : memref<163840x64xf32, #tpu.memory_space<hbm>> -> memref<128x64xf32, #tpu.memory_space<hbm>>
    %dma_wait3A_37 = tpu.memref_slice %arg8[%dma_wait3A_30] : memref<4x!tpu.dma_semaphore, #tpu.memory_space<semaphore_mem>> -> memref<1x!tpu.dma_semaphore, #tpu.memory_space<semaphore_mem>>
    %dma_wait3A_38 = tpu.memref_squeeze %dma_wait3A_37 : memref<1x!tpu.dma_semaphore, #tpu.memory_space<semaphore_mem>> -> memref<!tpu.dma_semaphore, #tpu.memory_space<semaphore_mem>>
    %dma_wait3A_39 = arith.constant 0 : i32
    %dma_wait3A_40 = tpu.memref_slice %arg4[%mul3A_4, %dma_wait3A_39] : memref<163840x64xf32, #tpu.memory_space<hbm>> -> memref<128x64xf32, #tpu.memory_space<hbm>>
    %dma_wait3A_41 = arith.constant 0 : i32
    %dma_wait3A_42 = arith.constant 0 : i32
    %dma_wait3A_43 = tpu.memref_slice %arg6[%dma_wait3A_29, %dma_wait3A_41, %dma_wait3A_42] : memref<4x128x64xf32, #tpu.memory_space<vmem>> -> memref<1x128x64xf32, #tpu.memory_space<vmem>>
    %dma_wait3A_44 = tpu.memref_squeeze %dma_wait3A_43 : memref<1x128x64xf32, #tpu.memory_space<vmem>> -> memref<128x64xf32, #tpu.memory_space<vmem>>
    tpu.wait_dma2 semaphore(%dma_wait3A_38 : memref<!tpu.dma_semaphore, #tpu.memory_space<semaphore_mem>>) src(%dma_wait3A_44 : memref<128x64xf32, #tpu.memory_space<vmem>>) dst(%dma_wait3A_40 : memref<128x64xf32, #tpu.memory_space<hbm>>)
    %dma_wait3A_45 = arith.constant 2 : i32
    %dma_wait3A_46 = arith.constant 2 : i32
    %dma_wait3A_47 = arith.constant 0 : i32
    %dma_wait3A_48 = arith.constant 0 : i32
    %dma_wait3A_49 = tpu.memref_slice %arg6[%dma_wait3A_45, %dma_wait3A_47, %dma_wait3A_48] : memref<4x128x64xf32, #tpu.memory_space<vmem>> -> memref<1x128x64xf32, #tpu.memory_space<vmem>>
    %dma_wait3A_50 = tpu.memref_squeeze %dma_wait3A_49 : memref<1x128x64xf32, #tpu.memory_space<vmem>> -> memref<128x64xf32, #tpu.memory_space<vmem>>
    %dma_wait3A_51 = arith.constant 0 : i32
    %dma_wait3A_52 = tpu.memref_slice %arg4[%mul3A_4, %dma_wait3A_51] : memref<163840x64xf32, #tpu.memory_space<hbm>> -> memref<128x64xf32, #tpu.memory_space<hbm>>
    %dma_wait3A_53 = tpu.memref_slice %arg8[%dma_wait3A_46] : memref<4x!tpu.dma_semaphore, #tpu.memory_space<semaphore_mem>> -> memref<1x!tpu.dma_semaphore, #tpu.memory_space<semaphore_mem>>
    %dma_wait3A_54 = tpu.memref_squeeze %dma_wait3A_53 : memref<1x!tpu.dma_semaphore, #tpu.memory_space<semaphore_mem>> -> memref<!tpu.dma_semaphore, #tpu.memory_space<semaphore_mem>>
    %dma_wait3A_55 = arith.constant 0 : i32
    %dma_wait3A_56 = tpu.memref_slice %arg4[%mul3A_4, %dma_wait3A_55] : memref<163840x64xf32, #tpu.memory_space<hbm>> -> memref<128x64xf32, #tpu.memory_space<hbm>>
    %dma_wait3A_57 = arith.constant 0 : i32
    %dma_wait3A_58 = arith.constant 0 : i32
    %dma_wait3A_59 = tpu.memref_slice %arg6[%dma_wait3A_45, %dma_wait3A_57, %dma_wait3A_58] : memref<4x128x64xf32, #tpu.memory_space<vmem>> -> memref<1x128x64xf32, #tpu.memory_space<vmem>>
    %dma_wait3A_60 = tpu.memref_squeeze %dma_wait3A_59 : memref<1x128x64xf32, #tpu.memory_space<vmem>> -> memref<128x64xf32, #tpu.memory_space<vmem>>
    tpu.wait_dma2 semaphore(%dma_wait3A_54 : memref<!tpu.dma_semaphore, #tpu.memory_space<semaphore_mem>>) src(%dma_wait3A_60 : memref<128x64xf32, #tpu.memory_space<vmem>>) dst(%dma_wait3A_56 : memref<128x64xf32, #tpu.memory_space<hbm>>)
    %dma_wait3A_61 = arith.constant 3 : i32
    %dma_wait3A_62 = arith.constant 3 : i32
    %dma_wait3A_63 = arith.constant 0 : i32
    %dma_wait3A_64 = arith.constant 0 : i32
    %dma_wait3A_65 = tpu.memref_slice %arg6[%dma_wait3A_61, %dma_wait3A_63, %dma_wait3A_64] : memref<4x128x64xf32, #tpu.memory_space<vmem>> -> memref<1x128x64xf32, #tpu.memory_space<vmem>>
    %dma_wait3A_66 = tpu.memref_squeeze %dma_wait3A_65 : memref<1x128x64xf32, #tpu.memory_space<vmem>> -> memref<128x64xf32, #tpu.memory_space<vmem>>
    %dma_wait3A_67 = arith.constant 0 : i32
    %dma_wait3A_68 = tpu.memref_slice %arg4[%mul3A_4, %dma_wait3A_67] : memref<163840x64xf32, #tpu.memory_space<hbm>> -> memref<128x64xf32, #tpu.memory_space<hbm>>
    %dma_wait3A_69 = tpu.memref_slice %arg8[%dma_wait3A_62] : memref<4x!tpu.dma_semaphore, #tpu.memory_space<semaphore_mem>> -> memref<1x!tpu.dma_semaphore, #tpu.memory_space<semaphore_mem>>
    %dma_wait3A_70 = tpu.memref_squeeze %dma_wait3A_69 : memref<1x!tpu.dma_semaphore, #tpu.memory_space<semaphore_mem>> -> memref<!tpu.dma_semaphore, #tpu.memory_space<semaphore_mem>>
    %dma_wait3A_71 = arith.constant 0 : i32
    %dma_wait3A_72 = tpu.memref_slice %arg4[%mul3A_4, %dma_wait3A_71] : memref<163840x64xf32, #tpu.memory_space<hbm>> -> memref<128x64xf32, #tpu.memory_space<hbm>>
    %dma_wait3A_73 = arith.constant 0 : i32
    %dma_wait3A_74 = arith.constant 0 : i32
    %dma_wait3A_75 = tpu.memref_slice %arg6[%dma_wait3A_61, %dma_wait3A_73, %dma_wait3A_74] : memref<4x128x64xf32, #tpu.memory_space<vmem>> -> memref<1x128x64xf32, #tpu.memory_space<vmem>>
    %dma_wait3A_76 = tpu.memref_squeeze %dma_wait3A_75 : memref<1x128x64xf32, #tpu.memory_space<vmem>> -> memref<128x64xf32, #tpu.memory_space<vmem>>
    tpu.wait_dma2 semaphore(%dma_wait3A_70 : memref<!tpu.dma_semaphore, #tpu.memory_space<semaphore_mem>>) src(%dma_wait3A_76 : memref<128x64xf32, #tpu.memory_space<vmem>>) dst(%dma_wait3A_72 : memref<128x64xf32, #tpu.memory_space<hbm>>)
    return
  }
}

#map = affine_map<(d0, d1) -> (0, 0)>
#map1 = affine_map<(d0, d1) -> (0)>
module attributes {stable_mosaic.version = 14 : i64} {
  func.func @_sc_segment_kernel(%arg0: i32, %arg1: i32, %arg2: memref<16384x64xf32, #tpu.memory_space<hbm>>, %arg3: memref<2048x128xi32, #tpu.memory_space<hbm>>, %arg4: memref<2048x128xi32, #tpu.memory_space<hbm>>, %arg5: memref<1024x64xf32, #tpu.memory_space<hbm>>, %arg6: memref<1024xf32, #tpu.memory_space<hbm>>, %arg7: memref<32768x64xf32, #tpu.memory_space<hbm>>, %arg8: memref<32768xf32, #tpu.memory_space<hbm>>, %arg9: memref<64x128xi32, #tpu.memory_space<vmem>>, %arg10: memref<64x128xi32, #tpu.memory_space<vmem>>, %arg11: memref<4x128x64xf32, #tpu.memory_space<vmem>>, %arg12: memref<128xf32, #tpu.memory_space<vmem>>, %arg13: memref<16384x64xf32, #tpu.memory_space<vmem_shared>>, %arg14: memref<16384xf32, #tpu.memory_space<vmem_shared>>, %arg15: memref<4x!tpu.dma_semaphore, #tpu.memory_space<semaphore_mem>>, %arg16: memref<4x!tpu.dma_semaphore, #tpu.memory_space<semaphore_mem>>, %arg17: memref<4x!tpu.dma_semaphore, #tpu.memory_space<semaphore_mem>>) attributes {dimension_semantics = [#tpu.dimension_semantics<core_parallel>, #tpu.dimension_semantics<subcore_parallel>], iteration_bounds = array<i64: 2, 16>, scalar_prefetch = 0 : i64, scratch_operands = 9 : i64, tpu.core_type = #tpu.core_type<sc_vector_subcore>, window_params = [{transform_indices = #map}, {transform_indices = #map}, {transform_indices = #map}, {transform_indices = #map}, {transform_indices = #map1}, {transform_indices = #map}, {transform_indices = #map1}]} {
    %mul3A = arith.constant 2 : i32
    %mul3A_0 = arith.muli %arg1, %mul3A : i32
    %add3A = arith.addi %mul3A_0, %arg0 : i32
    %mul3A_1 = arith.constant 1024 : i32
    %mul3A_2 = arith.muli %arg1, %mul3A_1 : i32
    "tpu.region"() ({
      %run_scoped3A = tpu.sem_alloc : memref<!tpu.dma_semaphore, #tpu.memory_space<semaphore_mem>>
      %dma_start3A = arith.constant 0 : i32
      %dma_start3A_161 = tpu.memref_slice %arg13[%mul3A_2, %dma_start3A] : memref<16384x64xf32, #tpu.memory_space<vmem_shared>> -> memref<1024x64xf32, #tpu.memory_space<vmem_shared>>
      tpu.enqueue_dma source(%arg5 : memref<1024x64xf32, #tpu.memory_space<hbm>>) target(%dma_start3A_161 : memref<1024x64xf32, #tpu.memory_space<vmem_shared>>) target_semaphore(%run_scoped3A : memref<!tpu.dma_semaphore, #tpu.memory_space<semaphore_mem>>)
      %dma_wait3A_162 = arith.constant 0 : i32
      %dma_wait3A_163 = tpu.memref_slice %arg13[%mul3A_2, %dma_wait3A_162] : memref<16384x64xf32, #tpu.memory_space<vmem_shared>> -> memref<1024x64xf32, #tpu.memory_space<vmem_shared>>
      tpu.wait_dma2 semaphore(%run_scoped3A : memref<!tpu.dma_semaphore, #tpu.memory_space<semaphore_mem>>) src(%arg5 : memref<1024x64xf32, #tpu.memory_space<hbm>>) dst(%dma_wait3A_163 : memref<1024x64xf32, #tpu.memory_space<vmem_shared>>)
      tpu.yield
    }) : () -> ()
    "tpu.region"() ({
      %run_scoped3A = tpu.sem_alloc : memref<!tpu.dma_semaphore, #tpu.memory_space<semaphore_mem>>
      %dma_start3A = tpu.memref_slice %arg14[%mul3A_2] : memref<16384xf32, #tpu.memory_space<vmem_shared>> -> memref<1024xf32, #tpu.memory_space<vmem_shared>>
      tpu.enqueue_dma source(%arg6 : memref<1024xf32, #tpu.memory_space<hbm>>) target(%dma_start3A : memref<1024xf32, #tpu.memory_space<vmem_shared>>) target_semaphore(%run_scoped3A : memref<!tpu.dma_semaphore, #tpu.memory_space<semaphore_mem>>)
      %dma_wait3A_161 = tpu.memref_slice %arg14[%mul3A_2] : memref<16384xf32, #tpu.memory_space<vmem_shared>> -> memref<1024xf32, #tpu.memory_space<vmem_shared>>
      tpu.wait_dma2 semaphore(%run_scoped3A : memref<!tpu.dma_semaphore, #tpu.memory_space<semaphore_mem>>) src(%arg6 : memref<1024xf32, #tpu.memory_space<hbm>>) dst(%dma_wait3A_161 : memref<1024xf32, #tpu.memory_space<vmem_shared>>)
      tpu.yield
    }) : () -> ()
    %broadcast_in_dim3A = arith.constant 1.000000e+00 : f32
    %broadcast_in_dim3A_3 = vector.broadcast %broadcast_in_dim3A : f32 to vector<16xf32>
    %swap3A = arith.constant 0 : index
    %swap3A_4 = tpu.vector_load %arg12[%swap3A] {strides = array<i32>} : memref<128xf32, #tpu.memory_space<vmem>>, vector<16xf32>,
    %swap3A_5 = vector.shape_cast %swap3A_4 : vector<16xf32> to vector<16xf32>
    %swap3A_6 = vector.shape_cast %broadcast_in_dim3A_3 : vector<16xf32> to vector<16xf32>
    tpu.vector_store %arg12[%swap3A], %swap3A_6 {strides = array<i32>} : memref<128xf32, #tpu.memory_space<vmem>>, vector<16xf32>,
    %broadcast_in_dim3A_7 = arith.constant 1.000000e+00 : f32
    %broadcast_in_dim3A_8 = vector.broadcast %broadcast_in_dim3A_7 : f32 to vector<16xf32>
    %swap3A_9 = arith.constant 16 : index
    %swap3A_10 = tpu.vector_load %arg12[%swap3A_9] {strides = array<i32>} : memref<128xf32, #tpu.memory_space<vmem>>, vector<16xf32>,
    %swap3A_11 = vector.shape_cast %swap3A_10 : vector<16xf32> to vector<16xf32>
    %swap3A_12 = vector.shape_cast %broadcast_in_dim3A_8 : vector<16xf32> to vector<16xf32>
    tpu.vector_store %arg12[%swap3A_9], %swap3A_12 {strides = array<i32>} : memref<128xf32, #tpu.memory_space<vmem>>, vector<16xf32>,
    %broadcast_in_dim3A_13 = arith.constant 1.000000e+00 : f32
    %broadcast_in_dim3A_14 = vector.broadcast %broadcast_in_dim3A_13 : f32 to vector<16xf32>
    %swap3A_15 = arith.constant 32 : index
    %swap3A_16 = tpu.vector_load %arg12[%swap3A_15] {strides = array<i32>} : memref<128xf32, #tpu.memory_space<vmem>>, vector<16xf32>,
    %swap3A_17 = vector.shape_cast %swap3A_16 : vector<16xf32> to vector<16xf32>
    %swap3A_18 = vector.shape_cast %broadcast_in_dim3A_14 : vector<16xf32> to vector<16xf32>
    tpu.vector_store %arg12[%swap3A_15], %swap3A_18 {strides = array<i32>} : memref<128xf32, #tpu.memory_space<vmem>>, vector<16xf32>,
    %broadcast_in_dim3A_19 = arith.constant 1.000000e+00 : f32
    %broadcast_in_dim3A_20 = vector.broadcast %broadcast_in_dim3A_19 : f32 to vector<16xf32>
    %swap3A_21 = arith.constant 48 : index
    %swap3A_22 = tpu.vector_load %arg12[%swap3A_21] {strides = array<i32>} : memref<128xf32, #tpu.memory_space<vmem>>, vector<16xf32>,
    %swap3A_23 = vector.shape_cast %swap3A_22 : vector<16xf32> to vector<16xf32>
    %swap3A_24 = vector.shape_cast %broadcast_in_dim3A_20 : vector<16xf32> to vector<16xf32>
    tpu.vector_store %arg12[%swap3A_21], %swap3A_24 {strides = array<i32>} : memref<128xf32, #tpu.memory_space<vmem>>, vector<16xf32>,
    %broadcast_in_dim3A_25 = arith.constant 1.000000e+00 : f32
    %broadcast_in_dim3A_26 = vector.broadcast %broadcast_in_dim3A_25 : f32 to vector<16xf32>
    %swap3A_27 = arith.constant 64 : index
    %swap3A_28 = tpu.vector_load %arg12[%swap3A_27] {strides = array<i32>} : memref<128xf32, #tpu.memory_space<vmem>>, vector<16xf32>,
    %swap3A_29 = vector.shape_cast %swap3A_28 : vector<16xf32> to vector<16xf32>
    %swap3A_30 = vector.shape_cast %broadcast_in_dim3A_26 : vector<16xf32> to vector<16xf32>
    tpu.vector_store %arg12[%swap3A_27], %swap3A_30 {strides = array<i32>} : memref<128xf32, #tpu.memory_space<vmem>>, vector<16xf32>,
    %broadcast_in_dim3A_31 = arith.constant 1.000000e+00 : f32
    %broadcast_in_dim3A_32 = vector.broadcast %broadcast_in_dim3A_31 : f32 to vector<16xf32>
    %swap3A_33 = arith.constant 80 : index
    %swap3A_34 = tpu.vector_load %arg12[%swap3A_33] {strides = array<i32>} : memref<128xf32, #tpu.memory_space<vmem>>, vector<16xf32>,
    %swap3A_35 = vector.shape_cast %swap3A_34 : vector<16xf32> to vector<16xf32>
    %swap3A_36 = vector.shape_cast %broadcast_in_dim3A_32 : vector<16xf32> to vector<16xf32>
    tpu.vector_store %arg12[%swap3A_33], %swap3A_36 {strides = array<i32>} : memref<128xf32, #tpu.memory_space<vmem>>, vector<16xf32>,
    %broadcast_in_dim3A_37 = arith.constant 1.000000e+00 : f32
    %broadcast_in_dim3A_38 = vector.broadcast %broadcast_in_dim3A_37 : f32 to vector<16xf32>
    %swap3A_39 = arith.constant 96 : index
    %swap3A_40 = tpu.vector_load %arg12[%swap3A_39] {strides = array<i32>} : memref<128xf32, #tpu.memory_space<vmem>>, vector<16xf32>,
    %swap3A_41 = vector.shape_cast %swap3A_40 : vector<16xf32> to vector<16xf32>
    %swap3A_42 = vector.shape_cast %broadcast_in_dim3A_38 : vector<16xf32> to vector<16xf32>
    tpu.vector_store %arg12[%swap3A_39], %swap3A_42 {strides = array<i32>} : memref<128xf32, #tpu.memory_space<vmem>>, vector<16xf32>,
    %broadcast_in_dim3A_43 = arith.constant 1.000000e+00 : f32
    %broadcast_in_dim3A_44 = vector.broadcast %broadcast_in_dim3A_43 : f32 to vector<16xf32>
    %swap3A_45 = arith.constant 112 : index
    %swap3A_46 = tpu.vector_load %arg12[%swap3A_45] {strides = array<i32>} : memref<128xf32, #tpu.memory_space<vmem>>, vector<16xf32>,
    %swap3A_47 = vector.shape_cast %swap3A_46 : vector<16xf32> to vector<16xf32>
    %swap3A_48 = vector.shape_cast %broadcast_in_dim3A_44 : vector<16xf32> to vector<16xf32>
    tpu.vector_store %arg12[%swap3A_45], %swap3A_48 {strides = array<i32>} : memref<128xf32, #tpu.memory_space<vmem>>, vector<16xf32>,
    %mul3A_49 = arith.constant 64 : i32
    %mul3A_50 = arith.muli %add3A, %mul3A_49 : i32
    "tpu.region"() ({
      %run_scoped3A = tpu.sem_alloc : memref<!tpu.dma_semaphore, #tpu.memory_space<semaphore_mem>>
      %dma_start3A = arith.constant 0 : i32
      %dma_start3A_161 = tpu.memref_slice %arg3[%mul3A_50, %dma_start3A] : memref<2048x128xi32, #tpu.memory_space<hbm>> -> memref<64x128xi32, #tpu.memory_space<hbm>>
      %dma_start3A_162 = arith.constant 0 : i32
      %dma_start3A_163 = tpu.memref_slice %arg3[%mul3A_50, %dma_start3A_162] : memref<2048x128xi32, #tpu.memory_space<hbm>> -> memref<64x128xi32, #tpu.memory_space<hbm>>
      tpu.enqueue_dma source(%dma_start3A_163 : memref<64x128xi32, #tpu.memory_space<hbm>>) target(%arg9 : memref<64x128xi32, #tpu.memory_space<vmem>>) target_semaphore(%run_scoped3A : memref<!tpu.dma_semaphore, #tpu.memory_space<semaphore_mem>>)
      %dma_wait3A_164 = arith.constant 0 : i32
      %dma_wait3A_165 = tpu.memref_slice %arg3[%mul3A_50, %dma_wait3A_164] : memref<2048x128xi32, #tpu.memory_space<hbm>> -> memref<64x128xi32, #tpu.memory_space<hbm>>
      %dma_wait3A_166 = arith.constant 0 : i32
      %dma_wait3A_167 = tpu.memref_slice %arg3[%mul3A_50, %dma_wait3A_166] : memref<2048x128xi32, #tpu.memory_space<hbm>> -> memref<64x128xi32, #tpu.memory_space<hbm>>
      tpu.wait_dma2 semaphore(%run_scoped3A : memref<!tpu.dma_semaphore, #tpu.memory_space<semaphore_mem>>) src(%dma_wait3A_167 : memref<64x128xi32, #tpu.memory_space<hbm>>) dst(%arg9 : memref<64x128xi32, #tpu.memory_space<vmem>>)
      tpu.yield
    }) : () -> ()
    %mul3A_51 = arith.constant 64 : i32
    %mul3A_52 = arith.muli %add3A, %mul3A_51 : i32
    "tpu.region"() ({
      %run_scoped3A = tpu.sem_alloc : memref<!tpu.dma_semaphore, #tpu.memory_space<semaphore_mem>>
      %dma_start3A = arith.constant 0 : i32
      %dma_start3A_161 = tpu.memref_slice %arg4[%mul3A_52, %dma_start3A] : memref<2048x128xi32, #tpu.memory_space<hbm>> -> memref<64x128xi32, #tpu.memory_space<hbm>>
      %dma_start3A_162 = arith.constant 0 : i32
      %dma_start3A_163 = tpu.memref_slice %arg4[%mul3A_52, %dma_start3A_162] : memref<2048x128xi32, #tpu.memory_space<hbm>> -> memref<64x128xi32, #tpu.memory_space<hbm>>
      tpu.enqueue_dma source(%dma_start3A_163 : memref<64x128xi32, #tpu.memory_space<hbm>>) target(%arg10 : memref<64x128xi32, #tpu.memory_space<vmem>>) target_semaphore(%run_scoped3A : memref<!tpu.dma_semaphore, #tpu.memory_space<semaphore_mem>>)
      %dma_wait3A_164 = arith.constant 0 : i32
      %dma_wait3A_165 = tpu.memref_slice %arg4[%mul3A_52, %dma_wait3A_164] : memref<2048x128xi32, #tpu.memory_space<hbm>> -> memref<64x128xi32, #tpu.memory_space<hbm>>
      %dma_wait3A_166 = arith.constant 0 : i32
      %dma_wait3A_167 = tpu.memref_slice %arg4[%mul3A_52, %dma_wait3A_166] : memref<2048x128xi32, #tpu.memory_space<hbm>> -> memref<64x128xi32, #tpu.memory_space<hbm>>
      tpu.wait_dma2 semaphore(%run_scoped3A : memref<!tpu.dma_semaphore, #tpu.memory_space<semaphore_mem>>) src(%dma_wait3A_167 : memref<64x128xi32, #tpu.memory_space<hbm>>) dst(%arg10 : memref<64x128xi32, #tpu.memory_space<vmem>>)
      tpu.yield
    }) : () -> ()
    %barrier3A = arith.constant 0 : index
    tpu.barrier barrier_id(%barrier3A)
    %scan3A = arith.constant 0 : i32
    %scan3A_53 = arith.constant 0 : i32
    %scan3A_54 = arith.constant 1 : i32
    %scan3A_55 = arith.constant 2 : i32
    %scan3A_56 = arith.constant 3 : i32
    %scan3A_57 = arith.constant 0 : i32
    %scan3A_58 = arith.constant 16 : i32
    %scan3A_59 = arith.addi %scan3A_57, %scan3A_58 : i32
    %scan3A_60 = arith.constant 1 : i32
    scf.for %scan3A_161 = %scan3A_57 to %scan3A_59 step %scan3A_60  : i32 {
      %mul3A_162 = arith.constant 4 : i32
      %mul3A_163 = arith.muli %scan3A_161, %mul3A_162 : i32
      %add3A_164 = arith.constant 0 : i32
      %add3A_165 = arith.addi %mul3A_163, %add3A_164 : i32
      %gt3A = arith.constant 0 : i32
      %gt3A_166 = arith.cmpi sgt, %scan3A_161, %gt3A : i32
      %convert_element_type3A = arith.extui %gt3A_166 : i1 to i32
      %cond3A = arith.constant 0 : i32
      %cond3A_167 = arith.cmpi ne, %convert_element_type3A, %cond3A : i32
      scf.if %cond3A_167 {
        %dma_wait3A_398 = arith.constant 0 : i32
        %dma_wait3A_399 = arith.constant 0 : i32
        %dma_wait3A_400 = arith.constant 0 : i32
        %dma_wait3A_401 = tpu.memref_slice %arg11[%scan3A_53, %dma_wait3A_399, %dma_wait3A_400] : memref<4x128x64xf32, #tpu.memory_space<vmem>> -> memref<1x128x64xf32, #tpu.memory_space<vmem>>
        %dma_wait3A_402 = tpu.memref_squeeze %dma_wait3A_401 : memref<1x128x64xf32, #tpu.memory_space<vmem>> -> memref<128x64xf32, #tpu.memory_space<vmem>>
        %dma_wait3A_403 = arith.constant 0 : i32
        %dma_wait3A_404 = tpu.memref_slice %arg10[%add3A_165, %dma_wait3A_403] : memref<64x128xi32, #tpu.memory_space<vmem>> -> memref<1x128xi32, #tpu.memory_space<vmem>>
        %dma_wait3A_405 = tpu.memref_squeeze %dma_wait3A_404 : memref<1x128xi32, #tpu.memory_space<vmem>> -> memref<128xi32, #tpu.memory_space<vmem>>
        %dma_wait3A_406 = arith.constant 0 : i32
        %dma_wait3A_407 = arith.constant 0 : i32
        %dma_wait3A_408 = tpu.memref_slice %arg13[%dma_wait3A_406, %dma_wait3A_407] : memref<16384x64xf32, #tpu.memory_space<vmem_shared>> -> memref<16384x64xf32, #tpu.memory_space<vmem_shared>>
        %dma_wait3A_409 = tpu.memref_slice %arg16[%dma_wait3A_398] : memref<4x!tpu.dma_semaphore, #tpu.memory_space<semaphore_mem>> -> memref<1x!tpu.dma_semaphore, #tpu.memory_space<semaphore_mem>>
        %dma_wait3A_410 = tpu.memref_squeeze %dma_wait3A_409 : memref<1x!tpu.dma_semaphore, #tpu.memory_space<semaphore_mem>> -> memref<!tpu.dma_semaphore, #tpu.memory_space<semaphore_mem>>
        tpu.wait_indirect_dma semaphore(%dma_wait3A_410 : memref<!tpu.dma_semaphore, #tpu.memory_space<semaphore_mem>>) src(%dma_wait3A_402 : memref<128x64xf32, #tpu.memory_space<vmem>>) dst(%dma_wait3A_408 : memref<16384x64xf32, #tpu.memory_space<vmem_shared>>)
        %dma_wait3A_411 = arith.constant 0 : i32
        %dma_wait3A_412 = arith.constant 0 : i32
        %dma_wait3A_413 = tpu.memref_slice %arg10[%add3A_165, %dma_wait3A_412] : memref<64x128xi32, #tpu.memory_space<vmem>> -> memref<1x128xi32, #tpu.memory_space<vmem>>
        %dma_wait3A_414 = tpu.memref_squeeze %dma_wait3A_413 : memref<1x128xi32, #tpu.memory_space<vmem>> -> memref<128xi32, #tpu.memory_space<vmem>>
        %dma_wait3A_415 = arith.constant 0 : i32
        %dma_wait3A_416 = tpu.memref_slice %arg14[%dma_wait3A_415] : memref<16384xf32, #tpu.memory_space<vmem_shared>> -> memref<16384xf32, #tpu.memory_space<vmem_shared>>
        %dma_wait3A_417 = tpu.memref_slice %arg17[%dma_wait3A_411] : memref<4x!tpu.dma_semaphore, #tpu.memory_space<semaphore_mem>> -> memref<1x!tpu.dma_semaphore, #tpu.memory_space<semaphore_mem>>
        %dma_wait3A_418 = tpu.memref_squeeze %dma_wait3A_417 : memref<1x!tpu.dma_semaphore, #tpu.memory_space<semaphore_mem>> -> memref<!tpu.dma_semaphore, #tpu.memory_space<semaphore_mem>>
        tpu.wait_indirect_dma semaphore(%dma_wait3A_418 : memref<!tpu.dma_semaphore, #tpu.memory_space<semaphore_mem>>) src(%arg12 : memref<128xf32, #tpu.memory_space<vmem>>) dst(%dma_wait3A_416 : memref<16384xf32, #tpu.memory_space<vmem_shared>>)
      } else {
      }
      %dma_start3A = arith.constant 0 : i32
      %dma_start3A_168 = arith.constant 0 : i32
      %dma_start3A_169 = arith.constant 0 : i32
      %dma_start3A_170 = tpu.memref_slice %arg11[%scan3A_53, %dma_start3A_168, %dma_start3A_169] : memref<4x128x64xf32, #tpu.memory_space<vmem>> -> memref<1x128x64xf32, #tpu.memory_space<vmem>>
      %dma_start3A_171 = tpu.memref_squeeze %dma_start3A_170 : memref<1x128x64xf32, #tpu.memory_space<vmem>> -> memref<128x64xf32, #tpu.memory_space<vmem>>
      %dma_start3A_172 = arith.constant 0 : i32
      %dma_start3A_173 = tpu.memref_slice %arg9[%add3A_165, %dma_start3A_172] : memref<64x128xi32, #tpu.memory_space<vmem>> -> memref<1x128xi32, #tpu.memory_space<vmem>>
      %dma_start3A_174 = tpu.memref_squeeze %dma_start3A_173 : memref<1x128xi32, #tpu.memory_space<vmem>> -> memref<128xi32, #tpu.memory_space<vmem>>
      %dma_start3A_175 = arith.constant 0 : i32
      %dma_start3A_176 = arith.constant 0 : i32
      %dma_start3A_177 = tpu.memref_slice %arg2[%dma_start3A_175, %dma_start3A_176] : memref<16384x64xf32, #tpu.memory_space<hbm>> -> memref<16384x64xf32, #tpu.memory_space<hbm>>
      %dma_start3A_178 = tpu.memref_slice %arg15[%dma_start3A] : memref<4x!tpu.dma_semaphore, #tpu.memory_space<semaphore_mem>> -> memref<1x!tpu.dma_semaphore, #tpu.memory_space<semaphore_mem>>
      %dma_start3A_179 = tpu.memref_squeeze %dma_start3A_178 : memref<1x!tpu.dma_semaphore, #tpu.memory_space<semaphore_mem>> -> memref<!tpu.dma_semaphore, #tpu.memory_space<semaphore_mem>>
      tpu.enqueue_indirect_dma source(%dma_start3A_177 : memref<16384x64xf32, #tpu.memory_space<hbm>>) target(%dma_start3A_171 : memref<128x64xf32, #tpu.memory_space<vmem>>) offsets(%dma_start3A_174 : memref<128xi32, #tpu.memory_space<vmem>>) semaphore(%dma_start3A_179 : memref<!tpu.dma_semaphore, #tpu.memory_space<semaphore_mem>>)
      %mul3A_180 = arith.constant 4 : i32
      %mul3A_181 = arith.muli %scan3A_161, %mul3A_180 : i32
      %add3A_182 = arith.constant 1 : i32
      %add3A_183 = arith.addi %mul3A_181, %add3A_182 : i32
      %gt3A_184 = arith.constant 0 : i32
      %gt3A_185 = arith.cmpi sgt, %scan3A_161, %gt3A_184 : i32
      %convert_element_type3A_186 = arith.extui %gt3A_185 : i1 to i32
      %cond3A_187 = arith.constant 0 : i32
      %cond3A_188 = arith.cmpi ne, %convert_element_type3A_186, %cond3A_187 : i32
      scf.if %cond3A_188 {
        %dma_wait3A_398 = arith.constant 1 : i32
        %dma_wait3A_399 = arith.constant 0 : i32
        %dma_wait3A_400 = arith.constant 0 : i32
        %dma_wait3A_401 = tpu.memref_slice %arg11[%scan3A_54, %dma_wait3A_399, %dma_wait3A_400] : memref<4x128x64xf32, #tpu.memory_space<vmem>> -> memref<1x128x64xf32, #tpu.memory_space<vmem>>
        %dma_wait3A_402 = tpu.memref_squeeze %dma_wait3A_401 : memref<1x128x64xf32, #tpu.memory_space<vmem>> -> memref<128x64xf32, #tpu.memory_space<vmem>>
        %dma_wait3A_403 = arith.constant 0 : i32
        %dma_wait3A_404 = tpu.memref_slice %arg10[%add3A_183, %dma_wait3A_403] : memref<64x128xi32, #tpu.memory_space<vmem>> -> memref<1x128xi32, #tpu.memory_space<vmem>>
        %dma_wait3A_405 = tpu.memref_squeeze %dma_wait3A_404 : memref<1x128xi32, #tpu.memory_space<vmem>> -> memref<128xi32, #tpu.memory_space<vmem>>
        %dma_wait3A_406 = arith.constant 0 : i32
        %dma_wait3A_407 = arith.constant 0 : i32
        %dma_wait3A_408 = tpu.memref_slice %arg13[%dma_wait3A_406, %dma_wait3A_407] : memref<16384x64xf32, #tpu.memory_space<vmem_shared>> -> memref<16384x64xf32, #tpu.memory_space<vmem_shared>>
        %dma_wait3A_409 = tpu.memref_slice %arg16[%dma_wait3A_398] : memref<4x!tpu.dma_semaphore, #tpu.memory_space<semaphore_mem>> -> memref<1x!tpu.dma_semaphore, #tpu.memory_space<semaphore_mem>>
        %dma_wait3A_410 = tpu.memref_squeeze %dma_wait3A_409 : memref<1x!tpu.dma_semaphore, #tpu.memory_space<semaphore_mem>> -> memref<!tpu.dma_semaphore, #tpu.memory_space<semaphore_mem>>
        tpu.wait_indirect_dma semaphore(%dma_wait3A_410 : memref<!tpu.dma_semaphore, #tpu.memory_space<semaphore_mem>>) src(%dma_wait3A_402 : memref<128x64xf32, #tpu.memory_space<vmem>>) dst(%dma_wait3A_408 : memref<16384x64xf32, #tpu.memory_space<vmem_shared>>)
        %dma_wait3A_411 = arith.constant 1 : i32
        %dma_wait3A_412 = arith.constant 0 : i32
        %dma_wait3A_413 = tpu.memref_slice %arg10[%add3A_183, %dma_wait3A_412] : memref<64x128xi32, #tpu.memory_space<vmem>> -> memref<1x128xi32, #tpu.memory_space<vmem>>
        %dma_wait3A_414 = tpu.memref_squeeze %dma_wait3A_413 : memref<1x128xi32, #tpu.memory_space<vmem>> -> memref<128xi32, #tpu.memory_space<vmem>>
        %dma_wait3A_415 = arith.constant 0 : i32
        %dma_wait3A_416 = tpu.memref_slice %arg14[%dma_wait3A_415] : memref<16384xf32, #tpu.memory_space<vmem_shared>> -> memref<16384xf32, #tpu.memory_space<vmem_shared>>
        %dma_wait3A_417 = tpu.memref_slice %arg17[%dma_wait3A_411] : memref<4x!tpu.dma_semaphore, #tpu.memory_space<semaphore_mem>> -> memref<1x!tpu.dma_semaphore, #tpu.memory_space<semaphore_mem>>
        %dma_wait3A_418 = tpu.memref_squeeze %dma_wait3A_417 : memref<1x!tpu.dma_semaphore, #tpu.memory_space<semaphore_mem>> -> memref<!tpu.dma_semaphore, #tpu.memory_space<semaphore_mem>>
        tpu.wait_indirect_dma semaphore(%dma_wait3A_418 : memref<!tpu.dma_semaphore, #tpu.memory_space<semaphore_mem>>) src(%arg12 : memref<128xf32, #tpu.memory_space<vmem>>) dst(%dma_wait3A_416 : memref<16384xf32, #tpu.memory_space<vmem_shared>>)
      } else {
      }
      %dma_start3A_189 = arith.constant 1 : i32
      %dma_start3A_190 = arith.constant 0 : i32
      %dma_start3A_191 = arith.constant 0 : i32
      %dma_start3A_192 = tpu.memref_slice %arg11[%scan3A_54, %dma_start3A_190, %dma_start3A_191] : memref<4x128x64xf32, #tpu.memory_space<vmem>> -> memref<1x128x64xf32, #tpu.memory_space<vmem>>
      %dma_start3A_193 = tpu.memref_squeeze %dma_start3A_192 : memref<1x128x64xf32, #tpu.memory_space<vmem>> -> memref<128x64xf32, #tpu.memory_space<vmem>>
      %dma_start3A_194 = arith.constant 0 : i32
      %dma_start3A_195 = tpu.memref_slice %arg9[%add3A_183, %dma_start3A_194] : memref<64x128xi32, #tpu.memory_space<vmem>> -> memref<1x128xi32, #tpu.memory_space<vmem>>
      %dma_start3A_196 = tpu.memref_squeeze %dma_start3A_195 : memref<1x128xi32, #tpu.memory_space<vmem>> -> memref<128xi32, #tpu.memory_space<vmem>>
      %dma_start3A_197 = arith.constant 0 : i32
      %dma_start3A_198 = arith.constant 0 : i32
      %dma_start3A_199 = tpu.memref_slice %arg2[%dma_start3A_197, %dma_start3A_198] : memref<16384x64xf32, #tpu.memory_space<hbm>> -> memref<16384x64xf32, #tpu.memory_space<hbm>>
      %dma_start3A_200 = tpu.memref_slice %arg15[%dma_start3A_189] : memref<4x!tpu.dma_semaphore, #tpu.memory_space<semaphore_mem>> -> memref<1x!tpu.dma_semaphore, #tpu.memory_space<semaphore_mem>>
      %dma_start3A_201 = tpu.memref_squeeze %dma_start3A_200 : memref<1x!tpu.dma_semaphore, #tpu.memory_space<semaphore_mem>> -> memref<!tpu.dma_semaphore, #tpu.memory_space<semaphore_mem>>
      tpu.enqueue_indirect_dma source(%dma_start3A_199 : memref<16384x64xf32, #tpu.memory_space<hbm>>) target(%dma_start3A_193 : memref<128x64xf32, #tpu.memory_space<vmem>>) offsets(%dma_start3A_196 : memref<128xi32, #tpu.memory_space<vmem>>) semaphore(%dma_start3A_201 : memref<!tpu.dma_semaphore, #tpu.memory_space<semaphore_mem>>)
      %mul3A_202 = arith.constant 4 : i32
      %mul3A_203 = arith.muli %scan3A_161, %mul3A_202 : i32
      %add3A_204 = arith.constant 2 : i32
      %add3A_205 = arith.addi %mul3A_203, %add3A_204 : i32
      %gt3A_206 = arith.constant 0 : i32
      %gt3A_207 = arith.cmpi sgt, %scan3A_161, %gt3A_206 : i32
      %convert_element_type3A_208 = arith.extui %gt3A_207 : i1 to i32
      %cond3A_209 = arith.constant 0 : i32
      %cond3A_210 = arith.cmpi ne, %convert_element_type3A_208, %cond3A_209 : i32
      scf.if %cond3A_210 {
        %dma_wait3A_398 = arith.constant 2 : i32
        %dma_wait3A_399 = arith.constant 0 : i32
        %dma_wait3A_400 = arith.constant 0 : i32
        %dma_wait3A_401 = tpu.memref_slice %arg11[%scan3A_55, %dma_wait3A_399, %dma_wait3A_400] : memref<4x128x64xf32, #tpu.memory_space<vmem>> -> memref<1x128x64xf32, #tpu.memory_space<vmem>>
        %dma_wait3A_402 = tpu.memref_squeeze %dma_wait3A_401 : memref<1x128x64xf32, #tpu.memory_space<vmem>> -> memref<128x64xf32, #tpu.memory_space<vmem>>
        %dma_wait3A_403 = arith.constant 0 : i32
        %dma_wait3A_404 = tpu.memref_slice %arg10[%add3A_205, %dma_wait3A_403] : memref<64x128xi32, #tpu.memory_space<vmem>> -> memref<1x128xi32, #tpu.memory_space<vmem>>
        %dma_wait3A_405 = tpu.memref_squeeze %dma_wait3A_404 : memref<1x128xi32, #tpu.memory_space<vmem>> -> memref<128xi32, #tpu.memory_space<vmem>>
        %dma_wait3A_406 = arith.constant 0 : i32
        %dma_wait3A_407 = arith.constant 0 : i32
        %dma_wait3A_408 = tpu.memref_slice %arg13[%dma_wait3A_406, %dma_wait3A_407] : memref<16384x64xf32, #tpu.memory_space<vmem_shared>> -> memref<16384x64xf32, #tpu.memory_space<vmem_shared>>
        %dma_wait3A_409 = tpu.memref_slice %arg16[%dma_wait3A_398] : memref<4x!tpu.dma_semaphore, #tpu.memory_space<semaphore_mem>> -> memref<1x!tpu.dma_semaphore, #tpu.memory_space<semaphore_mem>>
        %dma_wait3A_410 = tpu.memref_squeeze %dma_wait3A_409 : memref<1x!tpu.dma_semaphore, #tpu.memory_space<semaphore_mem>> -> memref<!tpu.dma_semaphore, #tpu.memory_space<semaphore_mem>>
        tpu.wait_indirect_dma semaphore(%dma_wait3A_410 : memref<!tpu.dma_semaphore, #tpu.memory_space<semaphore_mem>>) src(%dma_wait3A_402 : memref<128x64xf32, #tpu.memory_space<vmem>>) dst(%dma_wait3A_408 : memref<16384x64xf32, #tpu.memory_space<vmem_shared>>)
        %dma_wait3A_411 = arith.constant 2 : i32
        %dma_wait3A_412 = arith.constant 0 : i32
        %dma_wait3A_413 = tpu.memref_slice %arg10[%add3A_205, %dma_wait3A_412] : memref<64x128xi32, #tpu.memory_space<vmem>> -> memref<1x128xi32, #tpu.memory_space<vmem>>
        %dma_wait3A_414 = tpu.memref_squeeze %dma_wait3A_413 : memref<1x128xi32, #tpu.memory_space<vmem>> -> memref<128xi32, #tpu.memory_space<vmem>>
        %dma_wait3A_415 = arith.constant 0 : i32
        %dma_wait3A_416 = tpu.memref_slice %arg14[%dma_wait3A_415] : memref<16384xf32, #tpu.memory_space<vmem_shared>> -> memref<16384xf32, #tpu.memory_space<vmem_shared>>
        %dma_wait3A_417 = tpu.memref_slice %arg17[%dma_wait3A_411] : memref<4x!tpu.dma_semaphore, #tpu.memory_space<semaphore_mem>> -> memref<1x!tpu.dma_semaphore, #tpu.memory_space<semaphore_mem>>
        %dma_wait3A_418 = tpu.memref_squeeze %dma_wait3A_417 : memref<1x!tpu.dma_semaphore, #tpu.memory_space<semaphore_mem>> -> memref<!tpu.dma_semaphore, #tpu.memory_space<semaphore_mem>>
        tpu.wait_indirect_dma semaphore(%dma_wait3A_418 : memref<!tpu.dma_semaphore, #tpu.memory_space<semaphore_mem>>) src(%arg12 : memref<128xf32, #tpu.memory_space<vmem>>) dst(%dma_wait3A_416 : memref<16384xf32, #tpu.memory_space<vmem_shared>>)
      } else {
      }
      %dma_start3A_211 = arith.constant 2 : i32
      %dma_start3A_212 = arith.constant 0 : i32
      %dma_start3A_213 = arith.constant 0 : i32
      %dma_start3A_214 = tpu.memref_slice %arg11[%scan3A_55, %dma_start3A_212, %dma_start3A_213] : memref<4x128x64xf32, #tpu.memory_space<vmem>> -> memref<1x128x64xf32, #tpu.memory_space<vmem>>
      %dma_start3A_215 = tpu.memref_squeeze %dma_start3A_214 : memref<1x128x64xf32, #tpu.memory_space<vmem>> -> memref<128x64xf32, #tpu.memory_space<vmem>>
      %dma_start3A_216 = arith.constant 0 : i32
      %dma_start3A_217 = tpu.memref_slice %arg9[%add3A_205, %dma_start3A_216] : memref<64x128xi32, #tpu.memory_space<vmem>> -> memref<1x128xi32, #tpu.memory_space<vmem>>
      %dma_start3A_218 = tpu.memref_squeeze %dma_start3A_217 : memref<1x128xi32, #tpu.memory_space<vmem>> -> memref<128xi32, #tpu.memory_space<vmem>>
      %dma_start3A_219 = arith.constant 0 : i32
      %dma_start3A_220 = arith.constant 0 : i32
      %dma_start3A_221 = tpu.memref_slice %arg2[%dma_start3A_219, %dma_start3A_220] : memref<16384x64xf32, #tpu.memory_space<hbm>> -> memref<16384x64xf32, #tpu.memory_space<hbm>>
      %dma_start3A_222 = tpu.memref_slice %arg15[%dma_start3A_211] : memref<4x!tpu.dma_semaphore, #tpu.memory_space<semaphore_mem>> -> memref<1x!tpu.dma_semaphore, #tpu.memory_space<semaphore_mem>>
      %dma_start3A_223 = tpu.memref_squeeze %dma_start3A_222 : memref<1x!tpu.dma_semaphore, #tpu.memory_space<semaphore_mem>> -> memref<!tpu.dma_semaphore, #tpu.memory_space<semaphore_mem>>
      tpu.enqueue_indirect_dma source(%dma_start3A_221 : memref<16384x64xf32, #tpu.memory_space<hbm>>) target(%dma_start3A_215 : memref<128x64xf32, #tpu.memory_space<vmem>>) offsets(%dma_start3A_218 : memref<128xi32, #tpu.memory_space<vmem>>) semaphore(%dma_start3A_223 : memref<!tpu.dma_semaphore, #tpu.memory_space<semaphore_mem>>)
      %mul3A_224 = arith.constant 4 : i32
      %mul3A_225 = arith.muli %scan3A_161, %mul3A_224 : i32
      %add3A_226 = arith.constant 3 : i32
      %add3A_227 = arith.addi %mul3A_225, %add3A_226 : i32
      %gt3A_228 = arith.constant 0 : i32
      %gt3A_229 = arith.cmpi sgt, %scan3A_161, %gt3A_228 : i32
      %convert_element_type3A_230 = arith.extui %gt3A_229 : i1 to i32
      %cond3A_231 = arith.constant 0 : i32
      %cond3A_232 = arith.cmpi ne, %convert_element_type3A_230, %cond3A_231 : i32
      scf.if %cond3A_232 {
        %dma_wait3A_398 = arith.constant 3 : i32
        %dma_wait3A_399 = arith.constant 0 : i32
        %dma_wait3A_400 = arith.constant 0 : i32
        %dma_wait3A_401 = tpu.memref_slice %arg11[%scan3A_56, %dma_wait3A_399, %dma_wait3A_400] : memref<4x128x64xf32, #tpu.memory_space<vmem>> -> memref<1x128x64xf32, #tpu.memory_space<vmem>>
        %dma_wait3A_402 = tpu.memref_squeeze %dma_wait3A_401 : memref<1x128x64xf32, #tpu.memory_space<vmem>> -> memref<128x64xf32, #tpu.memory_space<vmem>>
        %dma_wait3A_403 = arith.constant 0 : i32
        %dma_wait3A_404 = tpu.memref_slice %arg10[%add3A_227, %dma_wait3A_403] : memref<64x128xi32, #tpu.memory_space<vmem>> -> memref<1x128xi32, #tpu.memory_space<vmem>>
        %dma_wait3A_405 = tpu.memref_squeeze %dma_wait3A_404 : memref<1x128xi32, #tpu.memory_space<vmem>> -> memref<128xi32, #tpu.memory_space<vmem>>
        %dma_wait3A_406 = arith.constant 0 : i32
        %dma_wait3A_407 = arith.constant 0 : i32
        %dma_wait3A_408 = tpu.memref_slice %arg13[%dma_wait3A_406, %dma_wait3A_407] : memref<16384x64xf32, #tpu.memory_space<vmem_shared>> -> memref<16384x64xf32, #tpu.memory_space<vmem_shared>>
        %dma_wait3A_409 = tpu.memref_slice %arg16[%dma_wait3A_398] : memref<4x!tpu.dma_semaphore, #tpu.memory_space<semaphore_mem>> -> memref<1x!tpu.dma_semaphore, #tpu.memory_space<semaphore_mem>>
        %dma_wait3A_410 = tpu.memref_squeeze %dma_wait3A_409 : memref<1x!tpu.dma_semaphore, #tpu.memory_space<semaphore_mem>> -> memref<!tpu.dma_semaphore, #tpu.memory_space<semaphore_mem>>
        tpu.wait_indirect_dma semaphore(%dma_wait3A_410 : memref<!tpu.dma_semaphore, #tpu.memory_space<semaphore_mem>>) src(%dma_wait3A_402 : memref<128x64xf32, #tpu.memory_space<vmem>>) dst(%dma_wait3A_408 : memref<16384x64xf32, #tpu.memory_space<vmem_shared>>)
        %dma_wait3A_411 = arith.constant 3 : i32
        %dma_wait3A_412 = arith.constant 0 : i32
        %dma_wait3A_413 = tpu.memref_slice %arg10[%add3A_227, %dma_wait3A_412] : memref<64x128xi32, #tpu.memory_space<vmem>> -> memref<1x128xi32, #tpu.memory_space<vmem>>
        %dma_wait3A_414 = tpu.memref_squeeze %dma_wait3A_413 : memref<1x128xi32, #tpu.memory_space<vmem>> -> memref<128xi32, #tpu.memory_space<vmem>>
        %dma_wait3A_415 = arith.constant 0 : i32
        %dma_wait3A_416 = tpu.memref_slice %arg14[%dma_wait3A_415] : memref<16384xf32, #tpu.memory_space<vmem_shared>> -> memref<16384xf32, #tpu.memory_space<vmem_shared>>
        %dma_wait3A_417 = tpu.memref_slice %arg17[%dma_wait3A_411] : memref<4x!tpu.dma_semaphore, #tpu.memory_space<semaphore_mem>> -> memref<1x!tpu.dma_semaphore, #tpu.memory_space<semaphore_mem>>
        %dma_wait3A_418 = tpu.memref_squeeze %dma_wait3A_417 : memref<1x!tpu.dma_semaphore, #tpu.memory_space<semaphore_mem>> -> memref<!tpu.dma_semaphore, #tpu.memory_space<semaphore_mem>>
        tpu.wait_indirect_dma semaphore(%dma_wait3A_418 : memref<!tpu.dma_semaphore, #tpu.memory_space<semaphore_mem>>) src(%arg12 : memref<128xf32, #tpu.memory_space<vmem>>) dst(%dma_wait3A_416 : memref<16384xf32, #tpu.memory_space<vmem_shared>>)
      } else {
      }
      %dma_start3A_233 = arith.constant 3 : i32
      %dma_start3A_234 = arith.constant 0 : i32
      %dma_start3A_235 = arith.constant 0 : i32
      %dma_start3A_236 = tpu.memref_slice %arg11[%scan3A_56, %dma_start3A_234, %dma_start3A_235] : memref<4x128x64xf32, #tpu.memory_space<vmem>> -> memref<1x128x64xf32, #tpu.memory_space<vmem>>
      %dma_start3A_237 = tpu.memref_squeeze %dma_start3A_236 : memref<1x128x64xf32, #tpu.memory_space<vmem>> -> memref<128x64xf32, #tpu.memory_space<vmem>>
      %dma_start3A_238 = arith.constant 0 : i32
      %dma_start3A_239 = tpu.memref_slice %arg9[%add3A_227, %dma_start3A_238] : memref<64x128xi32, #tpu.memory_space<vmem>> -> memref<1x128xi32, #tpu.memory_space<vmem>>
      %dma_start3A_240 = tpu.memref_squeeze %dma_start3A_239 : memref<1x128xi32, #tpu.memory_space<vmem>> -> memref<128xi32, #tpu.memory_space<vmem>>
      %dma_start3A_241 = arith.constant 0 : i32
      %dma_start3A_242 = arith.constant 0 : i32
      %dma_start3A_243 = tpu.memref_slice %arg2[%dma_start3A_241, %dma_start3A_242] : memref<16384x64xf32, #tpu.memory_space<hbm>> -> memref<16384x64xf32, #tpu.memory_space<hbm>>
      %dma_start3A_244 = tpu.memref_slice %arg15[%dma_start3A_233] : memref<4x!tpu.dma_semaphore, #tpu.memory_space<semaphore_mem>> -> memref<1x!tpu.dma_semaphore, #tpu.memory_space<semaphore_mem>>
      %dma_start3A_245 = tpu.memref_squeeze %dma_start3A_244 : memref<1x!tpu.dma_semaphore, #tpu.memory_space<semaphore_mem>> -> memref<!tpu.dma_semaphore, #tpu.memory_space<semaphore_mem>>
      tpu.enqueue_indirect_dma source(%dma_start3A_243 : memref<16384x64xf32, #tpu.memory_space<hbm>>) target(%dma_start3A_237 : memref<128x64xf32, #tpu.memory_space<vmem>>) offsets(%dma_start3A_240 : memref<128xi32, #tpu.memory_space<vmem>>) semaphore(%dma_start3A_245 : memref<!tpu.dma_semaphore, #tpu.memory_space<semaphore_mem>>)
      %mul3A_246 = arith.constant 4 : i32
      %mul3A_247 = arith.muli %scan3A_161, %mul3A_246 : i32
      %add3A_248 = arith.constant 0 : i32
      %add3A_249 = arith.addi %mul3A_247, %add3A_248 : i32
      %dma_wait3A_250 = arith.constant 0 : i32
      %dma_wait3A_251 = arith.constant 0 : i32
      %dma_wait3A_252 = arith.constant 0 : i32
      %dma_wait3A_253 = tpu.memref_slice %arg11[%scan3A_53, %dma_wait3A_251, %dma_wait3A_252] : memref<4x128x64xf32, #tpu.memory_space<vmem>> -> memref<1x128x64xf32, #tpu.memory_space<vmem>>
      %dma_wait3A_254 = tpu.memref_squeeze %dma_wait3A_253 : memref<1x128x64xf32, #tpu.memory_space<vmem>> -> memref<128x64xf32, #tpu.memory_space<vmem>>
      %dma_wait3A_255 = arith.constant 0 : i32
      %dma_wait3A_256 = tpu.memref_slice %arg9[%add3A_249, %dma_wait3A_255] : memref<64x128xi32, #tpu.memory_space<vmem>> -> memref<1x128xi32, #tpu.memory_space<vmem>>
      %dma_wait3A_257 = tpu.memref_squeeze %dma_wait3A_256 : memref<1x128xi32, #tpu.memory_space<vmem>> -> memref<128xi32, #tpu.memory_space<vmem>>
      %dma_wait3A_258 = arith.constant 0 : i32
      %dma_wait3A_259 = arith.constant 0 : i32
      %dma_wait3A_260 = tpu.memref_slice %arg2[%dma_wait3A_258, %dma_wait3A_259] : memref<16384x64xf32, #tpu.memory_space<hbm>> -> memref<16384x64xf32, #tpu.memory_space<hbm>>
      %dma_wait3A_261 = tpu.memref_slice %arg15[%dma_wait3A_250] : memref<4x!tpu.dma_semaphore, #tpu.memory_space<semaphore_mem>> -> memref<1x!tpu.dma_semaphore, #tpu.memory_space<semaphore_mem>>
      %dma_wait3A_262 = tpu.memref_squeeze %dma_wait3A_261 : memref<1x!tpu.dma_semaphore, #tpu.memory_space<semaphore_mem>> -> memref<!tpu.dma_semaphore, #tpu.memory_space<semaphore_mem>>
      tpu.wait_indirect_dma semaphore(%dma_wait3A_262 : memref<!tpu.dma_semaphore, #tpu.memory_space<semaphore_mem>>) src(%dma_wait3A_260 : memref<16384x64xf32, #tpu.memory_space<hbm>>) dst(%dma_wait3A_254 : memref<128x64xf32, #tpu.memory_space<vmem>>)
      %dma_start3A_263 = arith.constant 0 : i32
      %dma_start3A_264 = arith.constant 0 : i32
      %dma_start3A_265 = arith.constant 0 : i32
      %dma_start3A_266 = tpu.memref_slice %arg11[%scan3A_53, %dma_start3A_264, %dma_start3A_265] : memref<4x128x64xf32, #tpu.memory_space<vmem>> -> memref<1x128x64xf32, #tpu.memory_space<vmem>>
      %dma_start3A_267 = tpu.memref_squeeze %dma_start3A_266 : memref<1x128x64xf32, #tpu.memory_space<vmem>> -> memref<128x64xf32, #tpu.memory_space<vmem>>
      %dma_start3A_268 = arith.constant 0 : i32
      %dma_start3A_269 = tpu.memref_slice %arg10[%add3A_249, %dma_start3A_268] : memref<64x128xi32, #tpu.memory_space<vmem>> -> memref<1x128xi32, #tpu.memory_space<vmem>>
      %dma_start3A_270 = tpu.memref_squeeze %dma_start3A_269 : memref<1x128xi32, #tpu.memory_space<vmem>> -> memref<128xi32, #tpu.memory_space<vmem>>
      %dma_start3A_271 = arith.constant 0 : i32
      %dma_start3A_272 = arith.constant 0 : i32
      %dma_start3A_273 = tpu.memref_slice %arg13[%dma_start3A_271, %dma_start3A_272] : memref<16384x64xf32, #tpu.memory_space<vmem_shared>> -> memref<16384x64xf32, #tpu.memory_space<vmem_shared>>
      %dma_start3A_274 = tpu.memref_slice %arg16[%dma_start3A_263] : memref<4x!tpu.dma_semaphore, #tpu.memory_space<semaphore_mem>> -> memref<1x!tpu.dma_semaphore, #tpu.memory_space<semaphore_mem>>
      %dma_start3A_275 = tpu.memref_squeeze %dma_start3A_274 : memref<1x!tpu.dma_semaphore, #tpu.memory_space<semaphore_mem>> -> memref<!tpu.dma_semaphore, #tpu.memory_space<semaphore_mem>>
      tpu.enqueue_indirect_dma source(%dma_start3A_267 : memref<128x64xf32, #tpu.memory_space<vmem>>) target(%dma_start3A_273 : memref<16384x64xf32, #tpu.memory_space<vmem_shared>>) offsets(%dma_start3A_270 : memref<128xi32, #tpu.memory_space<vmem>>) semaphore(%dma_start3A_275 : memref<!tpu.dma_semaphore, #tpu.memory_space<semaphore_mem>>) {add = true}
      %dma_start3A_276 = arith.constant 0 : i32
      %dma_start3A_277 = arith.constant 0 : i32
      %dma_start3A_278 = tpu.memref_slice %arg10[%add3A_249, %dma_start3A_277] : memref<64x128xi32, #tpu.memory_space<vmem>> -> memref<1x128xi32, #tpu.memory_space<vmem>>
      %dma_start3A_279 = tpu.memref_squeeze %dma_start3A_278 : memref<1x128xi32, #tpu.memory_space<vmem>> -> memref<128xi32, #tpu.memory_space<vmem>>
      %dma_start3A_280 = arith.constant 0 : i32
      %dma_start3A_281 = tpu.memref_slice %arg14[%dma_start3A_280] : memref<16384xf32, #tpu.memory_space<vmem_shared>> -> memref<16384xf32, #tpu.memory_space<vmem_shared>>
      %dma_start3A_282 = tpu.memref_slice %arg17[%dma_start3A_276] : memref<4x!tpu.dma_semaphore, #tpu.memory_space<semaphore_mem>> -> memref<1x!tpu.dma_semaphore, #tpu.memory_space<semaphore_mem>>
      %dma_start3A_283 = tpu.memref_squeeze %dma_start3A_282 : memref<1x!tpu.dma_semaphore, #tpu.memory_space<semaphore_mem>> -> memref<!tpu.dma_semaphore, #tpu.memory_space<semaphore_mem>>
      tpu.enqueue_indirect_dma source(%arg12 : memref<128xf32, #tpu.memory_space<vmem>>) target(%dma_start3A_281 : memref<16384xf32, #tpu.memory_space<vmem_shared>>) offsets(%dma_start3A_279 : memref<128xi32, #tpu.memory_space<vmem>>) semaphore(%dma_start3A_283 : memref<!tpu.dma_semaphore, #tpu.memory_space<semaphore_mem>>) {add = true}
      %mul3A_284 = arith.constant 4 : i32
      %mul3A_285 = arith.muli %scan3A_161, %mul3A_284 : i32
      %add3A_286 = arith.constant 1 : i32
      %add3A_287 = arith.addi %mul3A_285, %add3A_286 : i32
      %dma_wait3A_288 = arith.constant 1 : i32
      %dma_wait3A_289 = arith.constant 0 : i32
      %dma_wait3A_290 = arith.constant 0 : i32
      %dma_wait3A_291 = tpu.memref_slice %arg11[%scan3A_54, %dma_wait3A_289, %dma_wait3A_290] : memref<4x128x64xf32, #tpu.memory_space<vmem>> -> memref<1x128x64xf32, #tpu.memory_space<vmem>>
      %dma_wait3A_292 = tpu.memref_squeeze %dma_wait3A_291 : memref<1x128x64xf32, #tpu.memory_space<vmem>> -> memref<128x64xf32, #tpu.memory_space<vmem>>
      %dma_wait3A_293 = arith.constant 0 : i32
      %dma_wait3A_294 = tpu.memref_slice %arg9[%add3A_287, %dma_wait3A_293] : memref<64x128xi32, #tpu.memory_space<vmem>> -> memref<1x128xi32, #tpu.memory_space<vmem>>
      %dma_wait3A_295 = tpu.memref_squeeze %dma_wait3A_294 : memref<1x128xi32, #tpu.memory_space<vmem>> -> memref<128xi32, #tpu.memory_space<vmem>>
      %dma_wait3A_296 = arith.constant 0 : i32
      %dma_wait3A_297 = arith.constant 0 : i32
      %dma_wait3A_298 = tpu.memref_slice %arg2[%dma_wait3A_296, %dma_wait3A_297] : memref<16384x64xf32, #tpu.memory_space<hbm>> -> memref<16384x64xf32, #tpu.memory_space<hbm>>
      %dma_wait3A_299 = tpu.memref_slice %arg15[%dma_wait3A_288] : memref<4x!tpu.dma_semaphore, #tpu.memory_space<semaphore_mem>> -> memref<1x!tpu.dma_semaphore, #tpu.memory_space<semaphore_mem>>
      %dma_wait3A_300 = tpu.memref_squeeze %dma_wait3A_299 : memref<1x!tpu.dma_semaphore, #tpu.memory_space<semaphore_mem>> -> memref<!tpu.dma_semaphore, #tpu.memory_space<semaphore_mem>>
      tpu.wait_indirect_dma semaphore(%dma_wait3A_300 : memref<!tpu.dma_semaphore, #tpu.memory_space<semaphore_mem>>) src(%dma_wait3A_298 : memref<16384x64xf32, #tpu.memory_space<hbm>>) dst(%dma_wait3A_292 : memref<128x64xf32, #tpu.memory_space<vmem>>)
      %dma_start3A_301 = arith.constant 1 : i32
      %dma_start3A_302 = arith.constant 0 : i32
      %dma_start3A_303 = arith.constant 0 : i32
      %dma_start3A_304 = tpu.memref_slice %arg11[%scan3A_54, %dma_start3A_302, %dma_start3A_303] : memref<4x128x64xf32, #tpu.memory_space<vmem>> -> memref<1x128x64xf32, #tpu.memory_space<vmem>>
      %dma_start3A_305 = tpu.memref_squeeze %dma_start3A_304 : memref<1x128x64xf32, #tpu.memory_space<vmem>> -> memref<128x64xf32, #tpu.memory_space<vmem>>
      %dma_start3A_306 = arith.constant 0 : i32
      %dma_start3A_307 = tpu.memref_slice %arg10[%add3A_287, %dma_start3A_306] : memref<64x128xi32, #tpu.memory_space<vmem>> -> memref<1x128xi32, #tpu.memory_space<vmem>>
      %dma_start3A_308 = tpu.memref_squeeze %dma_start3A_307 : memref<1x128xi32, #tpu.memory_space<vmem>> -> memref<128xi32, #tpu.memory_space<vmem>>
      %dma_start3A_309 = arith.constant 0 : i32
      %dma_start3A_310 = arith.constant 0 : i32
      %dma_start3A_311 = tpu.memref_slice %arg13[%dma_start3A_309, %dma_start3A_310] : memref<16384x64xf32, #tpu.memory_space<vmem_shared>> -> memref<16384x64xf32, #tpu.memory_space<vmem_shared>>
      %dma_start3A_312 = tpu.memref_slice %arg16[%dma_start3A_301] : memref<4x!tpu.dma_semaphore, #tpu.memory_space<semaphore_mem>> -> memref<1x!tpu.dma_semaphore, #tpu.memory_space<semaphore_mem>>
      %dma_start3A_313 = tpu.memref_squeeze %dma_start3A_312 : memref<1x!tpu.dma_semaphore, #tpu.memory_space<semaphore_mem>> -> memref<!tpu.dma_semaphore, #tpu.memory_space<semaphore_mem>>
      tpu.enqueue_indirect_dma source(%dma_start3A_305 : memref<128x64xf32, #tpu.memory_space<vmem>>) target(%dma_start3A_311 : memref<16384x64xf32, #tpu.memory_space<vmem_shared>>) offsets(%dma_start3A_308 : memref<128xi32, #tpu.memory_space<vmem>>) semaphore(%dma_start3A_313 : memref<!tpu.dma_semaphore, #tpu.memory_space<semaphore_mem>>) {add = true}
      %dma_start3A_314 = arith.constant 1 : i32
      %dma_start3A_315 = arith.constant 0 : i32
      %dma_start3A_316 = tpu.memref_slice %arg10[%add3A_287, %dma_start3A_315] : memref<64x128xi32, #tpu.memory_space<vmem>> -> memref<1x128xi32, #tpu.memory_space<vmem>>
      %dma_start3A_317 = tpu.memref_squeeze %dma_start3A_316 : memref<1x128xi32, #tpu.memory_space<vmem>> -> memref<128xi32, #tpu.memory_space<vmem>>
      %dma_start3A_318 = arith.constant 0 : i32
      %dma_start3A_319 = tpu.memref_slice %arg14[%dma_start3A_318] : memref<16384xf32, #tpu.memory_space<vmem_shared>> -> memref<16384xf32, #tpu.memory_space<vmem_shared>>
      %dma_start3A_320 = tpu.memref_slice %arg17[%dma_start3A_314] : memref<4x!tpu.dma_semaphore, #tpu.memory_space<semaphore_mem>> -> memref<1x!tpu.dma_semaphore, #tpu.memory_space<semaphore_mem>>
      %dma_start3A_321 = tpu.memref_squeeze %dma_start3A_320 : memref<1x!tpu.dma_semaphore, #tpu.memory_space<semaphore_mem>> -> memref<!tpu.dma_semaphore, #tpu.memory_space<semaphore_mem>>
      tpu.enqueue_indirect_dma source(%arg12 : memref<128xf32, #tpu.memory_space<vmem>>) target(%dma_start3A_319 : memref<16384xf32, #tpu.memory_space<vmem_shared>>) offsets(%dma_start3A_317 : memref<128xi32, #tpu.memory_space<vmem>>) semaphore(%dma_start3A_321 : memref<!tpu.dma_semaphore, #tpu.memory_space<semaphore_mem>>) {add = true}
      %mul3A_322 = arith.constant 4 : i32
      %mul3A_323 = arith.muli %scan3A_161, %mul3A_322 : i32
      %add3A_324 = arith.constant 2 : i32
      %add3A_325 = arith.addi %mul3A_323, %add3A_324 : i32
      %dma_wait3A_326 = arith.constant 2 : i32
      %dma_wait3A_327 = arith.constant 0 : i32
      %dma_wait3A_328 = arith.constant 0 : i32
      %dma_wait3A_329 = tpu.memref_slice %arg11[%scan3A_55, %dma_wait3A_327, %dma_wait3A_328] : memref<4x128x64xf32, #tpu.memory_space<vmem>> -> memref<1x128x64xf32, #tpu.memory_space<vmem>>
      %dma_wait3A_330 = tpu.memref_squeeze %dma_wait3A_329 : memref<1x128x64xf32, #tpu.memory_space<vmem>> -> memref<128x64xf32, #tpu.memory_space<vmem>>
      %dma_wait3A_331 = arith.constant 0 : i32
      %dma_wait3A_332 = tpu.memref_slice %arg9[%add3A_325, %dma_wait3A_331] : memref<64x128xi32, #tpu.memory_space<vmem>> -> memref<1x128xi32, #tpu.memory_space<vmem>>
      %dma_wait3A_333 = tpu.memref_squeeze %dma_wait3A_332 : memref<1x128xi32, #tpu.memory_space<vmem>> -> memref<128xi32, #tpu.memory_space<vmem>>
      %dma_wait3A_334 = arith.constant 0 : i32
      %dma_wait3A_335 = arith.constant 0 : i32
      %dma_wait3A_336 = tpu.memref_slice %arg2[%dma_wait3A_334, %dma_wait3A_335] : memref<16384x64xf32, #tpu.memory_space<hbm>> -> memref<16384x64xf32, #tpu.memory_space<hbm>>
      %dma_wait3A_337 = tpu.memref_slice %arg15[%dma_wait3A_326] : memref<4x!tpu.dma_semaphore, #tpu.memory_space<semaphore_mem>> -> memref<1x!tpu.dma_semaphore, #tpu.memory_space<semaphore_mem>>
      %dma_wait3A_338 = tpu.memref_squeeze %dma_wait3A_337 : memref<1x!tpu.dma_semaphore, #tpu.memory_space<semaphore_mem>> -> memref<!tpu.dma_semaphore, #tpu.memory_space<semaphore_mem>>
      tpu.wait_indirect_dma semaphore(%dma_wait3A_338 : memref<!tpu.dma_semaphore, #tpu.memory_space<semaphore_mem>>) src(%dma_wait3A_336 : memref<16384x64xf32, #tpu.memory_space<hbm>>) dst(%dma_wait3A_330 : memref<128x64xf32, #tpu.memory_space<vmem>>)
      %dma_start3A_339 = arith.constant 2 : i32
      %dma_start3A_340 = arith.constant 0 : i32
      %dma_start3A_341 = arith.constant 0 : i32
      %dma_start3A_342 = tpu.memref_slice %arg11[%scan3A_55, %dma_start3A_340, %dma_start3A_341] : memref<4x128x64xf32, #tpu.memory_space<vmem>> -> memref<1x128x64xf32, #tpu.memory_space<vmem>>
      %dma_start3A_343 = tpu.memref_squeeze %dma_start3A_342 : memref<1x128x64xf32, #tpu.memory_space<vmem>> -> memref<128x64xf32, #tpu.memory_space<vmem>>
      %dma_start3A_344 = arith.constant 0 : i32
      %dma_start3A_345 = tpu.memref_slice %arg10[%add3A_325, %dma_start3A_344] : memref<64x128xi32, #tpu.memory_space<vmem>> -> memref<1x128xi32, #tpu.memory_space<vmem>>
      %dma_start3A_346 = tpu.memref_squeeze %dma_start3A_345 : memref<1x128xi32, #tpu.memory_space<vmem>> -> memref<128xi32, #tpu.memory_space<vmem>>
      %dma_start3A_347 = arith.constant 0 : i32
      %dma_start3A_348 = arith.constant 0 : i32
      %dma_start3A_349 = tpu.memref_slice %arg13[%dma_start3A_347, %dma_start3A_348] : memref<16384x64xf32, #tpu.memory_space<vmem_shared>> -> memref<16384x64xf32, #tpu.memory_space<vmem_shared>>
      %dma_start3A_350 = tpu.memref_slice %arg16[%dma_start3A_339] : memref<4x!tpu.dma_semaphore, #tpu.memory_space<semaphore_mem>> -> memref<1x!tpu.dma_semaphore, #tpu.memory_space<semaphore_mem>>
      %dma_start3A_351 = tpu.memref_squeeze %dma_start3A_350 : memref<1x!tpu.dma_semaphore, #tpu.memory_space<semaphore_mem>> -> memref<!tpu.dma_semaphore, #tpu.memory_space<semaphore_mem>>
      tpu.enqueue_indirect_dma source(%dma_start3A_343 : memref<128x64xf32, #tpu.memory_space<vmem>>) target(%dma_start3A_349 : memref<16384x64xf32, #tpu.memory_space<vmem_shared>>) offsets(%dma_start3A_346 : memref<128xi32, #tpu.memory_space<vmem>>) semaphore(%dma_start3A_351 : memref<!tpu.dma_semaphore, #tpu.memory_space<semaphore_mem>>) {add = true}
      %dma_start3A_352 = arith.constant 2 : i32
      %dma_start3A_353 = arith.constant 0 : i32
      %dma_start3A_354 = tpu.memref_slice %arg10[%add3A_325, %dma_start3A_353] : memref<64x128xi32, #tpu.memory_space<vmem>> -> memref<1x128xi32, #tpu.memory_space<vmem>>
      %dma_start3A_355 = tpu.memref_squeeze %dma_start3A_354 : memref<1x128xi32, #tpu.memory_space<vmem>> -> memref<128xi32, #tpu.memory_space<vmem>>
      %dma_start3A_356 = arith.constant 0 : i32
      %dma_start3A_357 = tpu.memref_slice %arg14[%dma_start3A_356] : memref<16384xf32, #tpu.memory_space<vmem_shared>> -> memref<16384xf32, #tpu.memory_space<vmem_shared>>
      %dma_start3A_358 = tpu.memref_slice %arg17[%dma_start3A_352] : memref<4x!tpu.dma_semaphore, #tpu.memory_space<semaphore_mem>> -> memref<1x!tpu.dma_semaphore, #tpu.memory_space<semaphore_mem>>
      %dma_start3A_359 = tpu.memref_squeeze %dma_start3A_358 : memref<1x!tpu.dma_semaphore, #tpu.memory_space<semaphore_mem>> -> memref<!tpu.dma_semaphore, #tpu.memory_space<semaphore_mem>>
      tpu.enqueue_indirect_dma source(%arg12 : memref<128xf32, #tpu.memory_space<vmem>>) target(%dma_start3A_357 : memref<16384xf32, #tpu.memory_space<vmem_shared>>) offsets(%dma_start3A_355 : memref<128xi32, #tpu.memory_space<vmem>>) semaphore(%dma_start3A_359 : memref<!tpu.dma_semaphore, #tpu.memory_space<semaphore_mem>>) {add = true}
      %mul3A_360 = arith.constant 4 : i32
      %mul3A_361 = arith.muli %scan3A_161, %mul3A_360 : i32
      %add3A_362 = arith.constant 3 : i32
      %add3A_363 = arith.addi %mul3A_361, %add3A_362 : i32
      %dma_wait3A_364 = arith.constant 3 : i32
      %dma_wait3A_365 = arith.constant 0 : i32
      %dma_wait3A_366 = arith.constant 0 : i32
      %dma_wait3A_367 = tpu.memref_slice %arg11[%scan3A_56, %dma_wait3A_365, %dma_wait3A_366] : memref<4x128x64xf32, #tpu.memory_space<vmem>> -> memref<1x128x64xf32, #tpu.memory_space<vmem>>
      %dma_wait3A_368 = tpu.memref_squeeze %dma_wait3A_367 : memref<1x128x64xf32, #tpu.memory_space<vmem>> -> memref<128x64xf32, #tpu.memory_space<vmem>>
      %dma_wait3A_369 = arith.constant 0 : i32
      %dma_wait3A_370 = tpu.memref_slice %arg9[%add3A_363, %dma_wait3A_369] : memref<64x128xi32, #tpu.memory_space<vmem>> -> memref<1x128xi32, #tpu.memory_space<vmem>>
      %dma_wait3A_371 = tpu.memref_squeeze %dma_wait3A_370 : memref<1x128xi32, #tpu.memory_space<vmem>> -> memref<128xi32, #tpu.memory_space<vmem>>
      %dma_wait3A_372 = arith.constant 0 : i32
      %dma_wait3A_373 = arith.constant 0 : i32
      %dma_wait3A_374 = tpu.memref_slice %arg2[%dma_wait3A_372, %dma_wait3A_373] : memref<16384x64xf32, #tpu.memory_space<hbm>> -> memref<16384x64xf32, #tpu.memory_space<hbm>>
      %dma_wait3A_375 = tpu.memref_slice %arg15[%dma_wait3A_364] : memref<4x!tpu.dma_semaphore, #tpu.memory_space<semaphore_mem>> -> memref<1x!tpu.dma_semaphore, #tpu.memory_space<semaphore_mem>>
      %dma_wait3A_376 = tpu.memref_squeeze %dma_wait3A_375 : memref<1x!tpu.dma_semaphore, #tpu.memory_space<semaphore_mem>> -> memref<!tpu.dma_semaphore, #tpu.memory_space<semaphore_mem>>
      tpu.wait_indirect_dma semaphore(%dma_wait3A_376 : memref<!tpu.dma_semaphore, #tpu.memory_space<semaphore_mem>>) src(%dma_wait3A_374 : memref<16384x64xf32, #tpu.memory_space<hbm>>) dst(%dma_wait3A_368 : memref<128x64xf32, #tpu.memory_space<vmem>>)
      %dma_start3A_377 = arith.constant 3 : i32
      %dma_start3A_378 = arith.constant 0 : i32
      %dma_start3A_379 = arith.constant 0 : i32
      %dma_start3A_380 = tpu.memref_slice %arg11[%scan3A_56, %dma_start3A_378, %dma_start3A_379] : memref<4x128x64xf32, #tpu.memory_space<vmem>> -> memref<1x128x64xf32, #tpu.memory_space<vmem>>
      %dma_start3A_381 = tpu.memref_squeeze %dma_start3A_380 : memref<1x128x64xf32, #tpu.memory_space<vmem>> -> memref<128x64xf32, #tpu.memory_space<vmem>>
      %dma_start3A_382 = arith.constant 0 : i32
      %dma_start3A_383 = tpu.memref_slice %arg10[%add3A_363, %dma_start3A_382] : memref<64x128xi32, #tpu.memory_space<vmem>> -> memref<1x128xi32, #tpu.memory_space<vmem>>
      %dma_start3A_384 = tpu.memref_squeeze %dma_start3A_383 : memref<1x128xi32, #tpu.memory_space<vmem>> -> memref<128xi32, #tpu.memory_space<vmem>>
      %dma_start3A_385 = arith.constant 0 : i32
      %dma_start3A_386 = arith.constant 0 : i32
      %dma_start3A_387 = tpu.memref_slice %arg13[%dma_start3A_385, %dma_start3A_386] : memref<16384x64xf32, #tpu.memory_space<vmem_shared>> -> memref<16384x64xf32, #tpu.memory_space<vmem_shared>>
      %dma_start3A_388 = tpu.memref_slice %arg16[%dma_start3A_377] : memref<4x!tpu.dma_semaphore, #tpu.memory_space<semaphore_mem>> -> memref<1x!tpu.dma_semaphore, #tpu.memory_space<semaphore_mem>>
      %dma_start3A_389 = tpu.memref_squeeze %dma_start3A_388 : memref<1x!tpu.dma_semaphore, #tpu.memory_space<semaphore_mem>> -> memref<!tpu.dma_semaphore, #tpu.memory_space<semaphore_mem>>
      tpu.enqueue_indirect_dma source(%dma_start3A_381 : memref<128x64xf32, #tpu.memory_space<vmem>>) target(%dma_start3A_387 : memref<16384x64xf32, #tpu.memory_space<vmem_shared>>) offsets(%dma_start3A_384 : memref<128xi32, #tpu.memory_space<vmem>>) semaphore(%dma_start3A_389 : memref<!tpu.dma_semaphore, #tpu.memory_space<semaphore_mem>>) {add = true}
      %dma_start3A_390 = arith.constant 3 : i32
      %dma_start3A_391 = arith.constant 0 : i32
      %dma_start3A_392 = tpu.memref_slice %arg10[%add3A_363, %dma_start3A_391] : memref<64x128xi32, #tpu.memory_space<vmem>> -> memref<1x128xi32, #tpu.memory_space<vmem>>
      %dma_start3A_393 = tpu.memref_squeeze %dma_start3A_392 : memref<1x128xi32, #tpu.memory_space<vmem>> -> memref<128xi32, #tpu.memory_space<vmem>>
      %dma_start3A_394 = arith.constant 0 : i32
      %dma_start3A_395 = tpu.memref_slice %arg14[%dma_start3A_394] : memref<16384xf32, #tpu.memory_space<vmem_shared>> -> memref<16384xf32, #tpu.memory_space<vmem_shared>>
      %dma_start3A_396 = tpu.memref_slice %arg17[%dma_start3A_390] : memref<4x!tpu.dma_semaphore, #tpu.memory_space<semaphore_mem>> -> memref<1x!tpu.dma_semaphore, #tpu.memory_space<semaphore_mem>>
      %dma_start3A_397 = tpu.memref_squeeze %dma_start3A_396 : memref<1x!tpu.dma_semaphore, #tpu.memory_space<semaphore_mem>> -> memref<!tpu.dma_semaphore, #tpu.memory_space<semaphore_mem>>
      tpu.enqueue_indirect_dma source(%arg12 : memref<128xf32, #tpu.memory_space<vmem>>) target(%dma_start3A_395 : memref<16384xf32, #tpu.memory_space<vmem_shared>>) offsets(%dma_start3A_393 : memref<128xi32, #tpu.memory_space<vmem>>) semaphore(%dma_start3A_397 : memref<!tpu.dma_semaphore, #tpu.memory_space<semaphore_mem>>) {add = true}
    }
    %scan3A_61 = arith.constant 16 : i32
    %dma_wait3A = arith.constant 0 : i32
    %dma_wait3A_62 = arith.constant 0 : i32
    %dma_wait3A_63 = arith.constant 0 : i32
    %dma_wait3A_64 = arith.constant 0 : i32
    %dma_wait3A_65 = arith.constant 0 : i32
    %dma_wait3A_66 = tpu.memref_slice %arg11[%dma_wait3A, %dma_wait3A_64, %dma_wait3A_65] : memref<4x128x64xf32, #tpu.memory_space<vmem>> -> memref<1x128x64xf32, #tpu.memory_space<vmem>>
    %dma_wait3A_67 = tpu.memref_squeeze %dma_wait3A_66 : memref<1x128x64xf32, #tpu.memory_space<vmem>> -> memref<128x64xf32, #tpu.memory_space<vmem>>
    %dma_wait3A_68 = arith.constant 0 : i32
    %dma_wait3A_69 = tpu.memref_slice %arg10[%dma_wait3A_62, %dma_wait3A_68] : memref<64x128xi32, #tpu.memory_space<vmem>> -> memref<1x128xi32, #tpu.memory_space<vmem>>
    %dma_wait3A_70 = tpu.memref_squeeze %dma_wait3A_69 : memref<1x128xi32, #tpu.memory_space<vmem>> -> memref<128xi32, #tpu.memory_space<vmem>>
    %dma_wait3A_71 = arith.constant 0 : i32
    %dma_wait3A_72 = arith.constant 0 : i32
    %dma_wait3A_73 = tpu.memref_slice %arg13[%dma_wait3A_71, %dma_wait3A_72] : memref<16384x64xf32, #tpu.memory_space<vmem_shared>> -> memref<16384x64xf32, #tpu.memory_space<vmem_shared>>
    %dma_wait3A_74 = tpu.memref_slice %arg16[%dma_wait3A_63] : memref<4x!tpu.dma_semaphore, #tpu.memory_space<semaphore_mem>> -> memref<1x!tpu.dma_semaphore, #tpu.memory_space<semaphore_mem>>
    %dma_wait3A_75 = tpu.memref_squeeze %dma_wait3A_74 : memref<1x!tpu.dma_semaphore, #tpu.memory_space<semaphore_mem>> -> memref<!tpu.dma_semaphore, #tpu.memory_space<semaphore_mem>>
    tpu.wait_indirect_dma semaphore(%dma_wait3A_75 : memref<!tpu.dma_semaphore, #tpu.memory_space<semaphore_mem>>) src(%dma_wait3A_67 : memref<128x64xf32, #tpu.memory_space<vmem>>) dst(%dma_wait3A_73 : memref<16384x64xf32, #tpu.memory_space<vmem_shared>>)
    %dma_wait3A_76 = arith.constant 0 : i32
    %dma_wait3A_77 = arith.constant 0 : i32
    %dma_wait3A_78 = arith.constant 0 : i32
    %dma_wait3A_79 = tpu.memref_slice %arg10[%dma_wait3A_76, %dma_wait3A_78] : memref<64x128xi32, #tpu.memory_space<vmem>> -> memref<1x128xi32, #tpu.memory_space<vmem>>
    %dma_wait3A_80 = tpu.memref_squeeze %dma_wait3A_79 : memref<1x128xi32, #tpu.memory_space<vmem>> -> memref<128xi32, #tpu.memory_space<vmem>>
    %dma_wait3A_81 = arith.constant 0 : i32
    %dma_wait3A_82 = tpu.memref_slice %arg14[%dma_wait3A_81] : memref<16384xf32, #tpu.memory_space<vmem_shared>> -> memref<16384xf32, #tpu.memory_space<vmem_shared>>
    %dma_wait3A_83 = tpu.memref_slice %arg17[%dma_wait3A_77] : memref<4x!tpu.dma_semaphore, #tpu.memory_space<semaphore_mem>> -> memref<1x!tpu.dma_semaphore, #tpu.memory_space<semaphore_mem>>
    %dma_wait3A_84 = tpu.memref_squeeze %dma_wait3A_83 : memref<1x!tpu.dma_semaphore, #tpu.memory_space<semaphore_mem>> -> memref<!tpu.dma_semaphore, #tpu.memory_space<semaphore_mem>>
    tpu.wait_indirect_dma semaphore(%dma_wait3A_84 : memref<!tpu.dma_semaphore, #tpu.memory_space<semaphore_mem>>) src(%arg12 : memref<128xf32, #tpu.memory_space<vmem>>) dst(%dma_wait3A_82 : memref<16384xf32, #tpu.memory_space<vmem_shared>>)
    %dma_wait3A_85 = arith.constant 1 : i32
    %dma_wait3A_86 = arith.constant 0 : i32
    %dma_wait3A_87 = arith.constant 1 : i32
    %dma_wait3A_88 = arith.constant 0 : i32
    %dma_wait3A_89 = arith.constant 0 : i32
    %dma_wait3A_90 = tpu.memref_slice %arg11[%dma_wait3A_85, %dma_wait3A_88, %dma_wait3A_89] : memref<4x128x64xf32, #tpu.memory_space<vmem>> -> memref<1x128x64xf32, #tpu.memory_space<vmem>>
    %dma_wait3A_91 = tpu.memref_squeeze %dma_wait3A_90 : memref<1x128x64xf32, #tpu.memory_space<vmem>> -> memref<128x64xf32, #tpu.memory_space<vmem>>
    %dma_wait3A_92 = arith.constant 0 : i32
    %dma_wait3A_93 = tpu.memref_slice %arg10[%dma_wait3A_86, %dma_wait3A_92] : memref<64x128xi32, #tpu.memory_space<vmem>> -> memref<1x128xi32, #tpu.memory_space<vmem>>
    %dma_wait3A_94 = tpu.memref_squeeze %dma_wait3A_93 : memref<1x128xi32, #tpu.memory_space<vmem>> -> memref<128xi32, #tpu.memory_space<vmem>>
    %dma_wait3A_95 = arith.constant 0 : i32
    %dma_wait3A_96 = arith.constant 0 : i32
    %dma_wait3A_97 = tpu.memref_slice %arg13[%dma_wait3A_95, %dma_wait3A_96] : memref<16384x64xf32, #tpu.memory_space<vmem_shared>> -> memref<16384x64xf32, #tpu.memory_space<vmem_shared>>
    %dma_wait3A_98 = tpu.memref_slice %arg16[%dma_wait3A_87] : memref<4x!tpu.dma_semaphore, #tpu.memory_space<semaphore_mem>> -> memref<1x!tpu.dma_semaphore, #tpu.memory_space<semaphore_mem>>
    %dma_wait3A_99 = tpu.memref_squeeze %dma_wait3A_98 : memref<1x!tpu.dma_semaphore, #tpu.memory_space<semaphore_mem>> -> memref<!tpu.dma_semaphore, #tpu.memory_space<semaphore_mem>>
    tpu.wait_indirect_dma semaphore(%dma_wait3A_99 : memref<!tpu.dma_semaphore, #tpu.memory_space<semaphore_mem>>) src(%dma_wait3A_91 : memref<128x64xf32, #tpu.memory_space<vmem>>) dst(%dma_wait3A_97 : memref<16384x64xf32, #tpu.memory_space<vmem_shared>>)
    %dma_wait3A_100 = arith.constant 0 : i32
    %dma_wait3A_101 = arith.constant 1 : i32
    %dma_wait3A_102 = arith.constant 0 : i32
    %dma_wait3A_103 = tpu.memref_slice %arg10[%dma_wait3A_100, %dma_wait3A_102] : memref<64x128xi32, #tpu.memory_space<vmem>> -> memref<1x128xi32, #tpu.memory_space<vmem>>
    %dma_wait3A_104 = tpu.memref_squeeze %dma_wait3A_103 : memref<1x128xi32, #tpu.memory_space<vmem>> -> memref<128xi32, #tpu.memory_space<vmem>>
    %dma_wait3A_105 = arith.constant 0 : i32
    %dma_wait3A_106 = tpu.memref_slice %arg14[%dma_wait3A_105] : memref<16384xf32, #tpu.memory_space<vmem_shared>> -> memref<16384xf32, #tpu.memory_space<vmem_shared>>
    %dma_wait3A_107 = tpu.memref_slice %arg17[%dma_wait3A_101] : memref<4x!tpu.dma_semaphore, #tpu.memory_space<semaphore_mem>> -> memref<1x!tpu.dma_semaphore, #tpu.memory_space<semaphore_mem>>
    %dma_wait3A_108 = tpu.memref_squeeze %dma_wait3A_107 : memref<1x!tpu.dma_semaphore, #tpu.memory_space<semaphore_mem>> -> memref<!tpu.dma_semaphore, #tpu.memory_space<semaphore_mem>>
    tpu.wait_indirect_dma semaphore(%dma_wait3A_108 : memref<!tpu.dma_semaphore, #tpu.memory_space<semaphore_mem>>) src(%arg12 : memref<128xf32, #tpu.memory_space<vmem>>) dst(%dma_wait3A_106 : memref<16384xf32, #tpu.memory_space<vmem_shared>>)
    %dma_wait3A_109 = arith.constant 2 : i32
    %dma_wait3A_110 = arith.constant 0 : i32
    %dma_wait3A_111 = arith.constant 2 : i32
    %dma_wait3A_112 = arith.constant 0 : i32
    %dma_wait3A_113 = arith.constant 0 : i32
    %dma_wait3A_114 = tpu.memref_slice %arg11[%dma_wait3A_109, %dma_wait3A_112, %dma_wait3A_113] : memref<4x128x64xf32, #tpu.memory_space<vmem>> -> memref<1x128x64xf32, #tpu.memory_space<vmem>>
    %dma_wait3A_115 = tpu.memref_squeeze %dma_wait3A_114 : memref<1x128x64xf32, #tpu.memory_space<vmem>> -> memref<128x64xf32, #tpu.memory_space<vmem>>
    %dma_wait3A_116 = arith.constant 0 : i32
    %dma_wait3A_117 = tpu.memref_slice %arg10[%dma_wait3A_110, %dma_wait3A_116] : memref<64x128xi32, #tpu.memory_space<vmem>> -> memref<1x128xi32, #tpu.memory_space<vmem>>
    %dma_wait3A_118 = tpu.memref_squeeze %dma_wait3A_117 : memref<1x128xi32, #tpu.memory_space<vmem>> -> memref<128xi32, #tpu.memory_space<vmem>>
    %dma_wait3A_119 = arith.constant 0 : i32
    %dma_wait3A_120 = arith.constant 0 : i32
    %dma_wait3A_121 = tpu.memref_slice %arg13[%dma_wait3A_119, %dma_wait3A_120] : memref<16384x64xf32, #tpu.memory_space<vmem_shared>> -> memref<16384x64xf32, #tpu.memory_space<vmem_shared>>
    %dma_wait3A_122 = tpu.memref_slice %arg16[%dma_wait3A_111] : memref<4x!tpu.dma_semaphore, #tpu.memory_space<semaphore_mem>> -> memref<1x!tpu.dma_semaphore, #tpu.memory_space<semaphore_mem>>
    %dma_wait3A_123 = tpu.memref_squeeze %dma_wait3A_122 : memref<1x!tpu.dma_semaphore, #tpu.memory_space<semaphore_mem>> -> memref<!tpu.dma_semaphore, #tpu.memory_space<semaphore_mem>>
    tpu.wait_indirect_dma semaphore(%dma_wait3A_123 : memref<!tpu.dma_semaphore, #tpu.memory_space<semaphore_mem>>) src(%dma_wait3A_115 : memref<128x64xf32, #tpu.memory_space<vmem>>) dst(%dma_wait3A_121 : memref<16384x64xf32, #tpu.memory_space<vmem_shared>>)
    %dma_wait3A_124 = arith.constant 0 : i32
    %dma_wait3A_125 = arith.constant 2 : i32
    %dma_wait3A_126 = arith.constant 0 : i32
    %dma_wait3A_127 = tpu.memref_slice %arg10[%dma_wait3A_124, %dma_wait3A_126] : memref<64x128xi32, #tpu.memory_space<vmem>> -> memref<1x128xi32, #tpu.memory_space<vmem>>
    %dma_wait3A_128 = tpu.memref_squeeze %dma_wait3A_127 : memref<1x128xi32, #tpu.memory_space<vmem>> -> memref<128xi32, #tpu.memory_space<vmem>>
    %dma_wait3A_129 = arith.constant 0 : i32
    %dma_wait3A_130 = tpu.memref_slice %arg14[%dma_wait3A_129] : memref<16384xf32, #tpu.memory_space<vmem_shared>> -> memref<16384xf32, #tpu.memory_space<vmem_shared>>
    %dma_wait3A_131 = tpu.memref_slice %arg17[%dma_wait3A_125] : memref<4x!tpu.dma_semaphore, #tpu.memory_space<semaphore_mem>> -> memref<1x!tpu.dma_semaphore, #tpu.memory_space<semaphore_mem>>
    %dma_wait3A_132 = tpu.memref_squeeze %dma_wait3A_131 : memref<1x!tpu.dma_semaphore, #tpu.memory_space<semaphore_mem>> -> memref<!tpu.dma_semaphore, #tpu.memory_space<semaphore_mem>>
    tpu.wait_indirect_dma semaphore(%dma_wait3A_132 : memref<!tpu.dma_semaphore, #tpu.memory_space<semaphore_mem>>) src(%arg12 : memref<128xf32, #tpu.memory_space<vmem>>) dst(%dma_wait3A_130 : memref<16384xf32, #tpu.memory_space<vmem_shared>>)
    %dma_wait3A_133 = arith.constant 3 : i32
    %dma_wait3A_134 = arith.constant 0 : i32
    %dma_wait3A_135 = arith.constant 3 : i32
    %dma_wait3A_136 = arith.constant 0 : i32
    %dma_wait3A_137 = arith.constant 0 : i32
    %dma_wait3A_138 = tpu.memref_slice %arg11[%dma_wait3A_133, %dma_wait3A_136, %dma_wait3A_137] : memref<4x128x64xf32, #tpu.memory_space<vmem>> -> memref<1x128x64xf32, #tpu.memory_space<vmem>>
    %dma_wait3A_139 = tpu.memref_squeeze %dma_wait3A_138 : memref<1x128x64xf32, #tpu.memory_space<vmem>> -> memref<128x64xf32, #tpu.memory_space<vmem>>
    %dma_wait3A_140 = arith.constant 0 : i32
    %dma_wait3A_141 = tpu.memref_slice %arg10[%dma_wait3A_134, %dma_wait3A_140] : memref<64x128xi32, #tpu.memory_space<vmem>> -> memref<1x128xi32, #tpu.memory_space<vmem>>
    %dma_wait3A_142 = tpu.memref_squeeze %dma_wait3A_141 : memref<1x128xi32, #tpu.memory_space<vmem>> -> memref<128xi32, #tpu.memory_space<vmem>>
    %dma_wait3A_143 = arith.constant 0 : i32
    %dma_wait3A_144 = arith.constant 0 : i32
    %dma_wait3A_145 = tpu.memref_slice %arg13[%dma_wait3A_143, %dma_wait3A_144] : memref<16384x64xf32, #tpu.memory_space<vmem_shared>> -> memref<16384x64xf32, #tpu.memory_space<vmem_shared>>
    %dma_wait3A_146 = tpu.memref_slice %arg16[%dma_wait3A_135] : memref<4x!tpu.dma_semaphore, #tpu.memory_space<semaphore_mem>> -> memref<1x!tpu.dma_semaphore, #tpu.memory_space<semaphore_mem>>
    %dma_wait3A_147 = tpu.memref_squeeze %dma_wait3A_146 : memref<1x!tpu.dma_semaphore, #tpu.memory_space<semaphore_mem>> -> memref<!tpu.dma_semaphore, #tpu.memory_space<semaphore_mem>>
    tpu.wait_indirect_dma semaphore(%dma_wait3A_147 : memref<!tpu.dma_semaphore, #tpu.memory_space<semaphore_mem>>) src(%dma_wait3A_139 : memref<128x64xf32, #tpu.memory_space<vmem>>) dst(%dma_wait3A_145 : memref<16384x64xf32, #tpu.memory_space<vmem_shared>>)
    %dma_wait3A_148 = arith.constant 0 : i32
    %dma_wait3A_149 = arith.constant 3 : i32
    %dma_wait3A_150 = arith.constant 0 : i32
    %dma_wait3A_151 = tpu.memref_slice %arg10[%dma_wait3A_148, %dma_wait3A_150] : memref<64x128xi32, #tpu.memory_space<vmem>> -> memref<1x128xi32, #tpu.memory_space<vmem>>
    %dma_wait3A_152 = tpu.memref_squeeze %dma_wait3A_151 : memref<1x128xi32, #tpu.memory_space<vmem>> -> memref<128xi32, #tpu.memory_space<vmem>>
    %dma_wait3A_153 = arith.constant 0 : i32
    %dma_wait3A_154 = tpu.memref_slice %arg14[%dma_wait3A_153] : memref<16384xf32, #tpu.memory_space<vmem_shared>> -> memref<16384xf32, #tpu.memory_space<vmem_shared>>
    %dma_wait3A_155 = tpu.memref_slice %arg17[%dma_wait3A_149] : memref<4x!tpu.dma_semaphore, #tpu.memory_space<semaphore_mem>> -> memref<1x!tpu.dma_semaphore, #tpu.memory_space<semaphore_mem>>
    %dma_wait3A_156 = tpu.memref_squeeze %dma_wait3A_155 : memref<1x!tpu.dma_semaphore, #tpu.memory_space<semaphore_mem>> -> memref<!tpu.dma_semaphore, #tpu.memory_space<semaphore_mem>>
    tpu.wait_indirect_dma semaphore(%dma_wait3A_156 : memref<!tpu.dma_semaphore, #tpu.memory_space<semaphore_mem>>) src(%arg12 : memref<128xf32, #tpu.memory_space<vmem>>) dst(%dma_wait3A_154 : memref<16384xf32, #tpu.memory_space<vmem_shared>>)
    %barrier3A_157 = arith.constant 0 : index
    tpu.barrier barrier_id(%barrier3A_157)
    %mul3A_158 = arith.constant 16384 : i32
    %mul3A_159 = arith.muli %arg0, %mul3A_158 : i32
    %add3A_160 = arith.addi %mul3A_159, %mul3A_2 : i32
    "tpu.region"() ({
      %run_scoped3A = tpu.sem_alloc : memref<!tpu.dma_semaphore, #tpu.memory_space<semaphore_mem>>
      %dma_start3A = arith.constant 0 : i32
      %dma_start3A_161 = tpu.memref_slice %arg7[%add3A_160, %dma_start3A] : memref<32768x64xf32, #tpu.memory_space<hbm>> -> memref<1024x64xf32, #tpu.memory_space<hbm>>
      %dma_start3A_162 = arith.constant 0 : i32
      %dma_start3A_163 = tpu.memref_slice %arg13[%mul3A_2, %dma_start3A_162] : memref<16384x64xf32, #tpu.memory_space<vmem_shared>> -> memref<1024x64xf32, #tpu.memory_space<vmem_shared>>
      tpu.enqueue_dma source(%dma_start3A_163 : memref<1024x64xf32, #tpu.memory_space<vmem_shared>>) target(%dma_start3A_161 : memref<1024x64xf32, #tpu.memory_space<hbm>>) target_semaphore(%run_scoped3A : memref<!tpu.dma_semaphore, #tpu.memory_space<semaphore_mem>>)
      %dma_wait3A_164 = arith.constant 0 : i32
      %dma_wait3A_165 = tpu.memref_slice %arg7[%add3A_160, %dma_wait3A_164] : memref<32768x64xf32, #tpu.memory_space<hbm>> -> memref<1024x64xf32, #tpu.memory_space<hbm>>
      %dma_wait3A_166 = arith.constant 0 : i32
      %dma_wait3A_167 = tpu.memref_slice %arg13[%mul3A_2, %dma_wait3A_166] : memref<16384x64xf32, #tpu.memory_space<vmem_shared>> -> memref<1024x64xf32, #tpu.memory_space<vmem_shared>>
      tpu.wait_dma2 semaphore(%run_scoped3A : memref<!tpu.dma_semaphore, #tpu.memory_space<semaphore_mem>>) src(%dma_wait3A_167 : memref<1024x64xf32, #tpu.memory_space<vmem_shared>>) dst(%dma_wait3A_165 : memref<1024x64xf32, #tpu.memory_space<hbm>>)
      tpu.yield
    }) : () -> ()
    "tpu.region"() ({
      %run_scoped3A = tpu.sem_alloc : memref<!tpu.dma_semaphore, #tpu.memory_space<semaphore_mem>>
      %dma_start3A = tpu.memref_slice %arg8[%add3A_160] : memref<32768xf32, #tpu.memory_space<hbm>> -> memref<1024xf32, #tpu.memory_space<hbm>>
      %dma_start3A_161 = tpu.memref_slice %arg14[%mul3A_2] : memref<16384xf32, #tpu.memory_space<vmem_shared>> -> memref<1024xf32, #tpu.memory_space<vmem_shared>>
      tpu.enqueue_dma source(%dma_start3A_161 : memref<1024xf32, #tpu.memory_space<vmem_shared>>) target(%dma_start3A : memref<1024xf32, #tpu.memory_space<hbm>>) target_semaphore(%run_scoped3A : memref<!tpu.dma_semaphore, #tpu.memory_space<semaphore_mem>>)
      %dma_wait3A_162 = tpu.memref_slice %arg8[%add3A_160] : memref<32768xf32, #tpu.memory_space<hbm>> -> memref<1024xf32, #tpu.memory_space<hbm>>
      %dma_wait3A_163 = tpu.memref_slice %arg14[%mul3A_2] : memref<16384xf32, #tpu.memory_space<vmem_shared>> -> memref<1024xf32, #tpu.memory_space<vmem_shared>>
      tpu.wait_dma2 semaphore(%run_scoped3A : memref<!tpu.dma_semaphore, #tpu.memory_space<semaphore_mem>>) src(%dma_wait3A_163 : memref<1024xf32, #tpu.memory_space<vmem_shared>>) dst(%dma_wait3A_162 : memref<1024xf32, #tpu.memory_space<hbm>>)
      tpu.yield
    }) : () -> ()
    return
  }
}

module attributes {stable_mosaic.version = 14 : i64} {
  func.func @_mine_kernel(%arg0: i32, %arg1: memref<512x128xf32, #tpu.memory_space<vmem>>, %arg2: memref<512x1xf32, #tpu.memory_space<vmem>>, %arg3: memref<128x64xf32, #tpu.memory_space<vmem>>, %arg4: memref<512x64xf32, #tpu.memory_space<vmem>>, %arg5: memref<512x16xi32, #tpu.memory_space<vmem>>) attributes {dimension_semantics = [#tpu.dimension_semantics<arbitrary>], iteration_bounds = array<i64: 32>, scalar_prefetch = 0 : i64, scratch_operands = 0 : i64, tpu.core_type = #tpu.core_type<tc>, window_params = [{transform_indices = @transform_0, window_bounds = array<i64: 512, 128>}, {transform_indices = @transform_1, window_bounds = array<i64: 512, 1>}, {pipeline_mode = #tpu.pipeline_mode<synchronous>, transform_indices = @transform_2, window_bounds = array<i64: 128, 64>}, {transform_indices = @transform_3, window_bounds = array<i64: 512, 64>}, {transform_indices = @transform_4, window_bounds = array<i64: 512, 16>}]} {
    %get3A = arith.constant 0 : index
    %get3A_0 = arith.constant 0 : index
    %get3A_1 = vector.load %arg1[%get3A, %get3A_0] : memref<512x128xf32, #tpu.memory_space<vmem>>, vector<512x128xf32>
    %get3A_2 = arith.constant 0 : index
    %get3A_3 = arith.constant 0 : index
    %get3A_4 = vector.load %arg2[%get3A_2, %get3A_3] : memref<512x1xf32, #tpu.memory_space<vmem>>, vector<512x1xf32>
    %transpose3A = tpu.transpose %get3A_1, [1, 0] : vector<512x128xf32> -> vector<128x512xf32>
    %dot_general3A = arith.constant dense<0.000000e+00> : vector<512x512xf32>
    %dot_general3A_5 = tpu.matmul %get3A_1, %transpose3A, %dot_general3A {dimension_numbers = #tpu.dot_dimension_numbers<[1], [0], [0], [1], [0, 0, 1, 1], [], []>, transpose_lhs_hint = false} : vector<512x128xf32>, vector<128x512xf32>, vector<512x512xf32> -> vector<512x512xf32>
    %transpose3A_6 = tpu.transpose %get3A_4, [1, 0] : vector<512x1xf32> -> vector<1x512xf32>
    %add3A = vector.broadcast %get3A_4 : vector<512x1xf32> to vector<512x512xf32>
    %add3A_7 = vector.broadcast %transpose3A_6 : vector<1x512xf32> to vector<512x512xf32>
    %add3A_8 = arith.addf %add3A, %add3A_7 : vector<512x512xf32>
    %mul3A = arith.constant 2.000000e+00 : f32
    %mul3A_9 = vector.broadcast %mul3A : f32 to vector<512x512xf32>
    %mul3A_10 = arith.mulf %mul3A_9, %dot_general3A_5 : vector<512x512xf32>
    %sub3A = arith.subf %add3A_8, %mul3A_10 : vector<512x512xf32>
    %max3A = arith.constant 0.000000e+00 : f32
    %max3A_11 = vector.broadcast %max3A : f32 to vector<512x512xf32>
    %max3A_12 = arith.maximumf %sub3A, %max3A_11 : vector<512x512xf32>
    %sqrt3A = math.sqrt %max3A_12 : vector<512x512xf32>
    %iota3A = tpu.iota {dimensions = array<i32: 1>} : vector<512x512xi32>
    %get3A_13 = arith.constant 0 : index
    %get3A_14 = arith.constant 0 : index
    %get3A_15 = vector.load %arg3[%get3A_13, %get3A_14] : memref<128x64xf32, #tpu.memory_space<vmem>>, vector<128x64xf32>
    %dot_general3A_16 = arith.constant dense<0.000000e+00> : vector<512x64xf32>
    %dot_general3A_17 = tpu.matmul %get3A_1, %get3A_15, %dot_general3A_16 {dimension_numbers = #tpu.dot_dimension_numbers<[1], [0], [0], [1], [0, 0, 1, 1], [], []>, transpose_lhs_hint = false} : vector<512x128xf32>, vector<128x64xf32>, vector<512x64xf32> -> vector<512x64xf32>
    %swap3A = arith.constant 0 : index
    %swap3A_18 = arith.constant 0 : index
    %swap3A_19 = vector.load %arg4[%swap3A, %swap3A_18] : memref<512x64xf32, #tpu.memory_space<vmem>>, vector<512x64xf32>
    tpu.vector_store %arg4[%swap3A, %swap3A_18], %dot_general3A_17 {strides = array<i32>} : memref<512x64xf32, #tpu.memory_space<vmem>>, vector<512x64xf32>,
    %broadcast_in_dim3A = arith.constant 0 : i32
    %broadcast_in_dim3A_20 = vector.broadcast %broadcast_in_dim3A : i32 to vector<512x16xi32>
    %swap3A_21 = arith.constant 0 : index
    %swap3A_22 = arith.constant 0 : index
    %swap3A_23 = vector.load %arg5[%swap3A_21, %swap3A_22] : memref<512x16xi32, #tpu.memory_space<vmem>>, vector<512x16xi32>
    tpu.vector_store %arg5[%swap3A_21, %swap3A_22], %broadcast_in_dim3A_20 {strides = array<i32>} : memref<512x16xi32, #tpu.memory_space<vmem>>, vector<512x16xi32>,
    %mul3A_24 = arith.constant 512 : i32
    %mul3A_25 = arith.muli %arg0, %mul3A_24 : i32
    %reduce_min3A = arith.constant dense<0x7F800000> : vector<512xf32>
    %reduce_min3A_26 = vector.multi_reduction <minimumf>, %sqrt3A, %reduce_min3A [1] : vector<512x512xf32> to vector<512xf32>
    %broadcast_in_dim3A_27 = vector.shape_cast %reduce_min3A_26 : vector<512xf32> to vector<512x1xf32>
    %eq3A = vector.broadcast %broadcast_in_dim3A_27 : vector<512x1xf32> to vector<512x512xf32>
    %eq3A_28 = arith.cmpf oeq, %sqrt3A, %eq3A : vector<512x512xf32>
    %jit3A = arith.constant 512 : i32
    %broadcast_in_dim3A_29 = vector.broadcast %jit3A : i32 to vector<512x512xi32>
    %select_n3A = arith.select %eq3A_28, %iota3A, %broadcast_in_dim3A_29 : vector<512x512xi1>, vector<512x512xi32>
    %reduce_min3A_30 = arith.constant dense<2147483647> : vector<512xi32>
    %reduce_min3A_31 = vector.multi_reduction <minsi>, %select_n3A, %reduce_min3A_30 [1] : vector<512x512xi32> to vector<512xi32>
    %broadcast_in_dim3A_32 = vector.shape_cast %reduce_min3A_31 : vector<512xi32> to vector<512x1xi32>
    %eq3A_33 = vector.broadcast %broadcast_in_dim3A_32 : vector<512x1xi32> to vector<512x512xi32>
    %eq3A_34 = arith.cmpi eq, %iota3A, %eq3A_33 : vector<512x512xi32>
    %jit3A_35 = arith.constant 0x7F800000 : f32
    %broadcast_in_dim3A_36 = vector.broadcast %jit3A_35 : f32 to vector<512x512xf32>
    %select_n3A_37 = arith.select %eq3A_34, %broadcast_in_dim3A_36, %sqrt3A : vector<512x512xi1>, vector<512x512xf32>
    %reduce_min3A_38 = arith.constant dense<0x7F800000> : vector<512xf32>
    %reduce_min3A_39 = vector.multi_reduction <minimumf>, %select_n3A_37, %reduce_min3A_38 [1] : vector<512x512xf32> to vector<512xf32>
    %broadcast_in_dim3A_40 = vector.shape_cast %reduce_min3A_39 : vector<512xf32> to vector<512x1xf32>
    %eq3A_41 = vector.broadcast %broadcast_in_dim3A_40 : vector<512x1xf32> to vector<512x512xf32>
    %eq3A_42 = arith.cmpf oeq, %select_n3A_37, %eq3A_41 : vector<512x512xf32>
    %jit3A_43 = arith.constant 512 : i32
    %broadcast_in_dim3A_44 = vector.broadcast %jit3A_43 : i32 to vector<512x512xi32>
    %select_n3A_45 = arith.select %eq3A_42, %iota3A, %broadcast_in_dim3A_44 : vector<512x512xi1>, vector<512x512xi32>
    %reduce_min3A_46 = arith.constant dense<2147483647> : vector<512xi32>
    %reduce_min3A_47 = vector.multi_reduction <minsi>, %select_n3A_45, %reduce_min3A_46 [1] : vector<512x512xi32> to vector<512xi32>
    %broadcast_in_dim3A_48 = vector.shape_cast %reduce_min3A_47 : vector<512xi32> to vector<512x1xi32>
    %add3A_49 = vector.broadcast %mul3A_25 : i32 to vector<512x1xi32>
    %add3A_50 = arith.addi %broadcast_in_dim3A_48, %add3A_49 : vector<512x1xi32>
    %swap3A_51 = arith.constant 0 : index
    %swap3A_52 = arith.constant 0 : index
    %swap3A_53 = vector.load %arg5[%swap3A_51, %swap3A_52] : memref<512x16xi32, #tpu.memory_space<vmem>>, vector<512x1xi32>
    tpu.vector_store %arg5[%swap3A_51, %swap3A_52], %add3A_50 {strides = array<i32>} : memref<512x16xi32, #tpu.memory_space<vmem>>, vector<512x1xi32>,
    %eq3A_54 = vector.broadcast %broadcast_in_dim3A_48 : vector<512x1xi32> to vector<512x512xi32>
    %eq3A_55 = arith.cmpi eq, %iota3A, %eq3A_54 : vector<512x512xi32>
    %jit3A_56 = arith.constant 0x7F800000 : f32
    %broadcast_in_dim3A_57 = vector.broadcast %jit3A_56 : f32 to vector<512x512xf32>
    %select_n3A_58 = arith.select %eq3A_55, %broadcast_in_dim3A_57, %select_n3A_37 : vector<512x512xi1>, vector<512x512xf32>
    %reduce_min3A_59 = arith.constant dense<0x7F800000> : vector<512xf32>
    %reduce_min3A_60 = vector.multi_reduction <minimumf>, %select_n3A_58, %reduce_min3A_59 [1] : vector<512x512xf32> to vector<512xf32>
    %broadcast_in_dim3A_61 = vector.shape_cast %reduce_min3A_60 : vector<512xf32> to vector<512x1xf32>
    %eq3A_62 = vector.broadcast %broadcast_in_dim3A_61 : vector<512x1xf32> to vector<512x512xf32>
    %eq3A_63 = arith.cmpf oeq, %select_n3A_58, %eq3A_62 : vector<512x512xf32>
    %jit3A_64 = arith.constant 512 : i32
    %broadcast_in_dim3A_65 = vector.broadcast %jit3A_64 : i32 to vector<512x512xi32>
    %select_n3A_66 = arith.select %eq3A_63, %iota3A, %broadcast_in_dim3A_65 : vector<512x512xi1>, vector<512x512xi32>
    %reduce_min3A_67 = arith.constant dense<2147483647> : vector<512xi32>
    %reduce_min3A_68 = vector.multi_reduction <minsi>, %select_n3A_66, %reduce_min3A_67 [1] : vector<512x512xi32> to vector<512xi32>
    %broadcast_in_dim3A_69 = vector.shape_cast %reduce_min3A_68 : vector<512xi32> to vector<512x1xi32>
    %add3A_70 = vector.broadcast %mul3A_25 : i32 to vector<512x1xi32>
    %add3A_71 = arith.addi %broadcast_in_dim3A_69, %add3A_70 : vector<512x1xi32>
    %swap3A_72 = arith.constant 0 : index
    %swap3A_73 = arith.constant 1 : index
    %swap3A_74 = vector.load %arg5[%swap3A_72, %swap3A_73] : memref<512x16xi32, #tpu.memory_space<vmem>>, vector<512x1xi32>
    tpu.vector_store %arg5[%swap3A_72, %swap3A_73], %add3A_71 {strides = array<i32>} : memref<512x16xi32, #tpu.memory_space<vmem>>, vector<512x1xi32>,
    %eq3A_75 = vector.broadcast %broadcast_in_dim3A_69 : vector<512x1xi32> to vector<512x512xi32>
    %eq3A_76 = arith.cmpi eq, %iota3A, %eq3A_75 : vector<512x512xi32>
    %jit3A_77 = arith.constant 0x7F800000 : f32
    %broadcast_in_dim3A_78 = vector.broadcast %jit3A_77 : f32 to vector<512x512xf32>
    %select_n3A_79 = arith.select %eq3A_76, %broadcast_in_dim3A_78, %select_n3A_58 : vector<512x512xi1>, vector<512x512xf32>
    %reduce_min3A_80 = arith.constant dense<0x7F800000> : vector<512xf32>
    %reduce_min3A_81 = vector.multi_reduction <minimumf>, %select_n3A_79, %reduce_min3A_80 [1] : vector<512x512xf32> to vector<512xf32>
    %broadcast_in_dim3A_82 = vector.shape_cast %reduce_min3A_81 : vector<512xf32> to vector<512x1xf32>
    %eq3A_83 = vector.broadcast %broadcast_in_dim3A_82 : vector<512x1xf32> to vector<512x512xf32>
    %eq3A_84 = arith.cmpf oeq, %select_n3A_79, %eq3A_83 : vector<512x512xf32>
    %jit3A_85 = arith.constant 512 : i32
    %broadcast_in_dim3A_86 = vector.broadcast %jit3A_85 : i32 to vector<512x512xi32>
    %select_n3A_87 = arith.select %eq3A_84, %iota3A, %broadcast_in_dim3A_86 : vector<512x512xi1>, vector<512x512xi32>
    %reduce_min3A_88 = arith.constant dense<2147483647> : vector<512xi32>
    %reduce_min3A_89 = vector.multi_reduction <minsi>, %select_n3A_87, %reduce_min3A_88 [1] : vector<512x512xi32> to vector<512xi32>
    %broadcast_in_dim3A_90 = vector.shape_cast %reduce_min3A_89 : vector<512xi32> to vector<512x1xi32>
    %add3A_91 = vector.broadcast %mul3A_25 : i32 to vector<512x1xi32>
    %add3A_92 = arith.addi %broadcast_in_dim3A_90, %add3A_91 : vector<512x1xi32>
    %swap3A_93 = arith.constant 0 : index
    %swap3A_94 = arith.constant 2 : index
    %swap3A_95 = vector.load %arg5[%swap3A_93, %swap3A_94] : memref<512x16xi32, #tpu.memory_space<vmem>>, vector<512x1xi32>
    tpu.vector_store %arg5[%swap3A_93, %swap3A_94], %add3A_92 {strides = array<i32>} : memref<512x16xi32, #tpu.memory_space<vmem>>, vector<512x1xi32>,
    %eq3A_96 = vector.broadcast %broadcast_in_dim3A_90 : vector<512x1xi32> to vector<512x512xi32>
    %eq3A_97 = arith.cmpi eq, %iota3A, %eq3A_96 : vector<512x512xi32>
    %jit3A_98 = arith.constant 0x7F800000 : f32
    %broadcast_in_dim3A_99 = vector.broadcast %jit3A_98 : f32 to vector<512x512xf32>
    %select_n3A_100 = arith.select %eq3A_97, %broadcast_in_dim3A_99, %select_n3A_79 : vector<512x512xi1>, vector<512x512xf32>
    %reduce_min3A_101 = arith.constant dense<0x7F800000> : vector<512xf32>
    %reduce_min3A_102 = vector.multi_reduction <minimumf>, %select_n3A_100, %reduce_min3A_101 [1] : vector<512x512xf32> to vector<512xf32>
    %broadcast_in_dim3A_103 = vector.shape_cast %reduce_min3A_102 : vector<512xf32> to vector<512x1xf32>
    %eq3A_104 = vector.broadcast %broadcast_in_dim3A_103 : vector<512x1xf32> to vector<512x512xf32>
    %eq3A_105 = arith.cmpf oeq, %select_n3A_100, %eq3A_104 : vector<512x512xf32>
    %jit3A_106 = arith.constant 512 : i32
    %broadcast_in_dim3A_107 = vector.broadcast %jit3A_106 : i32 to vector<512x512xi32>
    %select_n3A_108 = arith.select %eq3A_105, %iota3A, %broadcast_in_dim3A_107 : vector<512x512xi1>, vector<512x512xi32>
    %reduce_min3A_109 = arith.constant dense<2147483647> : vector<512xi32>
    %reduce_min3A_110 = vector.multi_reduction <minsi>, %select_n3A_108, %reduce_min3A_109 [1] : vector<512x512xi32> to vector<512xi32>
    %broadcast_in_dim3A_111 = vector.shape_cast %reduce_min3A_110 : vector<512xi32> to vector<512x1xi32>
    %add3A_112 = vector.broadcast %mul3A_25 : i32 to vector<512x1xi32>
    %add3A_113 = arith.addi %broadcast_in_dim3A_111, %add3A_112 : vector<512x1xi32>
    %swap3A_114 = arith.constant 0 : index
    %swap3A_115 = arith.constant 3 : index
    %swap3A_116 = vector.load %arg5[%swap3A_114, %swap3A_115] : memref<512x16xi32, #tpu.memory_space<vmem>>, vector<512x1xi32>
    tpu.vector_store %arg5[%swap3A_114, %swap3A_115], %add3A_113 {strides = array<i32>} : memref<512x16xi32, #tpu.memory_space<vmem>>, vector<512x1xi32>,
    %eq3A_117 = vector.broadcast %broadcast_in_dim3A_111 : vector<512x1xi32> to vector<512x512xi32>
    %eq3A_118 = arith.cmpi eq, %iota3A, %eq3A_117 : vector<512x512xi32>
    %jit3A_119 = arith.constant 0x7F800000 : f32
    %broadcast_in_dim3A_120 = vector.broadcast %jit3A_119 : f32 to vector<512x512xf32>
    %select_n3A_121 = arith.select %eq3A_118, %broadcast_in_dim3A_120, %select_n3A_100 : vector<512x512xi1>, vector<512x512xf32>
    %reduce_min3A_122 = arith.constant dense<0x7F800000> : vector<512xf32>
    %reduce_min3A_123 = vector.multi_reduction <minimumf>, %select_n3A_121, %reduce_min3A_122 [1] : vector<512x512xf32> to vector<512xf32>
    %broadcast_in_dim3A_124 = vector.shape_cast %reduce_min3A_123 : vector<512xf32> to vector<512x1xf32>
    %eq3A_125 = vector.broadcast %broadcast_in_dim3A_124 : vector<512x1xf32> to vector<512x512xf32>
    %eq3A_126 = arith.cmpf oeq, %select_n3A_121, %eq3A_125 : vector<512x512xf32>
    %jit3A_127 = arith.constant 512 : i32
    %broadcast_in_dim3A_128 = vector.broadcast %jit3A_127 : i32 to vector<512x512xi32>
    %select_n3A_129 = arith.select %eq3A_126, %iota3A, %broadcast_in_dim3A_128 : vector<512x512xi1>, vector<512x512xi32>
    %reduce_min3A_130 = arith.constant dense<2147483647> : vector<512xi32>
    %reduce_min3A_131 = vector.multi_reduction <minsi>, %select_n3A_129, %reduce_min3A_130 [1] : vector<512x512xi32> to vector<512xi32>
    %broadcast_in_dim3A_132 = vector.shape_cast %reduce_min3A_131 : vector<512xi32> to vector<512x1xi32>
    %add3A_133 = vector.broadcast %mul3A_25 : i32 to vector<512x1xi32>
    %add3A_134 = arith.addi %broadcast_in_dim3A_132, %add3A_133 : vector<512x1xi32>
    %swap3A_135 = arith.constant 0 : index
    %swap3A_136 = arith.constant 4 : index
    %swap3A_137 = vector.load %arg5[%swap3A_135, %swap3A_136] : memref<512x16xi32, #tpu.memory_space<vmem>>, vector<512x1xi32>
    tpu.vector_store %arg5[%swap3A_135, %swap3A_136], %add3A_134 {strides = array<i32>} : memref<512x16xi32, #tpu.memory_space<vmem>>, vector<512x1xi32>,
    %reduce_max3A = arith.constant dense<0xFF800000> : vector<512xf32>
    %reduce_max3A_138 = vector.multi_reduction <maximumf>, %sqrt3A, %reduce_max3A [1] : vector<512x512xf32> to vector<512xf32>
    %broadcast_in_dim3A_139 = vector.shape_cast %reduce_max3A_138 : vector<512xf32> to vector<512x1xf32>
    %eq3A_140 = vector.broadcast %broadcast_in_dim3A_139 : vector<512x1xf32> to vector<512x512xf32>
    %eq3A_141 = arith.cmpf oeq, %sqrt3A, %eq3A_140 : vector<512x512xf32>
    %jit3A_142 = arith.constant -1 : i32
    %broadcast_in_dim3A_143 = vector.broadcast %jit3A_142 : i32 to vector<512x512xi32>
    %select_n3A_144 = arith.select %eq3A_141, %iota3A, %broadcast_in_dim3A_143 : vector<512x512xi1>, vector<512x512xi32>
    %reduce_max3A_145 = arith.constant dense<-2147483648> : vector<512xi32>
    %reduce_max3A_146 = vector.multi_reduction <maxsi>, %select_n3A_144, %reduce_max3A_145 [1] : vector<512x512xi32> to vector<512xi32>
    %broadcast_in_dim3A_147 = vector.shape_cast %reduce_max3A_146 : vector<512xi32> to vector<512x1xi32>
    %add3A_148 = vector.broadcast %mul3A_25 : i32 to vector<512x1xi32>
    %add3A_149 = arith.addi %broadcast_in_dim3A_147, %add3A_148 : vector<512x1xi32>
    %swap3A_150 = arith.constant 0 : index
    %swap3A_151 = arith.constant 9 : index
    %swap3A_152 = vector.load %arg5[%swap3A_150, %swap3A_151] : memref<512x16xi32, #tpu.memory_space<vmem>>, vector<512x1xi32>
    tpu.vector_store %arg5[%swap3A_150, %swap3A_151], %add3A_149 {strides = array<i32>} : memref<512x16xi32, #tpu.memory_space<vmem>>, vector<512x1xi32>,
    %eq3A_153 = vector.broadcast %broadcast_in_dim3A_147 : vector<512x1xi32> to vector<512x512xi32>
    %eq3A_154 = arith.cmpi eq, %iota3A, %eq3A_153 : vector<512x512xi32>
    %jit3A_155 = arith.constant 0xFF800000 : f32
    %broadcast_in_dim3A_156 = vector.broadcast %jit3A_155 : f32 to vector<512x512xf32>
    %select_n3A_157 = arith.select %eq3A_154, %broadcast_in_dim3A_156, %sqrt3A : vector<512x512xi1>, vector<512x512xf32>
    %reduce_max3A_158 = arith.constant dense<0xFF800000> : vector<512xf32>
    %reduce_max3A_159 = vector.multi_reduction <maximumf>, %select_n3A_157, %reduce_max3A_158 [1] : vector<512x512xf32> to vector<512xf32>
    %broadcast_in_dim3A_160 = vector.shape_cast %reduce_max3A_159 : vector<512xf32> to vector<512x1xf32>
    %eq3A_161 = vector.broadcast %broadcast_in_dim3A_160 : vector<512x1xf32> to vector<512x512xf32>
    %eq3A_162 = arith.cmpf oeq, %select_n3A_157, %eq3A_161 : vector<512x512xf32>
    %jit3A_163 = arith.constant -1 : i32
    %broadcast_in_dim3A_164 = vector.broadcast %jit3A_163 : i32 to vector<512x512xi32>
    %select_n3A_165 = arith.select %eq3A_162, %iota3A, %broadcast_in_dim3A_164 : vector<512x512xi1>, vector<512x512xi32>
    %reduce_max3A_166 = arith.constant dense<-2147483648> : vector<512xi32>
    %reduce_max3A_167 = vector.multi_reduction <maxsi>, %select_n3A_165, %reduce_max3A_166 [1] : vector<512x512xi32> to vector<512xi32>
    %broadcast_in_dim3A_168 = vector.shape_cast %reduce_max3A_167 : vector<512xi32> to vector<512x1xi32>
    %add3A_169 = vector.broadcast %mul3A_25 : i32 to vector<512x1xi32>
    %add3A_170 = arith.addi %broadcast_in_dim3A_168, %add3A_169 : vector<512x1xi32>
    %swap3A_171 = arith.constant 0 : index
    %swap3A_172 = arith.constant 8 : index
    %swap3A_173 = vector.load %arg5[%swap3A_171, %swap3A_172] : memref<512x16xi32, #tpu.memory_space<vmem>>, vector<512x1xi32>
    tpu.vector_store %arg5[%swap3A_171, %swap3A_172], %add3A_170 {strides = array<i32>} : memref<512x16xi32, #tpu.memory_space<vmem>>, vector<512x1xi32>,
    %eq3A_174 = vector.broadcast %broadcast_in_dim3A_168 : vector<512x1xi32> to vector<512x512xi32>
    %eq3A_175 = arith.cmpi eq, %iota3A, %eq3A_174 : vector<512x512xi32>
    %jit3A_176 = arith.constant 0xFF800000 : f32
    %broadcast_in_dim3A_177 = vector.broadcast %jit3A_176 : f32 to vector<512x512xf32>
    %select_n3A_178 = arith.select %eq3A_175, %broadcast_in_dim3A_177, %select_n3A_157 : vector<512x512xi1>, vector<512x512xf32>
    %reduce_max3A_179 = arith.constant dense<0xFF800000> : vector<512xf32>
    %reduce_max3A_180 = vector.multi_reduction <maximumf>, %select_n3A_178, %reduce_max3A_179 [1] : vector<512x512xf32> to vector<512xf32>
    %broadcast_in_dim3A_181 = vector.shape_cast %reduce_max3A_180 : vector<512xf32> to vector<512x1xf32>
    %eq3A_182 = vector.broadcast %broadcast_in_dim3A_181 : vector<512x1xf32> to vector<512x512xf32>
    %eq3A_183 = arith.cmpf oeq, %select_n3A_178, %eq3A_182 : vector<512x512xf32>
    %jit3A_184 = arith.constant -1 : i32
    %broadcast_in_dim3A_185 = vector.broadcast %jit3A_184 : i32 to vector<512x512xi32>
    %select_n3A_186 = arith.select %eq3A_183, %iota3A, %broadcast_in_dim3A_185 : vector<512x512xi1>, vector<512x512xi32>
    %reduce_max3A_187 = arith.constant dense<-2147483648> : vector<512xi32>
    %reduce_max3A_188 = vector.multi_reduction <maxsi>, %select_n3A_186, %reduce_max3A_187 [1] : vector<512x512xi32> to vector<512xi32>
    %broadcast_in_dim3A_189 = vector.shape_cast %reduce_max3A_188 : vector<512xi32> to vector<512x1xi32>
    %add3A_190 = vector.broadcast %mul3A_25 : i32 to vector<512x1xi32>
    %add3A_191 = arith.addi %broadcast_in_dim3A_189, %add3A_190 : vector<512x1xi32>
    %swap3A_192 = arith.constant 0 : index
    %swap3A_193 = arith.constant 7 : index
    %swap3A_194 = vector.load %arg5[%swap3A_192, %swap3A_193] : memref<512x16xi32, #tpu.memory_space<vmem>>, vector<512x1xi32>
    tpu.vector_store %arg5[%swap3A_192, %swap3A_193], %add3A_191 {strides = array<i32>} : memref<512x16xi32, #tpu.memory_space<vmem>>, vector<512x1xi32>,
    %eq3A_195 = vector.broadcast %broadcast_in_dim3A_189 : vector<512x1xi32> to vector<512x512xi32>
    %eq3A_196 = arith.cmpi eq, %iota3A, %eq3A_195 : vector<512x512xi32>
    %jit3A_197 = arith.constant 0xFF800000 : f32
    %broadcast_in_dim3A_198 = vector.broadcast %jit3A_197 : f32 to vector<512x512xf32>
    %select_n3A_199 = arith.select %eq3A_196, %broadcast_in_dim3A_198, %select_n3A_178 : vector<512x512xi1>, vector<512x512xf32>
    %reduce_max3A_200 = arith.constant dense<0xFF800000> : vector<512xf32>
    %reduce_max3A_201 = vector.multi_reduction <maximumf>, %select_n3A_199, %reduce_max3A_200 [1] : vector<512x512xf32> to vector<512xf32>
    %broadcast_in_dim3A_202 = vector.shape_cast %reduce_max3A_201 : vector<512xf32> to vector<512x1xf32>
    %eq3A_203 = vector.broadcast %broadcast_in_dim3A_202 : vector<512x1xf32> to vector<512x512xf32>
    %eq3A_204 = arith.cmpf oeq, %select_n3A_199, %eq3A_203 : vector<512x512xf32>
    %jit3A_205 = arith.constant -1 : i32
    %broadcast_in_dim3A_206 = vector.broadcast %jit3A_205 : i32 to vector<512x512xi32>
    %select_n3A_207 = arith.select %eq3A_204, %iota3A, %broadcast_in_dim3A_206 : vector<512x512xi1>, vector<512x512xi32>
    %reduce_max3A_208 = arith.constant dense<-2147483648> : vector<512xi32>
    %reduce_max3A_209 = vector.multi_reduction <maxsi>, %select_n3A_207, %reduce_max3A_208 [1] : vector<512x512xi32> to vector<512xi32>
    %broadcast_in_dim3A_210 = vector.shape_cast %reduce_max3A_209 : vector<512xi32> to vector<512x1xi32>
    %add3A_211 = vector.broadcast %mul3A_25 : i32 to vector<512x1xi32>
    %add3A_212 = arith.addi %broadcast_in_dim3A_210, %add3A_211 : vector<512x1xi32>
    %swap3A_213 = arith.constant 0 : index
    %swap3A_214 = arith.constant 6 : index
    %swap3A_215 = vector.load %arg5[%swap3A_213, %swap3A_214] : memref<512x16xi32, #tpu.memory_space<vmem>>, vector<512x1xi32>
    tpu.vector_store %arg5[%swap3A_213, %swap3A_214], %add3A_212 {strides = array<i32>} : memref<512x16xi32, #tpu.memory_space<vmem>>, vector<512x1xi32>,
    %eq3A_216 = vector.broadcast %broadcast_in_dim3A_210 : vector<512x1xi32> to vector<512x512xi32>
    %eq3A_217 = arith.cmpi eq, %iota3A, %eq3A_216 : vector<512x512xi32>
    %jit3A_218 = arith.constant 0xFF800000 : f32
    %broadcast_in_dim3A_219 = vector.broadcast %jit3A_218 : f32 to vector<512x512xf32>
    %select_n3A_220 = arith.select %eq3A_217, %broadcast_in_dim3A_219, %select_n3A_199 : vector<512x512xi1>, vector<512x512xf32>
    %reduce_max3A_221 = arith.constant dense<0xFF800000> : vector<512xf32>
    %reduce_max3A_222 = vector.multi_reduction <maximumf>, %select_n3A_220, %reduce_max3A_221 [1] : vector<512x512xf32> to vector<512xf32>
    %broadcast_in_dim3A_223 = vector.shape_cast %reduce_max3A_222 : vector<512xf32> to vector<512x1xf32>
    %eq3A_224 = vector.broadcast %broadcast_in_dim3A_223 : vector<512x1xf32> to vector<512x512xf32>
    %eq3A_225 = arith.cmpf oeq, %select_n3A_220, %eq3A_224 : vector<512x512xf32>
    %jit3A_226 = arith.constant -1 : i32
    %broadcast_in_dim3A_227 = vector.broadcast %jit3A_226 : i32 to vector<512x512xi32>
    %select_n3A_228 = arith.select %eq3A_225, %iota3A, %broadcast_in_dim3A_227 : vector<512x512xi1>, vector<512x512xi32>
    %reduce_max3A_229 = arith.constant dense<-2147483648> : vector<512xi32>
    %reduce_max3A_230 = vector.multi_reduction <maxsi>, %select_n3A_228, %reduce_max3A_229 [1] : vector<512x512xi32> to vector<512xi32>
    %broadcast_in_dim3A_231 = vector.shape_cast %reduce_max3A_230 : vector<512xi32> to vector<512x1xi32>
    %add3A_232 = vector.broadcast %mul3A_25 : i32 to vector<512x1xi32>
    %add3A_233 = arith.addi %broadcast_in_dim3A_231, %add3A_232 : vector<512x1xi32>
    %swap3A_234 = arith.constant 0 : index
    %swap3A_235 = arith.constant 5 : index
    %swap3A_236 = vector.load %arg5[%swap3A_234, %swap3A_235] : memref<512x16xi32, #tpu.memory_space<vmem>>, vector<512x1xi32>
    tpu.vector_store %arg5[%swap3A_234, %swap3A_235], %add3A_233 {strides = array<i32>} : memref<512x16xi32, #tpu.memory_space<vmem>>, vector<512x1xi32>,
    return
  }
  func.func @transform_0(%arg0: i32) -> (i32, i32) {
    %c0_i32 = arith.constant 0 : i32
    %c0_i32_0 = arith.constant 0 : i32
    return %arg0, %c0_i32 : i32, i32
  }
  func.func @transform_1(%arg0: i32) -> (i32, i32) {
    %c0_i32 = arith.constant 0 : i32
    %c0_i32_0 = arith.constant 0 : i32
    return %arg0, %c0_i32 : i32, i32
  }
  func.func @transform_2(%arg0: i32) -> (i32, i32) {
    %c0_i32 = arith.constant 0 : i32
    %c0_i32_0 = arith.constant 0 : i32
    %c0_i32_1 = arith.constant 0 : i32
    return %c0_i32, %c0_i32_0 : i32, i32
  }
  func.func @transform_3(%arg0: i32) -> (i32, i32) {
    %c0_i32 = arith.constant 0 : i32
    %c0_i32_0 = arith.constant 0 : i32
    return %arg0, %c0_i32 : i32, i32
  }
  func.func @transform_4(%arg0: i32) -> (i32, i32) {
    %c0_i32 = arith.constant 0 : i32
    %c0_i32_0 = arith.constant 0 : i32
    return %arg0, %c0_i32 : i32, i32
  }
}

module attributes {stable_mosaic.version = 14 : i64} {
  func.func @_head_kernel(%arg0: i32, %arg1: memref<2x1024x64xf32, #tpu.memory_space<vmem>>, %arg2: memref<2x1024x1xf32, #tpu.memory_space<vmem>>, %arg3: memref<64x64xf32, #tpu.memory_space<vmem>>, %arg4: memref<64x128xf32, #tpu.memory_space<vmem>>, %arg5: memref<1024x64xf32, #tpu.memory_space<vmem>>, %arg6: memref<1024x128xf32, #tpu.memory_space<vmem>>) attributes {dimension_semantics = [#tpu.dimension_semantics<arbitrary>], iteration_bounds = array<i64: 16>, scalar_prefetch = 0 : i64, scratch_operands = 0 : i64, tpu.core_type = #tpu.core_type<tc>, window_params = [{transform_indices = @transform_0, window_bounds = array<i64: 2, 1024, 64>}, {transform_indices = @transform_1, window_bounds = array<i64: 2, 1024, 1>}, {pipeline_mode = #tpu.pipeline_mode<synchronous>, transform_indices = @transform_2, window_bounds = array<i64: 64, 64>}, {pipeline_mode = #tpu.pipeline_mode<synchronous>, transform_indices = @transform_3, window_bounds = array<i64: 64, 128>}, {transform_indices = @transform_4, window_bounds = array<i64: 1024, 64>}, {transform_indices = @transform_5, window_bounds = array<i64: 1024, 128>}]} {
    %get3A = arith.constant 0 : index
    %get3A_0 = arith.constant 0 : index
    %get3A_1 = arith.constant 0 : index
    %get3A_2 = vector.load %arg1[%get3A, %get3A_0, %get3A_1] : memref<2x1024x64xf32, #tpu.memory_space<vmem>>, vector<1x1024x64xf32>
    %get3A_3 = vector.shape_cast %get3A_2 : vector<1x1024x64xf32> to vector<1024x64xf32>
    %get3A_4 = arith.constant 1 : index
    %get3A_5 = arith.constant 0 : index
    %get3A_6 = arith.constant 0 : index
    %get3A_7 = vector.load %arg1[%get3A_4, %get3A_5, %get3A_6] : memref<2x1024x64xf32, #tpu.memory_space<vmem>>, vector<1x1024x64xf32>
    %get3A_8 = vector.shape_cast %get3A_7 : vector<1x1024x64xf32> to vector<1024x64xf32>
    %add3A = arith.addf %get3A_3, %get3A_8 : vector<1024x64xf32>
    %get3A_9 = arith.constant 0 : index
    %get3A_10 = arith.constant 0 : index
    %get3A_11 = arith.constant 0 : index
    %get3A_12 = vector.load %arg2[%get3A_9, %get3A_10, %get3A_11] : memref<2x1024x1xf32, #tpu.memory_space<vmem>>, vector<1x1024x1xf32>
    %get3A_13 = vector.shape_cast %get3A_12 : vector<1x1024x1xf32> to vector<1024x1xf32>
    %get3A_14 = arith.constant 1 : index
    %get3A_15 = arith.constant 0 : index
    %get3A_16 = arith.constant 0 : index
    %get3A_17 = vector.load %arg2[%get3A_14, %get3A_15, %get3A_16] : memref<2x1024x1xf32, #tpu.memory_space<vmem>>, vector<1x1024x1xf32>
    %get3A_18 = vector.shape_cast %get3A_17 : vector<1x1024x1xf32> to vector<1024x1xf32>
    %add3A_19 = arith.addf %get3A_13, %get3A_18 : vector<1024x1xf32>
    %max3A = arith.constant 1.000000e+00 : f32
    %max3A_20 = vector.broadcast %max3A : f32 to vector<1024x1xf32>
    %max3A_21 = arith.maximumf %add3A_19, %max3A_20 : vector<1024x1xf32>
    %div3A = vector.broadcast %max3A_21 : vector<1024x1xf32> to vector<1024x64xf32>
    %div3A_22 = arith.divf %add3A, %div3A : vector<1024x64xf32>
    %get3A_23 = arith.constant 0 : index
    %get3A_24 = arith.constant 0 : index
    %get3A_25 = vector.load %arg3[%get3A_23, %get3A_24] : memref<64x64xf32, #tpu.memory_space<vmem>>, vector<64x64xf32>
    %dot_general3A = arith.constant dense<0.000000e+00> : vector<1024x64xf32>
    %dot_general3A_26 = tpu.matmul %div3A_22, %get3A_25, %dot_general3A {dimension_numbers = #tpu.dot_dimension_numbers<[1], [0], [0], [1], [0, 0, 1, 1], [], []>, transpose_lhs_hint = false} : vector<1024x64xf32>, vector<64x64xf32>, vector<1024x64xf32> -> vector<1024x64xf32>
    %max3A_27 = arith.constant 0.000000e+00 : f32
    %max3A_28 = vector.broadcast %max3A_27 : f32 to vector<1024x64xf32>
    %max3A_29 = arith.maximumf %dot_general3A_26, %max3A_28 : vector<1024x64xf32>
    %swap3A = arith.constant 0 : index
    %swap3A_30 = arith.constant 0 : index
    %swap3A_31 = vector.load %arg5[%swap3A, %swap3A_30] : memref<1024x64xf32, #tpu.memory_space<vmem>>, vector<1024x64xf32>
    tpu.vector_store %arg5[%swap3A, %swap3A_30], %max3A_29 {strides = array<i32>} : memref<1024x64xf32, #tpu.memory_space<vmem>>, vector<1024x64xf32>,
    %get3A_32 = arith.constant 0 : index
    %get3A_33 = arith.constant 0 : index
    %get3A_34 = vector.load %arg4[%get3A_32, %get3A_33] : memref<64x128xf32, #tpu.memory_space<vmem>>, vector<64x128xf32>
    %dot_general3A_35 = arith.constant dense<0.000000e+00> : vector<1024x128xf32>
    %dot_general3A_36 = tpu.matmul %max3A_29, %get3A_34, %dot_general3A_35 {dimension_numbers = #tpu.dot_dimension_numbers<[1], [0], [0], [1], [0, 0, 1, 1], [], []>, transpose_lhs_hint = false} : vector<1024x64xf32>, vector<64x128xf32>, vector<1024x128xf32> -> vector<1024x128xf32>
    %swap3A_37 = arith.constant 0 : index
    %swap3A_38 = arith.constant 0 : index
    %swap3A_39 = vector.load %arg6[%swap3A_37, %swap3A_38] : memref<1024x128xf32, #tpu.memory_space<vmem>>, vector<1024x128xf32>
    tpu.vector_store %arg6[%swap3A_37, %swap3A_38], %dot_general3A_36 {strides = array<i32>} : memref<1024x128xf32, #tpu.memory_space<vmem>>, vector<1024x128xf32>,
    return
  }
  func.func @transform_0(%arg0: i32) -> (i32, i32, i32) {
    %c0_i32 = arith.constant 0 : i32
    %c0_i32_0 = arith.constant 0 : i32
    %c0_i32_1 = arith.constant 0 : i32
    return %c0_i32, %arg0, %c0_i32_0 : i32, i32, i32
  }
  func.func @transform_1(%arg0: i32) -> (i32, i32, i32) {
    %c0_i32 = arith.constant 0 : i32
    %c0_i32_0 = arith.constant 0 : i32
    %c0_i32_1 = arith.constant 0 : i32
    return %c0_i32, %arg0, %c0_i32_0 : i32, i32, i32
  }
  func.func @transform_2(%arg0: i32) -> (i32, i32) {
    %c0_i32 = arith.constant 0 : i32
    %c0_i32_0 = arith.constant 0 : i32
    %c0_i32_1 = arith.constant 0 : i32
    return %c0_i32, %c0_i32_0 : i32, i32
  }
  func.func @transform_3(%arg0: i32) -> (i32, i32) {
    %c0_i32 = arith.constant 0 : i32
    %c0_i32_0 = arith.constant 0 : i32
    %c0_i32_1 = arith.constant 0 : i32
    return %c0_i32, %c0_i32_0 : i32, i32
  }
  func.func @transform_4(%arg0: i32) -> (i32, i32) {
    %c0_i32 = arith.constant 0 : i32
    %c0_i32_0 = arith.constant 0 : i32
    return %arg0, %c0_i32 : i32, i32
  }
  func.func @transform_5(%arg0: i32) -> (i32, i32) {
    %c0_i32 = arith.constant 0 : i32
    %c0_i32_0 = arith.constant 0 : i32
    return %arg0, %c0_i32 : i32, i32
  }
}

</mosaic_0001>

<sc_bundles>
// kernel: kernel.6.cloned.1.call-start
scs
__scs_entry_jumppad:
0x0: {  	(pc) =	sbr.rel $0x88, $3  }
0x1: {  	(tag) =	ssettag $0x0;
	lr =	simm.s32 $0x1  }
0x2: {  	[smem:$0x3F9C] =	sst lr;
	_ =	strace $0xD0000000  }
0x3: {  	_ = 	snop  }
0x4: {  	_ = 	snop  }
0x5: {  	_ = 	snop  }
0x6: {  	_ = 	snop  }
0x7: {  	_ = 	snop  }
__scs_overlays_trampoline_lowered:
0x8: {  	[smem:$0x3FAB] =	sst s0  }
0x9: {  	[smem:$0x3FAC] =	sst s1  }
0xa: {  	[smem:$0x3FAD] =	sst s2  }
0xb: {  	[smem:$0x3FAE] =	sst s3  }
0xc: {  	[smem:$0x3FAF] =	sst s4  }
0xd: {  	[smem:$0x3FB0] =	sst s5  }
0xe: {  	[smem:$0x3FB1] =	sst s6  }
0xf: {  	[smem:$0x3FB2] =	sst s7  }
0x10: {  	[smem:$0x3FB3] =	sst s8  }
0x11: {  	[smem:$0x3FB4] =	sst s9;
	s0 =	simm.s32 @!p0 $0x0  }
0x12: {  	s1 =	sld [smem:$0x3F9A];
	s0 =	simm.s32 @p0 $0x1  }
0x13: {  	[smem:$0x3FB5] =	sst s0;
	s0 =	simm.s32 @!p1 $0x0  }
0x14: {  	s2 =	sld [smem:$0x3F99];
	s0 =	simm.s32 @p1 $0x1  }
0x15: {  	[smem:$0x3FB6] =	sst s0;
	s0 =	simm.s32 @!p2 $0x0  }
0x16: {  	s3 =	sld [smem:$0x3FDB];
	s0 =	simm.s32 @p2 $0x1  }
0x17: {  	s4 =	simm.s32 $0x1BF5;
	[smem:$0x3FB8] =	sst s0  }
0x18: {  	s0 =	sld [smem:$0x3F9B];
	_ =	swait.ge [sflag:s4], $0x0  }
0x19: {  	s7 =	sld [smem:$0x3F9C]  }
0x1a: {  	s8 =	sadd.s32 $0xFFFFE003, lr  }
0x1b: {  	s9 =	sadd.s32 $0xFFFFFEF7, lr;
	s5 =	simm.s32 $0xFFFFFFFF;
	p2 =	slt.u32 s8, $0xFFFFF086  }
0x1c: {  	p1 =	slt.u32 s9, $0xF7A;
	s5 =	simm.s32 @!p2 $0x0  }
0x1d: {  	s5 =	simm.s32 @p1 $0x1;
	p0 =	seq.s32 s7, s2  }
0x1e: {  	s7 =	smul.u32 @!p0 $0xF7A, s2;
	p2 =	seq.s32 @!p0 s5, $0x0  }
0x1f: {  	s9 =	smul.u32 $0xF7A, s1;
	s8 =	simm.s32 @!p0 $0x1BF5;
	p2 =	por !p2, p0  }
0x20: {  	[sflag:s8] =	ssyncset.s32 @!p0 $0xFFFFF086;
	s6 =	sadd.s32 @!p0 s3, s7;
	s7 =	simm.s32 @!p0 $0x108  }
0x21: {  	s3 =	sadd.s32 s3, s9;
	s6 =	sadd.s32 @!p0 $0x88, s6;
	s7 =	simm.s32 @p2 $0x1082  }
0x22: {  	[simem:s7], [sflag:s8] =	dma.local @!p0 [hbm:s6], $0xF7A  }
0x23: {  	s9 =	sor.u32 $0xD0000000, s2;
	s6 =	simm.s32 $0x108;
	_ =	swait.ge @!p0 [sflag:s8], $0x0  }
0x24: {  	s3 =	sadd.s32 $0x88, s3;
	s6 =	simm.s32 @!p1 $0x1082;
	[sflag:s4] =	ssyncset.s32 $0xFFFFF086  }
0x25: {  	[simem:s6], [sflag:s4] =	dma.local [hbm:s3], $0xF7A  }
0x26: {  	[smem:$0x3F9C] =	sst s1;
	(tag) =	ssettag s2;
	_ =	strace s9  }
0x27: {  	s1 =	sld [smem:$0x3FAC]  }
0x28: {  	s2 =	sld [smem:$0x3FAD]  }
0x29: {  	s4 =	sld [smem:$0x3FAF]  }
0x2a: {  	p0 =	seq.s32 s5, $0x0;
	s5 =	sld [smem:$0x3FB0]  }
0x2b: {  	s6 =	sld [smem:$0x3FB1]  }
0x2c: {  	s7 =	sld [smem:$0x3FB2]  }
0x2d: {  	s3 =	simm.s32 $0x108;
	s8 =	sld [smem:$0x3FB3]  }
0x2e: {  	s3 =	simm.s32 @!p0 $0x1082;
	s9 =	sld [smem:$0x3FB4]  }
0x2f: {  	lr =	sadd.s32 s0, s3;
	s0 =	sld [smem:$0x3FAB]  }
0x30: {  	s3 =	sld [smem:$0x3FAE]  }
0x31: {  	[smem:$0x3FB7] =	sst s10  }
0x32: {  	s10 =	sld [smem:$0x3FB5];
	_ =	sdelay $0x3  }
0x33: {  	p0 =	seq.s32 s10, $0x1;
	s10 =	sld [smem:$0x3FB7];
	_ =	sdelay $0x3  }
0x34: {  	[smem:$0x3FB7] =	sst s10  }
0x35: {  	s10 =	sld [smem:$0x3FB6];
	_ =	sdelay $0x3  }
0x36: {  	p1 =	seq.s32 s10, $0x1;
	s10 =	sld [smem:$0x3FB7];
	_ =	sdelay $0x3  }
0x37: {  	[smem:$0x3FB7] =	sst s10  }
0x38: {  	s10 =	sld [smem:$0x3FB8]  }
0x39: {  	_ = 	snop;
	(pc) =	sbr.ind lr, $3  }
0x3a: {  	_ = 	snop  }
0x3b: {  	_ = 	snop  }
0x3c: {  	p2 =	seq.s32 s10, $0x1;
	s10 =	sld [smem:$0x3FB7]  }
0x3d: {  	_ =	shalt  }
0x3e: {  	_ =	shalt  }
0x3f: {  	_ =	shalt  }
0x40: {  	_ =	shalt  }
0x41: {  	_ =	shalt  }
0x42: {  	_ =	shalt  }
0x43: {  	_ =	shalt  }
0x44: {  	_ =	shalt  }
0x45: {  	_ =	shalt  }
0x46: {  	_ =	shalt  }
0x47: {  	_ =	shalt  }
0x48: {  	_ =	shalt  }
0x49: {  	_ =	shalt  }
0x4a: {  	_ =	shalt  }
0x4b: {  	_ =	shalt  }
0x4c: {  	_ =	shalt  }
0x4d: {  	_ =	shalt  }
0x4e: {  	_ =	shalt  }
0x4f: {  	_ =	shalt  }
0x50: {  	_ =	shalt  }
0x51: {  	_ =	shalt  }
0x52: {  	_ =	shalt  }
0x53: {  	_ =	shalt  }
0x54: {  	_ =	shalt  }
0x55: {  	_ =	shalt  }
0x56: {  	_ =	shalt  }
0x57: {  	_ =	shalt  }
0x58: {  	_ =	shalt  }
0x59: {  	_ =	shalt  }
0x5a: {  	_ =	shalt  }
0x5b: {  	_ =	shalt  }
0x5c: {  	_ =	shalt  }
0x5d: {  	_ =	shalt  }
0x5e: {  	_ =	shalt  }
0x5f: {  	_ =	shalt  }
0x60: {  	_ =	shalt  }
0x61: {  	_ =	shalt  }
0x62: {  	_ =	shalt  }
0x63: {  	_ =	shalt  }
0x64: {  	_ =	shalt  }
0x65: {  	_ =	shalt  }
0x66: {  	_ =	shalt  }
0x67: {  	_ =	shalt  }
0x68: {  	_ =	shalt  }
0x69: {  	_ =	shalt  }
0x6a: {  	_ =	shalt  }
0x6b: {  	_ =	shalt  }
0x6c: {  	_ =	shalt  }
0x6d: {  	_ =	shalt  }
0x6e: {  	_ =	shalt  }
0x6f: {  	_ =	shalt  }
0x70: {  	_ =	shalt  }
0x71: {  	_ =	shalt  }
0x72: {  	_ =	shalt  }
0x73: {  	_ =	shalt  }
0x74: {  	_ =	shalt  }
0x75: {  	_ =	shalt  }
0x76: {  	_ =	shalt  }
0x77: {  	_ =	shalt  }
0x78: {  	_ =	shalt  }
0x79: {  	_ =	shalt  }
0x7a: {  	_ =	shalt  }
0x7b: {  	_ =	shalt  }
0x7c: {  	_ =	shalt  }
0x7d: {  	_ =	shalt  }
0x7e: {  	_ =	shalt  }
0x7f: {  	_ =	shalt  }
0x80: {  	_ =	shalt  }
0x81: {  	_ =	shalt  }
0x82: {  	_ =	shalt  }
0x83: {  	_ =	shalt  }
0x84: {  	_ =	shalt  }
0x85: {  	_ =	shalt  }
0x86: {  	_ =	shalt  }
0x87: {  	_ =	shalt  }
.Lfunc_end0:
.L_simem_size_0:
called_computation_lowered:
.L_overlay_start_0:
0x88: {  	s2 =	sld [smem:$0x3FD9]  }
0x89: {  	s3 =	sld [smem:$0x3FFE];
	_ =	sdelay $0x1  }
0x8a: {  	s1 =	srdreg.scid  }
0x8b: {  	s0 =	sand.u32 $0x1, s1  }
0x8c: {  	s14 =	sshll.u32 s0, $0xA;
	s2 =	sadd.s32 s3, s2  }
0x8d: {  	s2 =	sadd.s32 s2, s14  }
0x8e: {  	[smem:$0x3FC3] =	sst s2  }
0x8f: {  	_ = 	snop  }
0x90: {  	s2 =	sld [smem:$0x3FD0];
	_ =	sdelay $0x2  }
0x91: {  	s15 =	simm.s32 $0xB;
	s4 =	simm.s32 $0x10  }
0x92: {  	[smem:s4], [sflag:s15] =	dma.local [hbm:s2], $0x1  }
0x93: {  	_ =	swait.eq [sflag:s15], $0x1  }
0x94: {  	[sflag:s15] =	ssyncset.done $0x0  }
0x95: {  	s16 =	sld [smem:$0x11];
	[sflag:s15] =	ssyncadd.s32 $0xFFFFFFFF  }
0x96: {  	s17 =	sld [smem:$0x14];
	(tm) =	ssettm $0x1  }
0x97: {  	s18 =	sld [smem:$0x3FFB];
	_ =	sdelay $0x3  }
0x98: {  	_ =	strace s18  }
0x99: {  	s4 =	sld [smem:$0x3FFC];
	_ =	sdelay $0x3  }
0x9a: {  	_ =	strace s4  }
0x9b: {  	s4 =	sld [smem:$0x3FFD];
	_ =	sdelay $0x3  }
0x9c: {  	_ =	strace s4  }
0x9d: {  	_ =	strace $0x8FFFFFFF  }
0x9e: {  	s19 =	sld [smem:$0x3FDB];
	_ =	sdelay $0x1  }
0x9f: {  	s5 =	simm.s32 $_scs_section_size  }
0xa0: {  	s6 =	simm.s32 $_size__tile_overlayer_lowered;
	s7 =	simm.s32 $_tile_overlayer_lowered  }
0xa1: {  	s22 =	simm.s32 $0x1BFF;
	s21 =	sshll.u32 s7, $0x1;
	s4 =	sadd.s32 s5, s19  }
0xa2: {  	s8 =	simm.s32 $0x0;
	s20 =	sshll.u32 s6, $0x1;
	s6 =	sadd.s32 s21, s4  }
0xa3: {  	[timem:s8], [sflag:s22] =	dma.local [hbm:s6], s20  }
0xa4: {  	_ =	swait.ge [sflag:s22], s20  }
0xa5: {  	s5 =	ssub.s32 $0x0, s20;
	[sflag:s22] =	ssyncset.done $0x0  }
0xa6: {  	[sflag:s22] =	ssyncadd.s32 s5;
	_ =	sdelay $0x1  }
0xa7: {  	s23 =	simm.s32 $0x1B8B  }
0xa8: {  	_ =	swait.ge [sflag:s23], $0x1  }
0xa9: {  	[sflag:s23] =	ssyncset.done $0x0  }
0xaa: {  	s25 =	simm.s32 $0x1B8E;
	s24 =	sld [smem:$0x3FFE];
	[sflag:s23] =	ssyncadd.s32 $0xFFFFFFFF  }
0xab: {  	s26 =	simm.s32 $execute0_lowered;
	[smem:$0x3FD2] =	sst s25  }
0xac: {  	s6 =	sshll.u32 s26, $0x1;
	_ =	strace $0x80000046;
	[dreg:$0x1] =	wrdreg $0xFFFFFFFF  }
0xad: {  	s28 =	simm.s32 $_size_execute0_lowered;
	s4 =	sadd.s32 s4, s6;
	[dreg:$0x0] =	wrdreg $0x0  }
0xae: {  	s6 =	sshll.u32 s28, $0x1;
	[dreg:$0x2] =	wrdreg s4  }
0xaf: {  	[dreg:$0x3] =	wrdreg s6  }
0xb0: {  	[dreg:$0x4] =	wrdreg $0xC0  }
0xb1: {  	_ =	task [dreg:s8], $0x5FFFF  }
0xb2: {  	[dreg:$0x1] =	wrdreg $0xFFFFFFFF  }
0xb3: {  	[dreg:$0x0] =	wrdreg $0x60  }
0xb4: {  	[dreg:$0x2] =	wrdreg s16  }
0xb5: {  	[dreg:$0x3] =	wrdreg s17  }
0xb6: {  	[dreg:$0x4] =	wrdreg s24  }
0xb7: {  	[dreg:$0x5] =	wrdreg $0x9  }
0xb8: {  	_ =	task.clear_ibuf [dreg:s8], $0x6FFFF;
	_ =	strace $0x90000046  }
0xb9: {  	s29 =	simm.s32 $0x9;
	_ =	strace $0x80000048  }
0xba: {  	_ =	swait.ge [sflag:s29], $0x1  }
0xbb: {  	[sflag:s29] =	ssyncadd.s32 $0xFFFFFFFF  }
0xbc: {  	_ =	strace $0x90000048  }
0xbd: {  	_ =	sfence  }
0xbe: {  	s30 =	sld [smem:$0x0];
	_ =	sdelay $0x2  }
0xbf: {  	s31 =	sshll.u32 s1, $0xD;
	s1 =	sshrl.u32 s1, $0x2  }
0xc0: {  	s3 =	sand.u32 $0x4000, s31;
	s1 =	sadd.s32 s1, s30  }
0xc1: {  	s0 =	sor.u32 s3, s0;
	s1 =	sshll.u32 s1, $0x11  }
0xc2: {  	s0 =	sor.u32 s1, s0  }
0xc3: {  	s0 =	sadd.s32 $0x8F2B, s0  }
0xc4: {  	[sflag:s0] =	ssyncadd.remote.s32 $0x1  }
0xc5: {  	_ =	sfence.sel $0xFFFF  }
0xc6: {  	[dreg:$0x0] =	wrdreg $0xFFFFFFFF;
	(pc) =	sbr.abs _section_cstart, $3  }
0xc7: {  	[dreg:$0x1] =	wrdreg $0xFFFFFFFF  }
0xc8: {  	_ =	task.clear_ibuf [dreg:s8], $0x2FFFF;
	_ =	strace $0x9FFFFFFF  }
0xc9: {  	(tm) =	ssettm $0x7FFFFFFF  }
tec
execute0_lowered:
.L_overlay_start_1:
0x0: {  	(tag) =	ssettag $0x1  }
0x1: {  	s1 =	rddreg [dreg:$0x0]  }
0x2: {  	s5 =	rddreg [dreg:$0x1]  }
0x3: {  	s3 =	rddreg [dreg:$0x2]  }
0x4: {  	s4 =	simm.s32 $0x0;
	s6 =	srdreg.scid;
	s0 =	stileid.u32  }
0x5: {  	s30 =	simm.s32 $0x80;
	s31 =	simm.s32 $0x1400;
	s12 =	simm.s32 $0x3400  }
0x6: {  	s14 =	simm.s32 $0x5400;
	s13 =	simm.s32 $0x3;
	s15 =	simm.s32 $0x5  }
0x7: {  	s16 =	simm.s32 $0x6;
	s17 =	simm.s32 $0x7;
	s18 =	simm.s32 $0x8  }
0x8: {  	s19 =	simm.s32 $0x0;
	s6 =	sand.u32 $0x1, s6;
	[smem:$0x7FF] =	sst s4  }
0x9: {  	s7 =	sshll.u32 s0, $0x1;
	_ =	strace $0x80000047;
	[dreg:$0x4] =	wrdreg s30  }
0xa: {  	s8 =	smul.u32 $0xA0000, s0;
	s9 =	ssub.s32 $0x2, s6;
	[dreg:$0x5] =	wrdreg s31  }
0xb: {  	s7 =	sor.u32 s6, s7;
	s6 =	smul.u32 $0x50000, s6;
	[dreg:$0x6] =	wrdreg s12  }
0xc: {  	s12 =	simm.s32 $0x2;
	[dreg:$0x7] =	wrdreg s14;
	s10 =	sshrl.u32 s9, $0x1  }
0xd: {  	s14 =	simm.s32 $0x4;
	s11 =	smul.u32 $0x280, s7;
	s9 =	ssub.s32 s9, s10  }
0xe: {  	s8 =	sadd.s32 s6, s8;
	s6 =	smul.u32 $0x1400, s7;
	s10 =	simm.s32 $0x7400  }
0xf: {  	s5 =	sadd.s32 s5, s11;
	s8 =	sshrl.u32 s8, $0x3;
	s7 =	smax.u32 s9, $0x1  }
0x10: {  	s9 =	simm.s32 $0x9;
	s11 =	simm.s32 $0x1;
	s8 =	sadd.s32 s8, s3  }
.LBB2_1:
0x11: {  	[tilespmem:s4], [sflag:$0x9] =	stream.linear.gather [hbm4b:s5+s4], $0x1400, $0x38;
	[tilespmem:$0x9400] =	vst v63  }
0x12: {  	p0 =	por $0x0, $0x0;
	_ =	swait.ge [sflag:s9], $0x1400  }
0x13: {  	p1 =	por p0, p0;
	[sflag:s9] =	ssyncset.done $0x0  }
0x14: {  	s20 =	simm.s32 @p1 $0x5;
	[sflag:s9] =	ssyncadd.s32 $0xFFFFEC00  }
0x15: {  	_ =	swait.ge @p1 [sflag:s20], $0x2000  }
0x16: {  	s21 =	simm.s32 @p1 $0x1400;
	s22 =	simm.s32 @p1 $0x6;
	[sflag:s20] =	ssyncset.done @p1 $0x0  }
0x17: {  	s23 =	simm.s32 @p1 $0x80;
	[sflag:s20] =	ssyncadd.s32 @p1 $0xFFFFE000;
	s20 =	simm.s32 @p1 $0x0  }
0x18: {  	[tilespmem:s21], [sflag:$0x1] =	stream.indirect.gather @p1 [hbm4b:s1+s23], $0x40, s20, s23, $0xb8;
	[tilespmem:$0x9400] =	vst v63  }
0x19: {  	_ =	swait.ge @p1 [sflag:s22], $0x2000  }
0x1a: {  	s20 =	simm.s32 @p1 $0x7;
	[sflag:s22] =	ssyncset.done @p1 $0x0  }
0x1b: {  	s21 =	simm.s32 @p1 $0x80;
	[sflag:s22] =	ssyncadd.s32 @p1 $0xFFFFE000;
	s22 =	simm.s32 @p1 $0x3400  }
0x1c: {  	[tilespmem:s22], [sflag:$0x2] =	stream.indirect.gather @p1 [hbm4b:s1+s23], $0x40, s21, s23, $0xb8;
	[tilespmem:$0x9400] =	vst v63  }
0x1d: {  	_ =	swait.ge @p1 [sflag:s20], $0x2000  }
0x1e: {  	s21 =	simm.s32 $0x100;
	[sflag:s20] =	ssyncset.done @p1 $0x0  }
0x1f: {  	s22 =	simm.s32 @p1 $0x8;
	[sflag:s20] =	ssyncadd.s32 @p1 $0xFFFFE000;
	s20 =	simm.s32 @p1 $0x5400  }
0x20: {  	[tilespmem:s20], [sflag:$0x3] =	stream.indirect.gather @p1 [hbm4b:s1+s23], $0x40, s21, s23, $0xb8;
	[tilespmem:$0x9400] =	vst v63  }
0x21: {  	_ =	swait.ge @p1 [sflag:s22], $0x2000  }
0x22: {  	s20 =	simm.s32 @!p1 $0x1400;
	[sflag:s22] =	ssyncset.done @p1 $0x0  }
0x23: {  	s21 =	simm.s32 @!p1 $0x80;
	[sflag:s22] =	ssyncadd.s32 @p1 $0xFFFFE000;
	s22 =	simm.s32 @!p1 $0x0  }
0x24: {  	[tilespmem:s20], [sflag:$0x1] =	stream.indirect.gather @!p1 [hbm4b:s1+s21], $0x40, s22, s21, $0xb8;
	[tilespmem:$0x9400] =	vst v63  }
0x25: {  	s23 =	simm.s32 $0x180;
	s20 =	simm.s32 @!p1 $0x3400  }
0x26: {  	[tilespmem:s20], [sflag:$0x2] =	stream.indirect.gather @!p1 [hbm4b:s1+s21], $0x40, s21, s21, $0xb8;
	[tilespmem:$0x9400] =	vst v63  }
0x27: {  	s23 =	simm.s32 @!p1 $0x180;
	s22 =	simm.s32 @!p1 $0x5400;
	s20 =	simm.s32 @!p1 $0x100  }
0x28: {  	[tilespmem:s22], [sflag:$0x3] =	stream.indirect.gather @!p1 [hbm4b:s1+s21], $0x40, s20, s21, $0xb8;
	[tilespmem:$0x9400] =	vst v63  }
0x29: {  	s24 =	rddreg [dreg:$0x4];
	s21 =	simm.s32 @p0 $0x80;
	s22 =	simm.s32 @p0 $0x100  }
0x2a: {  	s20 =	simm.s32 $0x380;
	s21 =	simm.s32 @!p0 $0x80;
	s22 =	simm.s32 @!p0 $0x100  }
0x2b: {  	[tilespmem:s10], [sflag:$0x4] =	stream.indirect.gather [hbm4b:s1+s24], $0x40, s23, s24, $0xb8;
	[tilespmem:$0x9400] =	vst v63  }
0x2c: {  	p0 =	por $0x1, $0x1;
	s21 =	sadd.s32 s6, s21;
	s22 =	sadd.s32 s6, s22  }
0x2d: {  	s24 =	simm.s32 $0x580;
	s28 =	simm.s32 @p0 $0x280;
	s23 =	sadd.s32 s6, s23  }
0x2e: {  	_ =	swait.ge [sflag:s11], $0x2000;
	s21 =	sshll.u32 s21, $0x3;
	s22 =	sshll.u32 s22, $0x3  }
0x2f: {  	s28 =	simm.s32 @!p0 $0x80;
	s23 =	sshll.u32 s23, $0x3;
	[sflag:s11] =	ssyncset.done $0x0  }
0x30: {  	s26 =	rddreg [dreg:$0x5];
	s21 =	sand.u32 $0x1FFFF400, s21;
	[sflag:s11] =	ssyncadd.s32 $0xFFFFE000  }
0x31: {  	[hbm4b:s8+s4] =	stream.linear.scatter [tilespmem:s26], [sflag:$0x5], $0x2000, $0x38;
	[tilespmem:$0x9400] =	vst v63  }
0x32: {  	s25 =	sand.u32 $0x1FFFF800, s22;
	s22 =	simm.s32 @p0 $0x300;
	_ =	swait.ge [sflag:s12], $0x2000  }
0x33: {  	s28 =	sadd.s32 s6, s28;
	s31 =	sand.u32 $0x1FFFFC00, s23;
	[sflag:s12] =	ssyncset.done $0x0  }
0x34: {  	s21 =	sadd.s32 s3, s21;
	s26 =	rddreg [dreg:$0x6];
	[sflag:s12] =	ssyncadd.s32 $0xFFFFE000  }
0x35: {  	[hbm4b:s21+s4] =	stream.linear.scatter [tilespmem:s26], [sflag:$0x6], $0x2000, $0x38;
	[tilespmem:$0x9400] =	vst v63  }
0x36: {  	s23 =	sadd.s32 $0x1000, s8;
	s22 =	simm.s32 @!p0 $0x100;
	_ =	swait.ge [sflag:s13], $0x2000  }
0x37: {  	s25 =	sadd.s32 s3, s25;
	p0 =	por p0, p0;
	[sflag:s13] =	ssyncset.done $0x0  }
0x38: {  	s22 =	sadd.s32 s6, s22;
	s30 =	rddreg [dreg:$0x7];
	[sflag:s13] =	ssyncadd.s32 $0xFFFFE000  }
0x39: {  	[hbm4b:s25+s4] =	stream.linear.scatter [tilespmem:s30], [sflag:$0x7], $0x2000, $0x38;
	[tilespmem:$0x9400] =	vst v63  }
0x3a: {  	s29 =	sshll.u32 s22, $0x3;
	s21 =	sshll.u32 s28, $0x3;
	_ =	swait.ge [sflag:s14], $0x2000  }
0x3b: {  	s26 =	sadd.s32 s3, s31;
	s22 =	sand.u32 $0x1FFFF400, s21;
	[sflag:s14] =	ssyncset.done $0x0  }
0x3c: {  	s21 =	sand.u32 $0x1FFFF800, s29;
	s25 =	simm.s32 $0x300;
	[sflag:s14] =	ssyncadd.s32 $0xFFFFE000  }
.LBB2_2:
0x3d: {  	[hbm4b:s26+s4] =	stream.linear.scatter [tilespmem:s10], [sflag:$0x8], $0x2000, $0x38;
	[tilespmem:$0x9400] =	vst v63  }
0x3e: {  	s26 =	smov.u32 s24;
	s28 =	simm.s32 @p0 $0x5  }
0x3f: {  	s31 =	simm.s32 @p0 $0x1400;
	s0 =	simm.s32 @p0 $0x6;
	_ =	swait.ge @p0 [sflag:s28], $0x2000  }
0x40: {  	s2 =	simm.s32 @p0 $0x80;
	p2 =	sne.s32 s26, $0x180;
	[sflag:s28] =	ssyncset.done @p0 $0x0  }
0x41: {  	s29 =	sadd.s32 @p2 $0xFFFFFF00, s26;
	[sflag:s28] =	ssyncadd.s32 @p0 $0xFFFFE000;
	s28 =	sadd.s32 @p0 $0xFFFFFF00, s25  }
0x42: {  	[tilespmem:s31], [sflag:$0x1] =	stream.indirect.gather @p0 [hbm4b:s1+s2], $0x40, s28, s2, $0xb8;
	[tilespmem:$0x9400] =	vst v63  }
0x43: {  	s30 =	sadd.s32 @p2 $0xFFFFFF80, s26;
	s29 =	simm.s32 @!p2 $0x80;
	_ =	swait.ge @p0 [sflag:s0], $0x2000  }
0x44: {  	s28 =	sadd.s32 s6, s29;
	s29 =	simm.s32 @p0 $0x7;
	[sflag:s0] =	ssyncset.done @p0 $0x0  }
0x45: {  	s31 =	simm.s32 @p0 $0x3400;
	[sflag:s0] =	ssyncadd.s32 @p0 $0xFFFFE000;
	s0 =	sadd.s32 @p0 $0xFFFFFF80, s25  }
0x46: {  	[tilespmem:s31], [sflag:$0x2] =	stream.indirect.gather @p0 [hbm4b:s1+s2], $0x40, s0, s2, $0xb8;
	[tilespmem:$0x9400] =	vst v63  }
0x47: {  	s30 =	simm.s32 @!p2 $0x100;
	_ =	swait.ge @p0 [sflag:s29], $0x2000  }
0x48: {  	s31 =	sadd.s32 s6, s30;
	[sflag:s29] =	ssyncset.done @p0 $0x0  }
0x49: {  	s30 =	simm.s32 @p0 $0x8;
	[sflag:s29] =	ssyncadd.s32 @p0 $0xFFFFE000;
	s29 =	simm.s32 @p0 $0x5400  }
0x4a: {  	[tilespmem:s29], [sflag:$0x3] =	stream.indirect.gather @p0 [hbm4b:s1+s2], $0x40, s25, s2, $0xb8;
	[tilespmem:$0x9400] =	vst v63  }
0x4b: {  	_ =	swait.ge @p0 [sflag:s30], $0x2000  }
0x4c: {  	s2 =	simm.s32 @!p0 $0x1400;
	[sflag:s30] =	ssyncset.done @p0 $0x0  }
0x4d: {  	s29 =	simm.s32 @!p0 $0x80;
	[sflag:s30] =	ssyncadd.s32 @p0 $0xFFFFE000;
	s30 =	simm.s32 @!p0 $0x0  }
0x4e: {  	[tilespmem:s2], [sflag:$0x1] =	stream.indirect.gather @!p0 [hbm4b:s1+s29], $0x40, s30, s29, $0xb8;
	[tilespmem:$0x9400] =	vst v63  }
0x4f: {  	s2 =	simm.s32 @!p0 $0x3400  }
0x50: {  	[tilespmem:s2], [sflag:$0x2] =	stream.indirect.gather @!p0 [hbm4b:s1+s29], $0x40, s29, s29, $0xb8;
	[tilespmem:$0x9400] =	vst v63  }
0x51: {  	s30 =	simm.s32 @!p0 $0x5400;
	s2 =	simm.s32 @!p0 $0x100  }
0x52: {  	[tilespmem:s30], [sflag:$0x3] =	stream.indirect.gather @!p0 [hbm4b:s1+s29], $0x40, s2, s29, $0xb8;
	[tilespmem:$0x9400] =	vst v63  }
0x53: {  	s0 =	sshll.u32 s28, $0x3;
	s2 =	smov.u32 s20  }
0x54: {  	s28 =	sshll.u32 s31, $0x3;
	s31 =	rddreg [dreg:$0x4];
	s2 =	simm.s32 @!p0 $0x180  }
0x55: {  	[tilespmem:s10], [sflag:$0x4] =	stream.indirect.gather [hbm4b:s1+s31], $0x40, s2, s31, $0xb8;
	[tilespmem:$0x9400] =	vst v63  }
0x56: {  	_ =	swait.ge [sflag:s11], $0x2000  }
0x57: {  	[sflag:s11] =	ssyncset.done $0x0  }
0x58: {  	s24 =	sadd.s32 $0x200, s24;
	s30 =	rddreg [dreg:$0x5];
	[sflag:s11] =	ssyncadd.s32 $0xFFFFE000  }
0x59: {  	[hbm4b:s23+s4] =	stream.linear.scatter [tilespmem:s30], [sflag:$0x5], $0x2000, $0x38;
	[tilespmem:$0x9400] =	vst v63  }
0x5a: {  	s21 =	sadd.s32 s3, s21;
	p1 =	sne.s32 s24, $0x1580;
	_ =	swait.ge [sflag:s12], $0x2000  }
0x5b: {  	s0 =	sand.u32 $0x1FFFF400, s0;
	s28 =	sand.u32 $0x1FFFF800, s28;
	[sflag:s12] =	ssyncset.done $0x0  }
0x5c: {  	s30 =	sadd.s32 s3, s22;
	s31 =	rddreg [dreg:$0x6];
	[sflag:s12] =	ssyncadd.s32 $0xFFFFE000  }
0x5d: {  	[hbm4b:s30+s4] =	stream.linear.scatter [tilespmem:s31], [sflag:$0x6], $0x2000, $0x38;
	[tilespmem:$0x9400] =	vst v63  }
0x5e: {  	s25 =	sadd.s32 $0x200, s25;
	s2 =	sadd.s32 s6, s2;
	_ =	swait.ge [sflag:s13], $0x2000  }
0x5f: {  	s20 =	smov.u32 s26;
	s2 =	sshll.u32 s2, $0x3;
	[sflag:s13] =	ssyncset.done $0x0  }
.Ltmp0:
0x60: {  	s31 =	rddreg [dreg:$0x7];
	[sflag:s13] =	ssyncadd.s32 $0xFFFFE000;
	(pc) =	sbr.rel @p1 .LBB2_2-.Ltmp0, $4  }
0x61: {  	[hbm4b:s21+s4] =	stream.linear.scatter [tilespmem:s31], [sflag:$0x7], $0x2000, $0x38;
	[tilespmem:$0x9400] =	vst v63  }
0x62: {  	p0 =	por p2, p2;
	s2 =	sand.u32 $0x1FFFFC00, s2;
	_ =	swait.ge [sflag:s14], $0x2000  }
0x63: {  	s26 =	sadd.s32 s3, s2;
	s22 =	smov.u32 s0;
	[sflag:s14] =	ssyncset.done $0x0  }
0x64: {  	s23 =	sadd.s32 $0x1000, s23;
	s21 =	smov.u32 s28;
	[sflag:s14] =	ssyncadd.s32 $0xFFFFE000  }
0x65: {  	[hbm4b:s26+s4] =	stream.linear.scatter [tilespmem:s10], [sflag:$0x8], $0x2000, $0x38;
	[tilespmem:$0x9400] =	vst v63  }
0x66: {  	s0 =	simm.s32 @p0 $0x5  }
0x67: {  	_ =	swait.ge @p0 [sflag:s0], $0x2000  }
0x68: {  	s2 =	simm.s32 @p0 $0x1400;
	s24 =	simm.s32 @p0 $0x6;
	[sflag:s0] =	ssyncset.done @p0 $0x0  }
0x69: {  	s26 =	simm.s32 @p0 $0x80;
	[sflag:s0] =	ssyncadd.s32 @p0 $0xFFFFE000;
	s0 =	sadd.s32 @p0 $0xFFFFFF00, s25  }
0x6a: {  	[tilespmem:s2], [sflag:$0x1] =	stream.indirect.gather @p0 [hbm4b:s1+s26], $0x40, s0, s26, $0xb8;
	[tilespmem:$0x9400] =	vst v63  }
0x6b: {  	_ =	swait.ge @p0 [sflag:s24], $0x2000  }
0x6c: {  	s0 =	simm.s32 @p0 $0x7;
	[sflag:s24] =	ssyncset.done @p0 $0x0  }
0x6d: {  	s2 =	sadd.s32 @p0 $0xFFFFFF80, s25;
	[sflag:s24] =	ssyncadd.s32 @p0 $0xFFFFE000;
	s24 =	simm.s32 @p0 $0x3400  }
0x6e: {  	[tilespmem:s24], [sflag:$0x2] =	stream.indirect.gather @p0 [hbm4b:s1+s26], $0x40, s2, s26, $0xb8;
	[tilespmem:$0x9400] =	vst v63  }
0x6f: {  	_ =	swait.ge @p0 [sflag:s0], $0x2000  }
0x70: {  	[sflag:s0] =	ssyncset.done @p0 $0x0  }
0x71: {  	s2 =	simm.s32 @p0 $0x8;
	[sflag:s0] =	ssyncadd.s32 @p0 $0xFFFFE000;
	s0 =	simm.s32 @p0 $0x5400  }
0x72: {  	[tilespmem:s0], [sflag:$0x3] =	stream.indirect.gather @p0 [hbm4b:s1+s26], $0x40, s25, s26, $0xb8;
	[tilespmem:$0x9400] =	vst v63  }
0x73: {  	_ =	swait.ge @p0 [sflag:s2], $0x2000  }
0x74: {  	s24 =	simm.s32 @!p0 $0x0;
	[sflag:s2] =	ssyncset.done @p0 $0x0  }
0x75: {  	s0 =	simm.s32 @!p0 $0x1400;
	[sflag:s2] =	ssyncadd.s32 @p0 $0xFFFFE000;
	s2 =	simm.s32 @!p0 $0x80  }
0x76: {  	[tilespmem:s0], [sflag:$0x1] =	stream.indirect.gather @!p0 [hbm4b:s1+s2], $0x40, s24, s2, $0xb8;
	[tilespmem:$0x9400] =	vst v63  }
0x77: {  	s0 =	simm.s32 @!p0 $0x3400  }
0x78: {  	[tilespmem:s0], [sflag:$0x2] =	stream.indirect.gather @!p0 [hbm4b:s1+s2], $0x40, s2, s2, $0xb8;
	[tilespmem:$0x9400] =	vst v63  }
0x79: {  	s24 =	simm.s32 @!p0 $0x5400;
	s0 =	simm.s32 @!p0 $0x100  }
0x7a: {  	[tilespmem:s24], [sflag:$0x3] =	stream.indirect.gather @!p0 [hbm4b:s1+s2], $0x40, s0, s2, $0xb8;
	[tilespmem:$0x9400] =	vst v63  }
0x7b: {  	s20 =	simm.s32 @!p0 $0x180;
	s31 =	rddreg [dreg:$0x4]  }
0x7c: {  	[tilespmem:s10], [sflag:$0x4] =	stream.indirect.gather [hbm4b:s1+s31], $0x40, s20, s31, $0xb8;
	[tilespmem:$0x9400] =	vst v63  }
0x7d: {  	_ =	swait.ge [sflag:s11], $0x2000  }
0x7e: {  	[sflag:s11] =	ssyncset.done $0x0  }
0x7f: {  	s24 =	rddreg [dreg:$0x5];
	[sflag:s11] =	ssyncadd.s32 $0xFFFFE000  }
0x80: {  	[hbm4b:s23+s4] =	stream.linear.scatter [tilespmem:s24], [sflag:$0x5], $0x2000, $0x38;
	[tilespmem:$0x9400] =	vst v63  }
0x81: {  	_ =	swait.ge [sflag:s12], $0x2000  }
0x82: {  	[sflag:s12] =	ssyncset.done $0x0  }
0x83: {  	s26 =	sadd.s32 s3, s22;
	s25 =	rddreg [dreg:$0x6];
	[sflag:s12] =	ssyncadd.s32 $0xFFFFE000  }
0x84: {  	[hbm4b:s26+s4] =	stream.linear.scatter [tilespmem:s25], [sflag:$0x6], $0x2000, $0x38;
	[tilespmem:$0x9400] =	vst v63  }
0x85: {  	_ =	swait.ge [sflag:s13], $0x2000  }
0x86: {  	s30 =	sadd.s32 s3, s21;
	[sflag:s13] =	ssyncset.done $0x0  }
0x87: {  	s29 =	sadd.s32 s6, s20;
	s28 =	rddreg [dreg:$0x7];
	[sflag:s13] =	ssyncadd.s32 $0xFFFFE000  }
0x88: {  	[hbm4b:s30+s4] =	stream.linear.scatter [tilespmem:s28], [sflag:$0x7], $0x2000, $0x38;
	[tilespmem:$0x9400] =	vst v63  }
0x89: {  	s31 =	sshll.u32 s29, $0x3;
	_ =	swait.ge [sflag:s14], $0x2000  }
0x8a: {  	s0 =	sand.u32 $0x1FFFFC00, s31;
	[sflag:s14] =	ssyncset.done $0x0  }
0x8b: {  	s0 =	sadd.s32 s3, s0;
	[sflag:s14] =	ssyncadd.s32 $0xFFFFE000  }
0x8c: {  	[hbm4b:s0+s4] =	stream.linear.scatter [tilespmem:s10], [sflag:$0x8], $0x2000, $0x38;
	[tilespmem:$0x9400] =	vst v63  }
0x8d: {  	_ =	swait.ge [sflag:s15], $0x2000  }
0x8e: {  	[sflag:s15] =	ssyncset.done $0x0  }
0x8f: {  	[sflag:s15] =	ssyncadd.s32 $0xFFFFE000  }
0x90: {  	_ =	swait.ge [sflag:s16], $0x2000  }
0x91: {  	[sflag:s16] =	ssyncset.done $0x0  }
0x92: {  	s19 =	sadd.s32 $0x1, s19;
	[sflag:s16] =	ssyncadd.s32 $0xFFFFE000  }
0x93: {  	p0 =	sne.s32 s19, s7;
	_ =	swait.ge [sflag:s17], $0x2000  }
.Ltmp1:
0x94: {  	[sflag:s17] =	ssyncset.done $0x0;
	(pc) =	sbr.rel @p0 .LBB2_1-.Ltmp1, $4  }
0x95: {  	[sflag:s17] =	ssyncadd.s32 $0xFFFFE000  }
0x96: {  	_ =	swait.ge [sflag:s18], $0x2000  }
0x97: {  	[sflag:s18] =	ssyncset.done $0x0  }
0x98: {  	[sflag:s18] =	ssyncadd.s32 $0xFFFFE000  }
0x99: {  	_ =	sfence.sel $0x180000  }
0x9a: {  	[bflag:$0x0] =	sbarrier.arrive $0xFFFF  }
0x9b: {  	_ =	strace $0x90000047  }
0x9c: {  	s0 =	stileid.u32;
	[bflag:$0x2] =	sbarrier.arrive $0xFFFF  }
0x9d: {  	p0 =	sne.s32 s0, $0x0;
	s0 =	rddreg [dreg:$0x3]  }
0x9e: {  	s0 =	sadd.s32 @!p0 $0x100000, s0  }
0x9f: {  	[sflag:s0] =	ssyncadd.tile.s32 @!p0 $0x1;
	_ =	shalt  }
.Lfunc_end2:
_tile_overlayer_lowered:
.L_overlay_start_2:
0xa0: {  	(tag) =	ssettag $0x2  }
0xa1: {  	s0 =	rddreg [dreg:$0x0];
	s2 =	stileid.u32  }
0xa2: {  	s1 =	rddreg [dreg:$0x1];
	p0 =	sne.s32 s2, $0x0  }
0xa3: {  	s3 =	rddreg [dreg:$0x2];
	[bflag:$0x3] =	sbarrier.arrive $0xFFFF;
	s2 =	simm.s32 @!p0 $0x1C09  }
0xa4: {  	[timem:s3], [sflag:s2] =	dma.local @!p0 [hbm:s0], s1  }
0xa5: {  	s0 =	simm.s32 @!p0 $0x9  }
0xa6: {  	_ =	swait.ge @!p0 [sflag:s0], s1  }
0xa7: {  	s1 =	ssub.s32 @!p0 $0x0, s1;
	[sflag:s0] =	ssyncset.done @!p0 $0x0  }
0xa8: {  	[sflag:s0] =	ssyncadd.s32 @!p0 s1  }
0xa9: {  	[bflag:$0x3] =	sbarrier.arrive $0xFFFF  }
0xaa: {  	_ =	shalt  }

// kernel: kernel.9.cloned.1.call-start
scs
__scs_entry_jumppad:
0x0: {  	(pc) =	sbr.rel $0x88, $3  }
0x1: {  	(tag) =	ssettag $0x0;
	lr =	simm.s32 $0x1  }
0x2: {  	[smem:$0x3F9C] =	sst lr;
	_ =	strace $0xD0000000  }
0x3: {  	_ = 	snop  }
0x4: {  	_ = 	snop  }
0x5: {  	_ = 	snop  }
0x6: {  	_ = 	snop  }
0x7: {  	_ = 	snop  }
__scs_overlays_trampoline_lowered:
0x8: {  	[smem:$0x3FAB] =	sst s0  }
0x9: {  	[smem:$0x3FAC] =	sst s1  }
0xa: {  	[smem:$0x3FAD] =	sst s2  }
0xb: {  	[smem:$0x3FAE] =	sst s3  }
0xc: {  	[smem:$0x3FAF] =	sst s4  }
0xd: {  	[smem:$0x3FB0] =	sst s5  }
0xe: {  	[smem:$0x3FB1] =	sst s6  }
0xf: {  	[smem:$0x3FB2] =	sst s7  }
0x10: {  	[smem:$0x3FB3] =	sst s8  }
0x11: {  	[smem:$0x3FB4] =	sst s9;
	s0 =	simm.s32 @!p0 $0x0  }
0x12: {  	s1 =	sld [smem:$0x3F9A];
	s0 =	simm.s32 @p0 $0x1  }
0x13: {  	[smem:$0x3FB5] =	sst s0;
	s0 =	simm.s32 @!p1 $0x0  }
0x14: {  	s2 =	sld [smem:$0x3F99];
	s0 =	simm.s32 @p1 $0x1  }
0x15: {  	[smem:$0x3FB6] =	sst s0;
	s0 =	simm.s32 @!p2 $0x0  }
0x16: {  	s3 =	sld [smem:$0x3FDB];
	s0 =	simm.s32 @p2 $0x1  }
0x17: {  	s4 =	simm.s32 $0x1BF5;
	[smem:$0x3FB8] =	sst s0  }
0x18: {  	s0 =	sld [smem:$0x3F9B];
	_ =	swait.ge [sflag:s4], $0x0  }
0x19: {  	s7 =	sld [smem:$0x3F9C]  }
0x1a: {  	s8 =	sadd.s32 $0xFFFFE003, lr  }
0x1b: {  	s9 =	sadd.s32 $0xFFFFFEF7, lr;
	s5 =	simm.s32 $0xFFFFFFFF;
	p2 =	slt.u32 s8, $0xFFFFF086  }
0x1c: {  	p1 =	slt.u32 s9, $0xF7A;
	s5 =	simm.s32 @!p2 $0x0  }
0x1d: {  	s5 =	simm.s32 @p1 $0x1;
	p0 =	seq.s32 s7, s2  }
0x1e: {  	s7 =	smul.u32 @!p0 $0xF7A, s2;
	p2 =	seq.s32 @!p0 s5, $0x0  }
0x1f: {  	s9 =	smul.u32 $0xF7A, s1;
	s8 =	simm.s32 @!p0 $0x1BF5;
	p2 =	por !p2, p0  }
0x20: {  	[sflag:s8] =	ssyncset.s32 @!p0 $0xFFFFF086;
	s6 =	sadd.s32 @!p0 s3, s7;
	s7 =	simm.s32 @!p0 $0x108  }
0x21: {  	s3 =	sadd.s32 s3, s9;
	s6 =	sadd.s32 @!p0 $0x88, s6;
	s7 =	simm.s32 @p2 $0x1082  }
0x22: {  	[simem:s7], [sflag:s8] =	dma.local @!p0 [hbm:s6], $0xF7A  }
0x23: {  	s9 =	sor.u32 $0xD0000000, s2;
	s6 =	simm.s32 $0x108;
	_ =	swait.ge @!p0 [sflag:s8], $0x0  }
0x24: {  	s3 =	sadd.s32 $0x88, s3;
	s6 =	simm.s32 @!p1 $0x1082;
	[sflag:s4] =	ssyncset.s32 $0xFFFFF086  }
0x25: {  	[simem:s6], [sflag:s4] =	dma.local [hbm:s3], $0xF7A  }
0x26: {  	[smem:$0x3F9C] =	sst s1;
	(tag) =	ssettag s2;
	_ =	strace s9  }
0x27: {  	s1 =	sld [smem:$0x3FAC]  }
0x28: {  	s2 =	sld [smem:$0x3FAD]  }
0x29: {  	s4 =	sld [smem:$0x3FAF]  }
0x2a: {  	p0 =	seq.s32 s5, $0x0;
	s5 =	sld [smem:$0x3FB0]  }
0x2b: {  	s6 =	sld [smem:$0x3FB1]  }
0x2c: {  	s7 =	sld [smem:$0x3FB2]  }
0x2d: {  	s3 =	simm.s32 $0x108;
	s8 =	sld [smem:$0x3FB3]  }
0x2e: {  	s3 =	simm.s32 @!p0 $0x1082;
	s9 =	sld [smem:$0x3FB4]  }
0x2f: {  	lr =	sadd.s32 s0, s3;
	s0 =	sld [smem:$0x3FAB]  }
0x30: {  	s3 =	sld [smem:$0x3FAE]  }
0x31: {  	[smem:$0x3FB7] =	sst s10  }
0x32: {  	s10 =	sld [smem:$0x3FB5];
	_ =	sdelay $0x3  }
0x33: {  	p0 =	seq.s32 s10, $0x1;
	s10 =	sld [smem:$0x3FB7];
	_ =	sdelay $0x3  }
0x34: {  	[smem:$0x3FB7] =	sst s10  }
0x35: {  	s10 =	sld [smem:$0x3FB6];
	_ =	sdelay $0x3  }
0x36: {  	p1 =	seq.s32 s10, $0x1;
	s10 =	sld [smem:$0x3FB7];
	_ =	sdelay $0x3  }
0x37: {  	[smem:$0x3FB7] =	sst s10  }
0x38: {  	s10 =	sld [smem:$0x3FB8]  }
0x39: {  	_ = 	snop;
	(pc) =	sbr.ind lr, $3  }
0x3a: {  	_ = 	snop  }
0x3b: {  	_ = 	snop  }
0x3c: {  	p2 =	seq.s32 s10, $0x1;
	s10 =	sld [smem:$0x3FB7]  }
0x3d: {  	_ =	shalt  }
0x3e: {  	_ =	shalt  }
0x3f: {  	_ =	shalt  }
0x40: {  	_ =	shalt  }
0x41: {  	_ =	shalt  }
0x42: {  	_ =	shalt  }
0x43: {  	_ =	shalt  }
0x44: {  	_ =	shalt  }
0x45: {  	_ =	shalt  }
0x46: {  	_ =	shalt  }
0x47: {  	_ =	shalt  }
0x48: {  	_ =	shalt  }
0x49: {  	_ =	shalt  }
0x4a: {  	_ =	shalt  }
0x4b: {  	_ =	shalt  }
0x4c: {  	_ =	shalt  }
0x4d: {  	_ =	shalt  }
0x4e: {  	_ =	shalt  }
0x4f: {  	_ =	shalt  }
0x50: {  	_ =	shalt  }
0x51: {  	_ =	shalt  }
0x52: {  	_ =	shalt  }
0x53: {  	_ =	shalt  }
0x54: {  	_ =	shalt  }
0x55: {  	_ =	shalt  }
0x56: {  	_ =	shalt  }
0x57: {  	_ =	shalt  }
0x58: {  	_ =	shalt  }
0x59: {  	_ =	shalt  }
0x5a: {  	_ =	shalt  }
0x5b: {  	_ =	shalt  }
0x5c: {  	_ =	shalt  }
0x5d: {  	_ =	shalt  }
0x5e: {  	_ =	shalt  }
0x5f: {  	_ =	shalt  }
0x60: {  	_ =	shalt  }
0x61: {  	_ =	shalt  }
0x62: {  	_ =	shalt  }
0x63: {  	_ =	shalt  }
0x64: {  	_ =	shalt  }
0x65: {  	_ =	shalt  }
0x66: {  	_ =	shalt  }
0x67: {  	_ =	shalt  }
0x68: {  	_ =	shalt  }
0x69: {  	_ =	shalt  }
0x6a: {  	_ =	shalt  }
0x6b: {  	_ =	shalt  }
0x6c: {  	_ =	shalt  }
0x6d: {  	_ =	shalt  }
0x6e: {  	_ =	shalt  }
0x6f: {  	_ =	shalt  }
0x70: {  	_ =	shalt  }
0x71: {  	_ =	shalt  }
0x72: {  	_ =	shalt  }
0x73: {  	_ =	shalt  }
0x74: {  	_ =	shalt  }
0x75: {  	_ =	shalt  }
0x76: {  	_ =	shalt  }
0x77: {  	_ =	shalt  }
0x78: {  	_ =	shalt  }
0x79: {  	_ =	shalt  }
0x7a: {  	_ =	shalt  }
0x7b: {  	_ =	shalt  }
0x7c: {  	_ =	shalt  }
0x7d: {  	_ =	shalt  }
0x7e: {  	_ =	shalt  }
0x7f: {  	_ =	shalt  }
0x80: {  	_ =	shalt  }
0x81: {  	_ =	shalt  }
0x82: {  	_ =	shalt  }
0x83: {  	_ =	shalt  }
0x84: {  	_ =	shalt  }
0x85: {  	_ =	shalt  }
0x86: {  	_ =	shalt  }
0x87: {  	_ =	shalt  }
.Lfunc_end0:
.L_simem_size_0:
called_computation.1_lowered:
.L_overlay_start_0:
0x88: {  	s2 =	sld [smem:$0x3FD9]  }
0x89: {  	s3 =	sld [smem:$0x3FFE];
	_ =	sdelay $0x1  }
0x8a: {  	s1 =	srdreg.scid  }
0x8b: {  	s0 =	sand.u32 $0x1, s1  }
0x8c: {  	s15 =	sshll.u32 s0, $0xA;
	s2 =	sadd.s32 s3, s2  }
0x8d: {  	s2 =	sadd.s32 s2, s15  }
0x8e: {  	[smem:$0x3FC3] =	sst s2  }
0x8f: {  	_ = 	snop  }
0x90: {  	s2 =	sld [smem:$0x3FD0];
	_ =	sdelay $0x2  }
0x91: {  	s4 =	simm.s32 $0xB;
	s16 =	simm.s32 $0x10  }
0x92: {  	[smem:s16], [sflag:s4] =	dma.local [hbm:s2], $0x1  }
0x93: {  	_ =	swait.eq [sflag:s4], $0x1  }
0x94: {  	[sflag:s4] =	ssyncset.done $0x0  }
0x95: {  	s17 =	sld [smem:$0x10];
	[sflag:s4] =	ssyncadd.s32 $0xFFFFFFFF  }
0x96: {  	s18 =	sld [smem:$0x11];
	(tm) =	ssettm $0x1  }
0x97: {  	s19 =	sld [smem:$0x3FFB];
	_ =	sdelay $0x3  }
0x98: {  	_ =	strace s19  }
0x99: {  	s2 =	sld [smem:$0x3FFC];
	_ =	sdelay $0x3  }
0x9a: {  	_ =	strace s2  }
0x9b: {  	s2 =	sld [smem:$0x3FFD];
	_ =	sdelay $0x3  }
0x9c: {  	_ =	strace s2  }
0x9d: {  	_ =	strace $0x8FFFFFFF  }
0x9e: {  	s20 =	sld [smem:$0x3FDB];
	_ =	sdelay $0x1  }
0x9f: {  	s5 =	simm.s32 $_scs_section_size  }
0xa0: {  	s6 =	simm.s32 $_size__tile_overlayer_lowered;
	s7 =	simm.s32 $_tile_overlayer_lowered  }
0xa1: {  	s8 =	simm.s32 $0x1BFF;
	s21 =	sshll.u32 s7, $0x1;
	s5 =	sadd.s32 s5, s20  }
0xa2: {  	s22 =	simm.s32 $0x0;
	s6 =	sshll.u32 s6, $0x1;
	s7 =	sadd.s32 s21, s5  }
0xa3: {  	[timem:s22], [sflag:s8] =	dma.local [hbm:s7], s6  }
0xa4: {  	_ =	swait.ge [sflag:s8], s6  }
0xa5: {  	s6 =	ssub.s32 $0x0, s6;
	[sflag:s8] =	ssyncset.done $0x0  }
0xa6: {  	[sflag:s8] =	ssyncadd.s32 s6;
	_ =	sdelay $0x1  }
0xa7: {  	s23 =	simm.s32 $0x1B8B  }
0xa8: {  	_ =	swait.ge [sflag:s23], $0x1  }
0xa9: {  	[sflag:s23] =	ssyncset.done $0x0  }
0xaa: {  	[sflag:s23] =	ssyncadd.s32 $0xFFFFFFFF  }
0xab: {  	s6 =	sld [smem:$0x0]  }
0xac: {  	s7 =	sand.u32 $0xFFFFFFFE, s1  }
0xad: {  	p0 =	sne.s32 s1, s7  }
0xae: {  	s7 =	sshll.u32 @p0 s7, $0xE  }
0xaf: {  	s7 =	sadd.s32 @p0 $0x11B8D, s7;
	s8 =	sshll.u32 @p0 s6, $0x11  }
0xb0: {  	s7 =	sor.u32 @p0 s8, s7  }
0xb1: {  	[sflag:s7] =	ssyncadd.remote.s32 @p0 $0x1;
	_ =	sdelay $0x1  }
0xb2: {  	s7 =	simm.s32 @p0 $0x1B8D  }
0xb3: {  	_ =	swait.eq @p0 [sflag:s7], $0x1  }
0xb4: {  	[sflag:s7] =	ssyncadd.s32 @p0 $0xFFFFFFFF  }
0xb5: {  	s8 =	sshll.u32 @!p0 s1, $0xE  }
0xb6: {  	s8 =	sor.u32 @!p0 $0x4000, s8;
	s7 =	simm.s32 @!p0 $0x1B8D  }
0xb7: {  	s6 =	sshll.u32 @!p0 s6, $0x11;
	s8 =	sadd.s32 @!p0 $0x11B8D, s8;
	_ =	swait.eq @!p0 [sflag:s7], $0x1  }
0xb8: {  	s6 =	sor.u32 @!p0 s6, s8;
	[sflag:s7] =	ssyncadd.s32 @!p0 $0xFFFFFFFF  }
0xb9: {  	s25 =	simm.s32 $0x1B8E;
	s24 =	sld [smem:$0x3FFE];
	[sflag:s6] =	ssyncadd.remote.s32 @!p0 $0x1  }
0xba: {  	s26 =	simm.s32 $execute0_lowered;
	[smem:$0x3FD2] =	sst s25  }
0xbb: {  	s7 =	sshll.u32 s26, $0x1;
	_ =	strace $0x80000049;
	[dreg:$0x1] =	wrdreg $0xFFFFFFFF  }
0xbc: {  	s28 =	simm.s32 $_size_execute0_lowered;
	s5 =	sadd.s32 s5, s7;
	[dreg:$0x0] =	wrdreg $0x0  }
0xbd: {  	s7 =	sshll.u32 s28, $0x1;
	[dreg:$0x2] =	wrdreg s5  }
0xbe: {  	[dreg:$0x3] =	wrdreg s7  }
0xbf: {  	[dreg:$0x4] =	wrdreg $0xC0  }
0xc0: {  	_ =	task [dreg:s22], $0x5FFFF  }
0xc1: {  	[dreg:$0x1] =	wrdreg $0xFFFFFFFF  }
0xc2: {  	[dreg:$0x0] =	wrdreg $0x60  }
0xc3: {  	[dreg:$0x2] =	wrdreg s18  }
0xc4: {  	[dreg:$0x3] =	wrdreg s24  }
0xc5: {  	[dreg:$0x4] =	wrdreg s17  }
0xc6: {  	[dreg:$0x5] =	wrdreg $0xC0800  }
0xc7: {  	[dreg:$0x6] =	wrdreg $0x1C0800  }
0xc8: {  	[dreg:$0x7] =	wrdreg $0xA  }
0xc9: {  	_ =	task.clear_ibuf [dreg:s22], $0x8FFFF;
	_ =	strace $0x90000049  }
0xca: {  	s29 =	simm.s32 $0xA;
	_ =	strace $0x8000004B  }
0xcb: {  	_ =	swait.ge [sflag:s29], $0x1  }
0xcc: {  	[sflag:s29] =	ssyncadd.s32 $0xFFFFFFFF  }
0xcd: {  	_ =	strace $0x9000004B  }
0xce: {  	_ =	sfence  }
0xcf: {  	s30 =	sld [smem:$0x0];
	_ =	sdelay $0x2  }
0xd0: {  	s31 =	sshll.u32 s1, $0xD;
	s1 =	sshrl.u32 s1, $0x2  }
0xd1: {  	s4 =	sand.u32 $0x4000, s31;
	s1 =	sadd.s32 s1, s30  }
0xd2: {  	s0 =	sor.u32 s4, s0;
	s1 =	sshll.u32 s1, $0x11  }
0xd3: {  	s0 =	sor.u32 s1, s0  }
0xd4: {  	s0 =	sadd.s32 $0x8F2B, s0  }
0xd5: {  	[sflag:s0] =	ssyncadd.remote.s32 $0x1  }
0xd6: {  	_ =	sfence.sel $0xFFFF  }
0xd7: {  	[dreg:$0x0] =	wrdreg $0xFFFFFFFF;
	(pc) =	sbr.abs _section_cstart, $3  }
0xd8: {  	[dreg:$0x1] =	wrdreg $0xFFFFFFFF  }
0xd9: {  	_ =	task.clear_ibuf [dreg:s22], $0x2FFFF;
	_ =	strace $0x9FFFFFFF  }
0xda: {  	(tm) =	ssettm $0x7FFFFFFF  }
0xdb: {  	_ =	shalt  }
tec
execute0_lowered:
.L_overlay_start_1:
0x0: {  	(tag) =	ssettag $0x1  }
0x1: {  	s1 =	rddreg [dreg:$0x0]  }
0x2: {  	s0 =	rddreg [dreg:$0x1]  }
0x3: {  	s4 =	rddreg [dreg:$0x2]  }
0x4: {  	s2 =	rddreg [dreg:$0x3]  }
0x5: {  	s3 =	rddreg [dreg:$0x4];
	s5 =	simm.s32 $0x0  }
0x6: {  	s6 =	srdreg.scid;
	s12 =	stileid.u32;
	s15 =	simm.s32 $0xD  }
0x7: {  	s17 =	simm.s32 $0x2000;
	s18 =	simm.s32 $0x80;
	s19 =	simm.s32 $0x4000  }
0x8: {  	s20 =	simm.s32 $0x6000;
	s28 =	simm.s32 $0x2;
	s30 =	simm.s32 $0x3  }
0x9: {  	s13 =	simm.s32 $0x0;
	[smem:$0x7FF] =	sst s5;
	s6 =	sand.u32 $0x1, s6  }
0xa: {  	s7 =	sshll.u32 s12, $0xB;
	s9 =	sshll.u32 s12, $0xA;
	s10 =	sadd.s32 $0x150000, s0  }
0xb: {  	s23 =	sadd.s32 $0x152000, s0;
	s11 =	sshll.u32 s12, $0x10;
	s26 =	sshll.u32 s12, $0x6  }
0xc: {  	s12 =	simm.s32 $0xC;
	_ =	strace $0x8000004A;
	[dreg:$0x6] =	wrdreg s10  }
0xd: {  	s8 =	sshll.u32 s6, $0xA;
	s21 =	sshll.u32 s6, $0xE;
	[dreg:$0x7] =	wrdreg s23  }
0xe: {  	s6 =	ssub.s32 $0x2, s6;
	s11 =	sadd.s32 s11, s2;
	s23 =	simm.s32 $0x9  }
0xf: {  	s7 =	sor.u32 s8, s7;
	s22 =	sor.u32 s9, s21;
	s25 =	sshrl.u32 s6, $0x1  }
0x10: {  	s8 =	sor.u32 $0x1C0D, s26;
	s9 =	sadd.s32 s9, s3;
	s14 =	sshrl.u32 s11, $0x3  }
0x11: {  	s26 =	simm.s32 $0xC000;
	s21 =	simm.s32 $0x5;
	s11 =	simm.s32 $0x8  }
0x12: {  	s7 =	sadd.s32 s7, s0;
	s24 =	sshrl.u32 s22, $0x3;
	s6 =	ssub.s32 s6, s25  }
0x13: {  	s10 =	sshll.u32 s22, $0x3;
	s16 =	sshrl.u32 s9, $0x3;
	s22 =	simm.s32 $0x8000  }
0x14: {  	s25 =	simm.s32 $0x1;
	s9 =	simm.s32 $0x7;
	s29 =	sadd.s32 $0x148000, s7  }
0x15: {  	s0 =	sadd.s32 s24, s0;
	s7 =	sadd.s32 $0x140000, s7;
	[dreg:$0x8] =	wrdreg s29  }
0x16: {  	s4 =	sadd.s32 s4, s10;
	s31 =	smax.u32 s6, $0x1;
	[dreg:$0x9] =	wrdreg s7  }
0x17: {  	s24 =	simm.s32 $0xA000;
	s6 =	simm.s32 $0x6;
	[dreg:$0xa] =	wrdreg s4  }
0x18: {  	s10 =	simm.s32 $0xB;
	s0 =	sadd.s32 $0x152200, s0;
	[dreg:$0xc] =	wrdreg s31  }
0x19: {  	v0 =	vimm.f32 $1.000000000e+00;
	s7 =	simm.s32 $0xA;
	[dreg:$0xb] =	wrdreg s0;
	s0 =	simm.s32 $0x4  }
.LBB2_1:
0x1a: {  	s4 =	rddreg [dreg:$0x6]  }
0x1b: {  	[spmem:s14], [sflag:s8] =	dma.local [hbm:s4], $0x2000  }
0x1c: {  	_ =	swait.ge [sflag:s15], $0x2000  }
0x1d: {  	[sflag:s15] =	ssyncset.done $0x0  }
0x1e: {  	s4 =	rddreg [dreg:$0x7];
	[sflag:s15] =	ssyncadd.s32 $0xFFFFE000  }
0x1f: {  	[spmem:s16], [sflag:s8] =	dma.local [hbm:s4], $0x80  }
0x20: {  	_ =	swait.ge [sflag:s15], $0x80  }
0x21: {  	[sflag:s15] =	ssyncset.done $0x0  }
0x22: {  	[sflag:s15] =	ssyncadd.s32 $0xFFFFFF80  }
0x23: {  	[tilespmem:$0xC000] =	vst v0  }
0x24: {  	[tilespmem:$0xC010] =	vst v0  }
0x25: {  	[tilespmem:$0xC020] =	vst v0  }
0x26: {  	[tilespmem:$0xC030] =	vst v0  }
0x27: {  	[tilespmem:$0xC040] =	vst v0  }
0x28: {  	[tilespmem:$0xC050] =	vst v0  }
0x29: {  	[tilespmem:$0xC060] =	vst v0  }
0x2a: {  	s4 =	rddreg [dreg:$0x8];
	[tilespmem:$0xC070] =	vst v0  }
0x2b: {  	[tilespmem:s5], [sflag:$0xD] =	stream.linear.gather [hbm4b:s4+s5], $0x2000, $0x38;
	[tilespmem:$0x1C480] =	vst v63  }
0x2c: {  	_ =	swait.ge [sflag:s15], $0x2000  }
0x2d: {  	[sflag:s15] =	ssyncset.done $0x0  }
0x2e: {  	s4 =	rddreg [dreg:$0x9];
	[sflag:s15] =	ssyncadd.s32 $0xFFFFE000  }
0x2f: {  	[tilespmem:s17], [sflag:$0xD] =	stream.linear.gather [hbm4b:s4+s5], $0x2000, $0x38;
	[tilespmem:$0x1C480] =	vst v63  }
0x30: {  	_ =	swait.ge [sflag:s15], $0x2000  }
0x31: {  	[sflag:s15] =	ssyncset.done $0x0  }
0x32: {  	[sflag:s15] =	ssyncadd.s32 $0xFFFFE000  }
0x33: {  	[bflag:$0x0] =	sbarrier.arrive $0xFFFF  }
0x34: {  	[tilespmem:s19], [sflag:$0x1] =	stream.indirect.gather [hbm4b:s1+s18], $0x40, s5, s18, $0xb8;
	[tilespmem:$0x1C480] =	vst v63  }
0x35: {  	_ = 	snop  }
0x36: {  	[tilespmem:s20], [sflag:$0x2] =	stream.indirect.gather [hbm4b:s1+s18], $0x40, s18, s18, $0xb8;
	[tilespmem:$0x1C480] =	vst v63  }
0x37: {  	s4 =	simm.s32 $0x100  }
0x38: {  	[tilespmem:s22], [sflag:$0x3] =	stream.indirect.gather [hbm4b:s1+s18], $0x40, s4, s18, $0xb8;
	[tilespmem:$0x1C480] =	vst v63  }
0x39: {  	s4 =	simm.s32 $0x180  }
0x3a: {  	[tilespmem:s24], [sflag:$0x4] =	stream.indirect.gather [hbm4b:s1+s18], $0x40, s4, s18, $0xb8;
	[tilespmem:$0x1C480] =	vst v63  }
0x3b: {  	_ =	swait.ge [sflag:s25], $0x2000  }
0x3c: {  	[sflag:s25] =	ssyncset.done $0x0  }
0x3d: {  	[sflag:s25] =	ssyncadd.s32 $0xFFFFE000  }
0x3e: {  	[spmem:s2] =	stream.indirect.scatter.add.f32 [tilespmem:s19], [sflag:$0x5], $0x40, s17, s18, $0xb8;
	[tilespmem:$0x1C480] =	vst v63  }
0x3f: {  	_ = 	snop  }
0x40: {  	[spmem:s3] =	stream.indirect.scatter.add.f32 [tilespmem:s26], [sflag:$0x9], $0x1, s17, s18, $0xb8;
	[tilespmem:$0x1C480] =	vst v63  }
0x41: {  	_ =	swait.ge [sflag:s28], $0x2000  }
0x42: {  	[sflag:s28] =	ssyncset.done $0x0  }
0x43: {  	s4 =	simm.s32 $0x2080;
	[sflag:s28] =	ssyncadd.s32 $0xFFFFE000  }
0x44: {  	[spmem:s2] =	stream.indirect.scatter.add.f32 [tilespmem:s20], [sflag:$0x6], $0x40, s4, s18, $0xb8;
	[tilespmem:$0x1C480] =	vst v63  }
0x45: {  	_ = 	snop  }
0x46: {  	[spmem:s3] =	stream.indirect.scatter.add.f32 [tilespmem:s26], [sflag:$0xA], $0x1, s4, s18, $0xb8;
	[tilespmem:$0x1C480] =	vst v63  }
0x47: {  	_ =	swait.ge [sflag:s30], $0x2000  }
0x48: {  	[sflag:s30] =	ssyncset.done $0x0  }
0x49: {  	s4 =	simm.s32 $0x2100;
	[sflag:s30] =	ssyncadd.s32 $0xFFFFE000  }
0x4a: {  	[spmem:s2] =	stream.indirect.scatter.add.f32 [tilespmem:s22], [sflag:$0x7], $0x40, s4, s18, $0xb8;
	[tilespmem:$0x1C480] =	vst v63  }
0x4b: {  	_ = 	snop  }
0x4c: {  	[spmem:s3] =	stream.indirect.scatter.add.f32 [tilespmem:s26], [sflag:$0xB], $0x1, s4, s18, $0xb8;
	[tilespmem:$0x1C480] =	vst v63  }
0x4d: {  	_ =	swait.ge [sflag:s0], $0x2000  }
0x4e: {  	[sflag:s0] =	ssyncset.done $0x0  }
0x4f: {  	s4 =	simm.s32 $0x2180;
	[sflag:s0] =	ssyncadd.s32 $0xFFFFE000  }
0x50: {  	[spmem:s2] =	stream.indirect.scatter.add.f32 [tilespmem:s24], [sflag:$0x8], $0x40, s4, s18, $0xb8;
	[tilespmem:$0x1C480] =	vst v63  }
0x51: {  	_ = 	snop  }
0x52: {  	[spmem:s3] =	stream.indirect.scatter.add.f32 [tilespmem:s26], [sflag:$0xC], $0x1, s4, s18, $0xb8;
	[tilespmem:$0x1C480] =	vst v63  }
0x53: {  	_ =	swait.ge [sflag:s21], $0x2000  }
0x54: {  	[sflag:s21] =	ssyncset.done $0x0  }
0x55: {  	[sflag:s21] =	ssyncadd.s32 $0xFFFFE000  }
0x56: {  	_ =	swait.ge [sflag:s23], $0x80  }
0x57: {  	[sflag:s23] =	ssyncset.done $0x0  }
0x58: {  	s29 =	simm.s32 $0x200;
	[sflag:s23] =	ssyncadd.s32 $0xFFFFFF80  }
0x59: {  	[tilespmem:s19], [sflag:$0x1] =	stream.indirect.gather [hbm4b:s1+s18], $0x40, s29, s18, $0xb8;
	[tilespmem:$0x1C480] =	vst v63  }
0x5a: {  	_ =	swait.ge [sflag:s6], $0x2000  }
0x5b: {  	[sflag:s6] =	ssyncset.done $0x0  }
0x5c: {  	[sflag:s6] =	ssyncadd.s32 $0xFFFFE000  }
0x5d: {  	_ =	swait.ge [sflag:s7], $0x80  }
0x5e: {  	[sflag:s7] =	ssyncset.done $0x0  }
0x5f: {  	s29 =	simm.s32 $0x280;
	[sflag:s7] =	ssyncadd.s32 $0xFFFFFF80  }
0x60: {  	[tilespmem:s20], [sflag:$0x2] =	stream.indirect.gather [hbm4b:s1+s18], $0x40, s29, s18, $0xb8;
	[tilespmem:$0x1C480] =	vst v63  }
0x61: {  	_ =	swait.ge [sflag:s9], $0x2000  }
0x62: {  	[sflag:s9] =	ssyncset.done $0x0  }
0x63: {  	[sflag:s9] =	ssyncadd.s32 $0xFFFFE000  }
0x64: {  	_ =	swait.ge [sflag:s10], $0x80  }
0x65: {  	[sflag:s10] =	ssyncset.done $0x0  }
0x66: {  	s29 =	simm.s32 $0x300;
	[sflag:s10] =	ssyncadd.s32 $0xFFFFFF80  }
0x67: {  	[tilespmem:s22], [sflag:$0x3] =	stream.indirect.gather [hbm4b:s1+s18], $0x40, s29, s18, $0xb8;
	[tilespmem:$0x1C480] =	vst v63  }
0x68: {  	_ =	swait.ge [sflag:s11], $0x2000  }
0x69: {  	[sflag:s11] =	ssyncset.done $0x0  }
0x6a: {  	[sflag:s11] =	ssyncadd.s32 $0xFFFFE000  }
0x6b: {  	_ =	swait.ge [sflag:s12], $0x80  }
0x6c: {  	[sflag:s12] =	ssyncset.done $0x0  }
0x6d: {  	s29 =	simm.s32 $0x380;
	[sflag:s12] =	ssyncadd.s32 $0xFFFFFF80  }
0x6e: {  	[tilespmem:s24], [sflag:$0x4] =	stream.indirect.gather [hbm4b:s1+s18], $0x40, s29, s18, $0xb8;
	[tilespmem:$0x1C480] =	vst v63  }
0x6f: {  	_ =	swait.ge [sflag:s25], $0x2000  }
0x70: {  	[sflag:s25] =	ssyncset.done $0x0  }
0x71: {  	s29 =	simm.s32 $0x2200;
	[sflag:s25] =	ssyncadd.s32 $0xFFFFE000  }
0x72: {  	[spmem:s2] =	stream.indirect.scatter.add.f32 [tilespmem:s19], [sflag:$0x5], $0x40, s29, s18, $0xb8;
	[tilespmem:$0x1C480] =	vst v63  }
0x73: {  	_ = 	snop  }
0x74: {  	[spmem:s3] =	stream.indirect.scatter.add.f32 [tilespmem:s26], [sflag:$0x9], $0x1, s29, s18, $0xb8;
	[tilespmem:$0x1C480] =	vst v63  }
0x75: {  	_ =	swait.ge [sflag:s28], $0x2000  }
0x76: {  	[sflag:s28] =	ssyncset.done $0x0  }
0x77: {  	s29 =	simm.s32 $0x2280;
	[sflag:s28] =	ssyncadd.s32 $0xFFFFE000  }
0x78: {  	[spmem:s2] =	stream.indirect.scatter.add.f32 [tilespmem:s20], [sflag:$0x6], $0x40, s29, s18, $0xb8;
	[tilespmem:$0x1C480] =	vst v63  }
0x79: {  	_ = 	snop  }
0x7a: {  	[spmem:s3] =	stream.indirect.scatter.add.f32 [tilespmem:s26], [sflag:$0xA], $0x1, s29, s18, $0xb8;
	[tilespmem:$0x1C480] =	vst v63  }
0x7b: {  	_ =	swait.ge [sflag:s30], $0x2000  }
0x7c: {  	[sflag:s30] =	ssyncset.done $0x0  }
0x7d: {  	s29 =	simm.s32 $0x2300;
	[sflag:s30] =	ssyncadd.s32 $0xFFFFE000  }
0x7e: {  	[spmem:s2] =	stream.indirect.scatter.add.f32 [tilespmem:s22], [sflag:$0x7], $0x40, s29, s18, $0xb8;
	[tilespmem:$0x1C480] =	vst v63  }
0x7f: {  	_ = 	snop  }
0x80: {  	[spmem:s3] =	stream.indirect.scatter.add.f32 [tilespmem:s26], [sflag:$0xB], $0x1, s29, s18, $0xb8;
	[tilespmem:$0x1C480] =	vst v63  }
0x81: {  	_ =	swait.ge [sflag:s0], $0x2000  }
0x82: {  	[sflag:s0] =	ssyncset.done $0x0  }
0x83: {  	s31 =	simm.s32 $0x2380;
	s29 =	simm.s32 $0x800;
	[sflag:s0] =	ssyncadd.s32 $0xFFFFE000  }
0x84: {  	[spmem:s2] =	stream.indirect.scatter.add.f32 [tilespmem:s24], [sflag:$0x8], $0x40, s31, s18, $0xb8;
	[tilespmem:$0x1C480] =	vst v63  }
.LBB2_2:
0x85: {  	[spmem:s3] =	stream.indirect.scatter.add.f32 [tilespmem:s26], [sflag:$0xC], $0x1, s31, s18, $0xb8;
	[tilespmem:$0x1C480] =	vst v63  }
0x86: {  	s31 =	smov.u32 s29  }
0x87: {  	p0 =	sne.s32 s29, $0x7000;
	s29 =	sadd.s32 $0x800, s29;
	_ =	swait.ge [sflag:s21], $0x2000  }
0x88: {  	[sflag:s21] =	ssyncset.done $0x0  }
0x89: {  	[sflag:s21] =	ssyncadd.s32 $0xFFFFE000  }
0x8a: {  	_ =	swait.ge [sflag:s23], $0x80  }
0x8b: {  	s31 =	sshra.s32 s31, $0x2;
	[sflag:s23] =	ssyncset.done $0x0  }
0x8c: {  	s4 =	sadd.s32 $0x200, s31;
	[sflag:s23] =	ssyncadd.s32 $0xFFFFFF80  }
0x8d: {  	[tilespmem:s19], [sflag:$0x1] =	stream.indirect.gather [hbm4b:s1+s18], $0x40, s4, s18, $0xb8;
	[tilespmem:$0x1C480] =	vst v63  }
0x8e: {  	_ =	swait.ge [sflag:s6], $0x2000  }
0x8f: {  	[sflag:s6] =	ssyncset.done $0x0  }
0x90: {  	[sflag:s6] =	ssyncadd.s32 $0xFFFFE000  }
0x91: {  	_ =	swait.ge [sflag:s7], $0x80  }
0x92: {  	[sflag:s7] =	ssyncset.done $0x0  }
0x93: {  	s4 =	sadd.s32 $0x280, s31;
	[sflag:s7] =	ssyncadd.s32 $0xFFFFFF80  }
0x94: {  	[tilespmem:s20], [sflag:$0x2] =	stream.indirect.gather [hbm4b:s1+s18], $0x40, s4, s18, $0xb8;
	[tilespmem:$0x1C480] =	vst v63  }
0x95: {  	_ =	swait.ge [sflag:s9], $0x2000  }
0x96: {  	[sflag:s9] =	ssyncset.done $0x0  }
0x97: {  	[sflag:s9] =	ssyncadd.s32 $0xFFFFE000  }
0x98: {  	_ =	swait.ge [sflag:s10], $0x80  }
0x99: {  	[sflag:s10] =	ssyncset.done $0x0  }
0x9a: {  	s4 =	sadd.s32 $0x300, s31;
	[sflag:s10] =	ssyncadd.s32 $0xFFFFFF80  }
0x9b: {  	[tilespmem:s22], [sflag:$0x3] =	stream.indirect.gather [hbm4b:s1+s18], $0x40, s4, s18, $0xb8;
	[tilespmem:$0x1C480] =	vst v63  }
0x9c: {  	_ =	swait.ge [sflag:s11], $0x2000  }
0x9d: {  	[sflag:s11] =	ssyncset.done $0x0  }
0x9e: {  	[sflag:s11] =	ssyncadd.s32 $0xFFFFE000  }
0x9f: {  	_ =	swait.ge [sflag:s12], $0x80  }
0xa0: {  	[sflag:s12] =	ssyncset.done $0x0  }
0xa1: {  	s4 =	sadd.s32 $0x380, s31;
	[sflag:s12] =	ssyncadd.s32 $0xFFFFFF80  }
0xa2: {  	[tilespmem:s24], [sflag:$0x4] =	stream.indirect.gather [hbm4b:s1+s18], $0x40, s4, s18, $0xb8;
	[tilespmem:$0x1C480] =	vst v63  }
0xa3: {  	_ =	swait.ge [sflag:s25], $0x2000  }
0xa4: {  	[sflag:s25] =	ssyncset.done $0x0  }
0xa5: {  	s4 =	sadd.s32 $0x2200, s31;
	[sflag:s25] =	ssyncadd.s32 $0xFFFFE000  }
0xa6: {  	[spmem:s2] =	stream.indirect.scatter.add.f32 [tilespmem:s19], [sflag:$0x5], $0x40, s4, s18, $0xb8;
	[tilespmem:$0x1C480] =	vst v63  }
0xa7: {  	_ = 	snop  }
0xa8: {  	[spmem:s3] =	stream.indirect.scatter.add.f32 [tilespmem:s26], [sflag:$0x9], $0x1, s4, s18, $0xb8;
	[tilespmem:$0x1C480] =	vst v63  }
0xa9: {  	_ =	swait.ge [sflag:s28], $0x2000  }
0xaa: {  	[sflag:s28] =	ssyncset.done $0x0  }
0xab: {  	s4 =	sadd.s32 $0x2280, s31;
	[sflag:s28] =	ssyncadd.s32 $0xFFFFE000  }
0xac: {  	[spmem:s2] =	stream.indirect.scatter.add.f32 [tilespmem:s20], [sflag:$0x6], $0x40, s4, s18, $0xb8;
	[tilespmem:$0x1C480] =	vst v63  }
0xad: {  	_ = 	snop  }
0xae: {  	[spmem:s3] =	stream.indirect.scatter.add.f32 [tilespmem:s26], [sflag:$0xA], $0x1, s4, s18, $0xb8;
	[tilespmem:$0x1C480] =	vst v63  }
0xaf: {  	_ =	swait.ge [sflag:s30], $0x2000  }
0xb0: {  	[sflag:s30] =	ssyncset.done $0x0  }
0xb1: {  	s4 =	sadd.s32 $0x2300, s31;
	[sflag:s30] =	ssyncadd.s32 $0xFFFFE000  }
0xb2: {  	[spmem:s2] =	stream.indirect.scatter.add.f32 [tilespmem:s22], [sflag:$0x7], $0x40, s4, s18, $0xb8;
	[tilespmem:$0x1C480] =	vst v63  }
0xb3: {  	_ = 	snop  }
0xb4: {  	[spmem:s3] =	stream.indirect.scatter.add.f32 [tilespmem:s26], [sflag:$0xB], $0x1, s4, s18, $0xb8;
	[tilespmem:$0x1C480] =	vst v63  }
.Ltmp0:
0xb5: {  	_ = 	snop;
	(pc) =	sbr.rel @p0 .LBB2_2-.Ltmp0, $4  }
0xb6: {  	_ =	swait.ge [sflag:s0], $0x2000  }
0xb7: {  	[sflag:s0] =	ssyncset.done $0x0  }
0xb8: {  	s31 =	sadd.s32 $0x2380, s31;
	[sflag:s0] =	ssyncadd.s32 $0xFFFFE000  }
0xb9: {  	[spmem:s2] =	stream.indirect.scatter.add.f32 [tilespmem:s24], [sflag:$0x8], $0x40, s31, s18, $0xb8;
	[tilespmem:$0x1C480] =	vst v63  }
0xba: {  	[spmem:s3] =	stream.indirect.scatter.add.f32 [tilespmem:s26], [sflag:$0xC], $0x1, s31, s18, $0xb8;
	[tilespmem:$0x1C480] =	vst v63  }
0xbb: {  	_ =	swait.ge [sflag:s21], $0x2000  }
0xbc: {  	[sflag:s21] =	ssyncset.done $0x0  }
0xbd: {  	[sflag:s21] =	ssyncadd.s32 $0xFFFFE000  }
0xbe: {  	_ =	swait.ge [sflag:s23], $0x80  }
0xbf: {  	[sflag:s23] =	ssyncset.done $0x0  }
0xc0: {  	[sflag:s23] =	ssyncadd.s32 $0xFFFFFF80  }
0xc1: {  	_ =	swait.ge [sflag:s6], $0x2000  }
0xc2: {  	[sflag:s6] =	ssyncset.done $0x0  }
0xc3: {  	[sflag:s6] =	ssyncadd.s32 $0xFFFFE000  }
0xc4: {  	_ =	swait.ge [sflag:s7], $0x80  }
0xc5: {  	[sflag:s7] =	ssyncset.done $0x0  }
0xc6: {  	[sflag:s7] =	ssyncadd.s32 $0xFFFFFF80  }
0xc7: {  	_ =	swait.ge [sflag:s9], $0x2000  }
0xc8: {  	[sflag:s9] =	ssyncset.done $0x0  }
0xc9: {  	[sflag:s9] =	ssyncadd.s32 $0xFFFFE000  }
0xca: {  	_ =	swait.ge [sflag:s10], $0x80  }
0xcb: {  	[sflag:s10] =	ssyncset.done $0x0  }
0xcc: {  	[sflag:s10] =	ssyncadd.s32 $0xFFFFFF80  }
0xcd: {  	_ =	swait.ge [sflag:s11], $0x2000  }
0xce: {  	[sflag:s11] =	ssyncset.done $0x0  }
0xcf: {  	[sflag:s11] =	ssyncadd.s32 $0xFFFFE000  }
0xd0: {  	_ =	swait.ge [sflag:s12], $0x80  }
0xd1: {  	[sflag:s12] =	ssyncset.done $0x0  }
0xd2: {  	[sflag:s12] =	ssyncadd.s32 $0xFFFFFF80  }
0xd3: {  	[bflag:$0x0] =	sbarrier.arrive $0xFFFF  }
0xd4: {  	s4 =	rddreg [dreg:$0xa]  }
0xd5: {  	[hbm:s4], [sflag:s8] =	dma.local [spmem:s14], $0x2000  }
0xd6: {  	_ =	swait.ge [sflag:s15], $0x2000  }
0xd7: {  	[sflag:s15] =	ssyncset.done $0x0  }
0xd8: {  	s29 =	rddreg [dreg:$0xb];
	[sflag:s15] =	ssyncadd.s32 $0xFFFFE000  }
0xd9: {  	[hbm:s29], [sflag:s8] =	dma.local [spmem:s16], $0x80  }
0xda: {  	_ =	swait.ge [sflag:s15], $0x80  }
0xdb: {  	s13 =	sadd.s32 $0x1, s13;
	s31 =	rddreg [dreg:$0xc]  }
0xdc: {  	p0 =	sne.s32 s13, s31  }
.Ltmp1:
0xdd: {  	_ = 	snop;
	(pc) =	sbr.rel @p0 .LBB2_1-.Ltmp1, $3  }
0xde: {  	_ =	sdelay $0x1  }
0xdf: {  	[sflag:s15] =	ssyncset.done $0x0  }
0xe0: {  	[sflag:s15] =	ssyncadd.s32 $0xFFFFFF80  }
0xe1: {  	_ =	sfence.sel $0x180000  }
0xe2: {  	[bflag:$0x0] =	sbarrier.arrive $0xFFFF  }
0xe3: {  	_ =	strace $0x9000004A  }
0xe4: {  	s0 =	stileid.u32;
	[bflag:$0x2] =	sbarrier.arrive $0xFFFF  }
0xe5: {  	p0 =	sne.s32 s0, $0x0;
	s0 =	rddreg [dreg:$0x5]  }
0xe6: {  	s0 =	sadd.s32 @!p0 $0x100000, s0  }
0xe7: {  	[sflag:s0] =	ssyncadd.tile.s32 @!p0 $0x1;
	_ =	shalt  }
.Lfunc_end2:
_tile_overlayer_lowered:
.L_overlay_start_2:
0xe8: {  	(tag) =	ssettag $0x2  }
0xe9: {  	s0 =	rddreg [dreg:$0x0];
	s2 =	stileid.u32  }
0xea: {  	s1 =	rddreg [dreg:$0x1];
	p0 =	sne.s32 s2, $0x0  }
0xeb: {  	s3 =	rddreg [dreg:$0x2];
	[bflag:$0x3] =	sbarrier.arrive $0xFFFF;
	s2 =	simm.s32 @!p0 $0x1C0D  }
0xec: {  	[timem:s3], [sflag:s2] =	dma.local @!p0 [hbm:s0], s1  }
0xed: {  	s0 =	simm.s32 @!p0 $0xD  }
0xee: {  	_ =	swait.ge @!p0 [sflag:s0], s1  }
0xef: {  	s1 =	ssub.s32 @!p0 $0x0, s1;
	[sflag:s0] =	ssyncset.done @!p0 $0x0  }
0xf0: {  	[sflag:s0] =	ssyncadd.s32 @!p0 s1  }
0xf1: {  	[bflag:$0x3] =	sbarrier.arrive $0xFFFF  }
0xf2: {  	_ =	shalt  }

</sc_bundles>
